<compile_context>
chip_gen: v7x
topology: tpu7x:2x2x1
jax: 0.10.2.dev20260603
libtpu: 0.0.44.dev20260713+nightly
codegen_flags: <defaults>
</compile_context>

<pallas_src>
import functools

import jax
import jax.numpy as jnp
from jax import lax
from jax.experimental import pallas as pl
from jax.experimental.pallas import tpu as pltpu
from jax.experimental.pallas import tpu_sc as plsc

B = 16
S = 2048
H = 32
KVH = 8
DH = 128
SLOTS = 32768
SCALE = 0.08838834764831845
GROUP = H // KVH
ROW = KVH * DH

NTILES = 32
CH = 32
CPB = S // CH
NSPLIT = 2
NBH = B // NSPLIT
NCAND = NBH * CPB // NTILES
CPT = NCAND // NBH
OFF = NTILES // NBH

SBLK = 512
NSB = S // SBLK

NEG = -1e30


def _sc_gather_body(b0, kc_hbm, vc_hbm, asl_hbm, lens_hbm, gk_hbm, gv_hbm,
                    idx_v, kbuf, vbuf, lens_v, sem_k, sem_v, sem_wk, sem_wv):
    t = lax.axis_index("s") * 2 + lax.axis_index("c")
    pltpu.sync_copy(lens_hbm, lens_v)
    lane = lax.iota(jnp.int32, 16)

    def body(i, carry):
        bb = i // CPT
        j = i % CPT
        c = lax.rem(t + NTILES - OFF * bb, NTILES) + NTILES * j
        b = b0 + bb
        lenb = jnp.sum(jnp.where(lane == b, lens_v[...], 0.0), axis=0)
        active = (c == 0) | (lenb > (c * CH).astype(jnp.float32))

        @pl.when(active)
        def _():
            s0 = c * CH
            pltpu.sync_copy(asl_hbm.at[pl.ds(b * S + s0, CH)], idx_v)
            ck = pltpu.async_copy(kc_hbm.at[idx_v], kbuf, sem_k)
            cv = pltpu.async_copy(vc_hbm.at[idx_v], vbuf, sem_v)
            ck.wait()
            wk = [pltpu.async_copy(kbuf.at[:, h, :],
                                   gk_hbm.at[bb, h, pl.ds(s0, CH), :],
                                   sem_wk)
                  for h in range(KVH)]
            cv.wait()
            wv = [pltpu.async_copy(vbuf.at[:, h, :],
                                   gv_hbm.at[bb, h, pl.ds(s0, CH), :],
                                   sem_wv)
                  for h in range(KVH)]
            for w in wk:
                w.wait()
            for w in wv:
                w.wait()

        return carry

    lax.fori_loop(0, NCAND, body, 0)


def _sc_gather(b0, kc, vc, asl_flat, lens_f):
    mesh = plsc.VectorSubcoreMesh(core_axis_name="c", subcore_axis_name="s")
    fn = pl.kernel(
        functools.partial(_sc_gather_body, b0),
        out_type=[jax.ShapeDtypeStruct((NBH, KVH, S, DH), jnp.float32),
                  jax.ShapeDtypeStruct((NBH, KVH, S, DH), jnp.float32)],
        mesh=mesh,
        scratch_types=[
            pltpu.VMEM((CH,), jnp.int32),
            pltpu.VMEM((CH, KVH, DH), jnp.float32),
            pltpu.VMEM((CH, KVH, DH), jnp.float32),
            pltpu.VMEM((B,), jnp.float32),
            pltpu.SemaphoreType.DMA,
            pltpu.SemaphoreType.DMA,
            pltpu.SemaphoreType.DMA,
            pltpu.SemaphoreType.DMA,
        ],
        compiler_params=pltpu.CompilerParams(needs_layout_passes=False),
        name=f"sc_gather_b{b0}",
    )
    return fn(kc, vc, asl_flat, lens_f)


def _tc_attend_body(lens_sref, q_ref, kn_ref, vn_ref, sm_ref, asl_ref,
                    gk_ref, gv_ref, out_ref, m_s, l_s, acc_s, c_s):
    b = pl.program_id(0)
    sb = pl.program_id(1)
    lenb = jnp.maximum(lens_sref[b], 1)
    nact = (lenb + SBLK - 1) // SBLK

    @pl.when(sb == 0)
    def _():
        m_s[...] = jnp.full((H, 1), -3e38, jnp.float32)
        l_s[...] = jnp.zeros((H, 1), jnp.float32)
        acc_s[...] = jnp.zeros((H, DH), jnp.float32)
        c_s[...] = jnp.zeros((H, 16), jnp.float32)

    @pl.when(sb < nact)
    def _():
        q_all = q_ref[0]
        asl = asl_ref[0]
        sm = sm_ref[...]

        onehot_b = sm == asl
        onehot = onehot_b.astype(jnp.float32)
        not_a = 1.0 - jnp.max(onehot, axis=0, keepdims=True)

        s_col = sb * SBLK + lax.broadcasted_iota(jnp.int32, (1, SBLK), 1)
        smask = s_col < lenb
        rowmask = (sb * SBLK
                   + lax.broadcasted_iota(jnp.int32, (SBLK, 1), 0)) < lenb

        dn = (((1,), (1,)), ((), ()))
        sc_parts = []
        for h in range(KVH):
            qg = q_all[h * GROUP:(h + 1) * GROUP]
            kh = gk_ref[0, h]
            knh = kn_ref[:, h, :]
            s_c = lax.dot_general(qg, kh, dn,
                                  preferred_element_type=jnp.float32)
            s_n = lax.dot_general(qg, knh, dn,
                                  preferred_element_type=jnp.float32)
            corr = lax.dot_general(
                s_n, onehot, (((1,), (0,)), ((), ())),
                preferred_element_type=jnp.float32)
            sc_parts.append(s_c * not_a + corr)
        scores = jnp.concatenate(sc_parts, axis=0) * SCALE
        scores = jnp.where(smask, scores, NEG)

        m_prev = m_s[...]
        m_new = jnp.maximum(m_prev, jnp.max(scores, axis=1, keepdims=True))
        alpha = jnp.exp(m_prev - m_new)
        p = jnp.exp(scores - m_new)
        l_s[...] = l_s[...] * alpha + jnp.sum(p, axis=1, keepdims=True)
        pmask = p * not_a

        o_parts = []
        c_parts = []
        for h in range(KVH):
            pg = pmask[h * GROUP:(h + 1) * GROUP]
            vh = jnp.where(rowmask, gv_ref[0, h], 0.0)
            o_parts.append(lax.dot_general(
                pg, vh, (((1,), (0,)), ((), ())),
                preferred_element_type=jnp.float32))
            c_parts.append(lax.dot_general(
                p[h * GROUP:(h + 1) * GROUP], onehot, dn,
                preferred_element_type=jnp.float32))
        o_add = jnp.concatenate(o_parts, axis=0)
        c_add = jnp.concatenate(c_parts, axis=0)
        acc_s[...] = acc_s[...] * alpha + o_add
        c_s[...] = c_s[...] * alpha + c_add
        m_s[...] = m_new

    @pl.when(sb == NSB - 1)
    def _():
        c_all = c_s[...]
        on_parts = []
        for h in range(KVH):
            vnh = vn_ref[:, h, :]
            on_parts.append(lax.dot_general(
                c_all[h * GROUP:(h + 1) * GROUP], vnh,
                (((1,), (0,)), ((), ())),
                preferred_element_type=jnp.float32))
        o_new = jnp.concatenate(on_parts, axis=0)
        out_ref[0] = (acc_s[...] + o_new) / l_s[...]


def _tc_attend(q3, kn, vn, sm2, asl3, gk3, gv3, context_lens):
    def clamp(sb, lens, b):
        nact = (jnp.maximum(lens[b], 1) + SBLK - 1) // SBLK
        return jnp.minimum(sb, nact - 1)

    grid_spec = pltpu.PrefetchScalarGridSpec(
        num_scalar_prefetch=1,
        grid=(NBH, NSB),
        in_specs=[
            pl.BlockSpec((1, H, DH), lambda b, sb, lens: (b, 0, 0)),
            pl.BlockSpec((B, KVH, DH), lambda b, sb, lens: (0, 0, 0)),
            pl.BlockSpec((B, KVH, DH), lambda b, sb, lens: (0, 0, 0)),
            pl.BlockSpec((16, 1), lambda b, sb, lens: (0, 0)),
            pl.BlockSpec((1, 1, SBLK),
                         lambda b, sb, lens: (b, 0, clamp(sb, lens, b))),
            pl.BlockSpec((1, KVH, SBLK, DH),
                         lambda b, sb, lens: (b, 0, clamp(sb, lens, b), 0)),
            pl.BlockSpec((1, KVH, SBLK, DH),
                         lambda b, sb, lens: (b, 0, clamp(sb, lens, b), 0)),
        ],
        out_specs=pl.BlockSpec((1, H, DH), lambda b, sb, lens: (b, 0, 0)),
        scratch_shapes=[
            pltpu.VMEM((H, 1), jnp.float32),
            pltpu.VMEM((H, 1), jnp.float32),
            pltpu.VMEM((H, DH), jnp.float32),
            pltpu.VMEM((H, 16), jnp.float32),
        ],
    )
    fn = pl.pallas_call(
        _tc_attend_body,
        grid_spec=grid_spec,
        out_shape=jax.ShapeDtypeStruct((NBH, H, DH), jnp.float32),
        compiler_params=pltpu.CompilerParams(
            dimension_semantics=("arbitrary", "arbitrary")),
    )
    return fn(context_lens, q3, kn, vn, sm2, asl3, gk3, gv3)


def kernel(q, k, v, k_cache, v_cache, slot_mapping, active_slots, context_lens):
    asl_flat = active_slots.reshape(B * S)
    lens_f = context_lens.astype(jnp.float32)
    sm2 = slot_mapping.reshape(16, 1)
    asl3 = active_slots.reshape(B, 1, S)
    gathered = [_sc_gather(b0, k_cache, v_cache, asl_flat, lens_f)
                for b0 in range(0, B, NBH)]
    outs = []
    for i, (gk, gv) in enumerate(gathered):
        b0 = i * NBH
        outs.append(_tc_attend(
            q[b0:b0 + NBH], k, v, sm2, asl3[b0:b0 + NBH], gk, gv,
            context_lens[b0:b0 + NBH]))
    return jnp.concatenate(outs, axis=0)

# --- scband reference (transcript-rebuilt; emitter-appended) ---
"""Pipeline reference for scband-attention-16784732193182 (READ-ONLY COPY).

The authoritative reference and input builder live on the scoring server;
editing this copy changes nothing except your own understanding.
"""

import jax, jax.numpy as jnp
import numpy as np

B = 16
S = 2048
H = 32
KVH = 8
DH = 128
SLOTS = 32768
SCALE = 0.08838834764831845
GROUP = H // KVH


def setup_inputs(seed: int = 0) -> dict:
    key = jax.random.key(seed)
    ks = jax.random.split(key, 7)
    q = jax.random.normal(ks[0], (B, H, DH), dtype=jnp.float32)
    k = jax.random.normal(ks[1], (B, KVH, DH), dtype=jnp.float32)
    v = jax.random.normal(ks[2], (B, KVH, DH), dtype=jnp.float32)
    k_cache = jax.random.normal(ks[3], (SLOTS, KVH, DH), dtype=jnp.float32)
    v_cache = jax.random.normal(ks[4], (SLOTS, KVH, DH), dtype=jnp.float32)
    slot_mapping = jnp.arange(B, dtype=jnp.int32)
    active_slots = jax.random.randint(ks[5], (B, S), 0, SLOTS, dtype=jnp.int32)
    context_lens = jax.random.randint(ks[6], (B,), 0, S, dtype=jnp.int32)
    return {"q": q, "k": k, "v": v, "k_cache": k_cache, "v_cache": v_cache,
            "slot_mapping": slot_mapping, "active_slots": active_slots,
            "context_lens": context_lens}


def reference(q, k, v, k_cache, v_cache, slot_mapping, active_slots, context_lens):
    # store_kvcache: scatter new k/v rows into the paged cache at slot_mapping
    k_cache = k_cache.at[slot_mapping].set(k)
    v_cache = v_cache.at[slot_mapping].set(v)
    # sparse read view: gather per-request active slots from the cache
    gk = k_cache[active_slots]  # [B, S, KVH, DH]
    gv = v_cache[active_slots]  # [B, S, KVH, DH]
    # GQA: each group of GROUP query heads shares one kv head (h -> h // GROUP)
    gk = jnp.repeat(gk, GROUP, axis=2)  # [B, S, H, DH]
    gv = jnp.repeat(gv, GROUP, axis=2)
    scores = jnp.einsum('bhd,bshd->bhs', q, gk) * SCALE  # [B, H, S]
    lens = jnp.maximum(context_lens, 1)
    mask = jnp.arange(S, dtype=jnp.int32)[None, None, :] < lens[:, None, None]
    scores = jnp.where(mask, scores, jnp.float32(-1e30))
    # flash-decode numerically-stable softmax (stage1 partials + stage2 merge == full softmax)
    m = jnp.max(scores, axis=-1, keepdims=True)
    p = jnp.exp(scores - m)
    p = p / jnp.sum(p, axis=-1, keepdims=True)
    o = jnp.einsum('bhs,bshd->bhd', p, gv)  # [B, H, DH]
    return o

if __name__ == "__main__":
    import jax
    _d = setup_inputs()
    print(jax.jit(kernel)(*tuple(_d.values())))

</pallas_src>

<mosaic_0001>
#map = affine_map<(d0, d1) -> (0, 0, 0)>
#map1 = affine_map<(d0, d1) -> (0)>
#map2 = affine_map<(d0, d1) -> (0, 0, 0, 0)>
module attributes {stable_mosaic.version = 14 : i64} {
  func.func @sc_gather_b0(%arg0: i32, %arg1: i32, %arg2: memref<32768x8x128xf32, #tpu.memory_space<hbm>>, %arg3: memref<32768x8x128xf32, #tpu.memory_space<hbm>>, %arg4: memref<32768xi32, #tpu.memory_space<hbm>>, %arg5: memref<16xf32, #tpu.memory_space<hbm>>, %arg6: memref<8x8x2048x128xf32, #tpu.memory_space<hbm>>, %arg7: memref<8x8x2048x128xf32, #tpu.memory_space<hbm>>, %arg8: memref<32xi32, #tpu.memory_space<vmem>>, %arg9: memref<32x8x128xf32, #tpu.memory_space<vmem>>, %arg10: memref<32x8x128xf32, #tpu.memory_space<vmem>>, %arg11: memref<16xf32, #tpu.memory_space<vmem>>, %arg12: memref<!tpu.dma_semaphore, #tpu.memory_space<semaphore_mem>>, %arg13: memref<!tpu.dma_semaphore, #tpu.memory_space<semaphore_mem>>, %arg14: memref<!tpu.dma_semaphore, #tpu.memory_space<semaphore_mem>>, %arg15: memref<!tpu.dma_semaphore, #tpu.memory_space<semaphore_mem>>) attributes {dimension_semantics = [#tpu.dimension_semantics<core_parallel>, #tpu.dimension_semantics<subcore_parallel>], iteration_bounds = array<i64: 2, 16>, scalar_prefetch = 0 : i64, scratch_operands = 8 : i64, tpu.core_type = #tpu.core_type<sc_vector_subcore>, window_params = [{transform_indices = #map}, {transform_indices = #map}, {transform_indices = #map1}, {transform_indices = #map1}, {transform_indices = #map2}, {transform_indices = #map2}]} {
    %mul3A = arith.constant 2 : i32
    %mul3A_0 = arith.muli %arg1, %mul3A : i32
    %add3A = arith.addi %mul3A_0, %arg0 : i32
    "tpu.region"() ({
      %run_scoped3A = tpu.sem_alloc : memref<!tpu.dma_semaphore, #tpu.memory_space<semaphore_mem>>
      tpu.enqueue_dma source(%arg5 : memref<16xf32, #tpu.memory_space<hbm>>) target(%arg11 : memref<16xf32, #tpu.memory_space<vmem>>) target_semaphore(%run_scoped3A : memref<!tpu.dma_semaphore, #tpu.memory_space<semaphore_mem>>)
      tpu.wait_dma2 semaphore(%run_scoped3A : memref<!tpu.dma_semaphore, #tpu.memory_space<semaphore_mem>>) src(%arg5 : memref<16xf32, #tpu.memory_space<hbm>>) dst(%arg11 : memref<16xf32, #tpu.memory_space<vmem>>)
      tpu.yield
    }) : () -> ()
    %iota3A = tpu.iota {dimensions = array<i32: 0>} : vector<16xi32>
    %scan3A = arith.constant 0 : i32
    %scan3A_1 = arith.constant 0 : i32
    %scan3A_2 = arith.constant 16 : i32
    %scan3A_3 = arith.addi %scan3A_1, %scan3A_2 : i32
    %scan3A_4 = arith.constant 1 : i32
    scf.for %scan3A_6 = %scan3A_1 to %scan3A_3 step %scan3A_4  : i32 {
      %jit3A = arith.constant 2 : i32
      %div3A = arith.divsi %scan3A_6, %jit3A : i32
      %sign3A = arith.constant 0 : i32
      %sign3A_7 = arith.cmpi sgt, %scan3A_6, %sign3A : i32
      %sign3A_8 = arith.extui %sign3A_7 : i1 to i32
      %sign3A_9 = arith.constant 0 : i32
      %sign3A_10 = arith.cmpi slt, %scan3A_6, %sign3A_9 : i32
      %sign3A_11 = arith.extui %sign3A_10 : i1 to i32
      %sign3A_12 = arith.subi %sign3A_8, %sign3A_11 : i32
      %sign3A_13 = arith.constant 0 : i32
      %sign3A_14 = arith.cmpi sgt, %jit3A, %sign3A_13 : i32
      %sign3A_15 = arith.extui %sign3A_14 : i1 to i32
      %sign3A_16 = arith.constant 0 : i32
      %sign3A_17 = arith.cmpi slt, %jit3A, %sign3A_16 : i32
      %sign3A_18 = arith.extui %sign3A_17 : i1 to i32
      %sign3A_19 = arith.subi %sign3A_15, %sign3A_18 : i32
      %ne3A = arith.cmpi ne, %sign3A_12, %sign3A_19 : i32
      %rem3A = arith.remsi %scan3A_6, %jit3A : i32
      %ne3A_20 = arith.constant 0 : i32
      %ne3A_21 = arith.cmpi ne, %rem3A, %ne3A_20 : i32
      %and3A = arith.andi %ne3A, %ne3A_21 : i1
      %sub3A = arith.constant 1 : i32
      %sub3A_22 = arith.subi %div3A, %sub3A : i32
      %select_n3A = arith.select %and3A, %sub3A_22, %div3A : i32
      %jit3A_23 = arith.constant 2 : i32
      %eq3A = arith.constant 0 : i32
      %eq3A_24 = arith.cmpi eq, %jit3A_23, %eq3A : i32
      %jit3A_25 = arith.constant 1 : i32
      %select_n3A_26 = arith.select %eq3A_24, %jit3A_25, %jit3A_23 : i32
      %rem3A_27 = arith.remsi %scan3A_6, %select_n3A_26 : i32
      %ne3A_28 = arith.constant 0 : i32
      %ne3A_29 = arith.cmpi ne, %rem3A_27, %ne3A_28 : i32
      %lt3A = arith.constant 0 : i32
      %lt3A_30 = arith.cmpi slt, %rem3A_27, %lt3A : i32
      %lt3A_31 = arith.constant 0 : i32
      %lt3A_32 = arith.cmpi slt, %select_n3A_26, %lt3A_31 : i32
      %ne3A_33 = arith.xori %lt3A_30, %lt3A_32 : i1
      %and3A_34 = arith.andi %ne3A_33, %ne3A_29 : i1
      %add3A_35 = arith.addi %rem3A_27, %select_n3A_26 : i32
      %select_n3A_36 = arith.select %and3A_34, %add3A_35, %rem3A_27 : i32
      %add3A_37 = arith.constant 32 : i32
      %add3A_38 = arith.addi %add3A, %add3A_37 : i32
      %mul3A_39 = arith.constant 4 : i32
      %mul3A_40 = arith.muli %mul3A_39, %select_n3A : i32
      %sub3A_41 = arith.subi %add3A_38, %mul3A_40 : i32
      %rem3A_42 = arith.constant 32 : i32
      %rem3A_43 = arith.remsi %sub3A_41, %rem3A_42 : i32
      %mul3A_44 = arith.constant 32 : i32
      %mul3A_45 = arith.muli %mul3A_44, %select_n3A_36 : i32
      %add3A_46 = arith.addi %rem3A_43, %mul3A_45 : i32
      %add3A_47 = arith.constant 0 : i32
      %add3A_48 = arith.addi %add3A_47, %select_n3A : i32
      %eq3A_49 = vector.broadcast %add3A_48 : i32 to vector<16xi32>
      %eq3A_50 = arith.cmpi eq, %iota3A, %eq3A_49 : vector<16xi32>
      %get3A = arith.constant 0 : index
      %get3A_51 = tpu.vector_load %arg11[%get3A] {strides = array<i32>} : memref<16xf32, #tpu.memory_space<vmem>>, vector<16xf32>,
      %jit3A_52 = arith.constant 0.000000e+00 : f32
      %broadcast_in_dim3A = vector.broadcast %jit3A_52 : f32 to vector<16xf32>
      %select_n3A_53 = arith.select %eq3A_50, %get3A_51, %broadcast_in_dim3A : vector<16xi1>, vector<16xf32>
      %reduce_sum3A = arith.constant true
      %reduce_sum3A_54 = vector.broadcast %reduce_sum3A : i1 to vector<16xi1>
      %reduce_sum3A_55 = tpu.scan <sum>, %select_n3A_53 masked %reduce_sum3A_54 : vector<16xf32>, vector<16xi1> -> vector<16xf32>
      %reduce_sum3A_56 = vector.extract %reduce_sum3A_55[15] : f32 from vector<16xf32>
      %eq3A_57 = arith.constant 0 : i32
      %eq3A_58 = arith.cmpi eq, %add3A_46, %eq3A_57 : i32
      %mul3A_59 = arith.constant 32 : i32
      %mul3A_60 = arith.muli %add3A_46, %mul3A_59 : i32
      %convert_element_type3A = arith.sitofp %mul3A_60 : i32 to f32
      %gt3A = arith.cmpf ogt, %reduce_sum3A_56, %convert_element_type3A : f32
      %or3A = arith.ori %eq3A_58, %gt3A : i1
      %convert_element_type3A_61 = arith.extui %or3A : i1 to i32
      %cond3A = arith.constant 0 : i32
      %cond3A_62 = arith.cmpi ne, %convert_element_type3A_61, %cond3A : i32
      scf.if %cond3A_62 {
        %mul3A_63 = arith.constant 32 : i32
        %mul3A_64 = arith.muli %add3A_46, %mul3A_63 : i32
        %mul3A_65 = arith.constant 2048 : i32
        %mul3A_66 = arith.muli %add3A_48, %mul3A_65 : i32
        %add3A_67 = arith.addi %mul3A_66, %mul3A_64 : i32
        "tpu.region"() ({
          %run_scoped3A = tpu.sem_alloc : memref<!tpu.dma_semaphore, #tpu.memory_space<semaphore_mem>>
          %dma_start3A_594 = tpu.memref_slice %arg4[%add3A_67] : memref<32768xi32, #tpu.memory_space<hbm>> -> memref<32xi32, #tpu.memory_space<hbm>>
          %dma_start3A_595 = tpu.memref_slice %arg4[%add3A_67] : memref<32768xi32, #tpu.memory_space<hbm>> -> memref<32xi32, #tpu.memory_space<hbm>>
          tpu.enqueue_dma source(%dma_start3A_595 : memref<32xi32, #tpu.memory_space<hbm>>) target(%arg8 : memref<32xi32, #tpu.memory_space<vmem>>) target_semaphore(%run_scoped3A : memref<!tpu.dma_semaphore, #tpu.memory_space<semaphore_mem>>)
          %dma_wait3A_596 = tpu.memref_slice %arg4[%add3A_67] : memref<32768xi32, #tpu.memory_space<hbm>> -> memref<32xi32, #tpu.memory_space<hbm>>
          %dma_wait3A_597 = tpu.memref_slice %arg4[%add3A_67] : memref<32768xi32, #tpu.memory_space<hbm>> -> memref<32xi32, #tpu.memory_space<hbm>>
          tpu.wait_dma2 semaphore(%run_scoped3A : memref<!tpu.dma_semaphore, #tpu.memory_space<semaphore_mem>>) src(%dma_wait3A_597 : memref<32xi32, #tpu.memory_space<hbm>>) dst(%arg8 : memref<32xi32, #tpu.memory_space<vmem>>)
          tpu.yield
        }) : () -> ()
        %dma_start3A = arith.constant 0 : i32
        %dma_start3A_68 = arith.constant 0 : i32
        %dma_start3A_69 = arith.constant 0 : i32
        %dma_start3A_70 = tpu.memref_slice %arg2[%dma_start3A, %dma_start3A_68, %dma_start3A_69] : memref<32768x8x128xf32, #tpu.memory_space<hbm>> -> memref<32768x8x128xf32, #tpu.memory_space<hbm>>
        tpu.enqueue_indirect_dma source(%dma_start3A_70 : memref<32768x8x128xf32, #tpu.memory_space<hbm>>) target(%arg9 : memref<32x8x128xf32, #tpu.memory_space<vmem>>) offsets(%arg8 : memref<32xi32, #tpu.memory_space<vmem>>) semaphore(%arg12 : memref<!tpu.dma_semaphore, #tpu.memory_space<semaphore_mem>>)
        %dma_start3A_71 = arith.constant 0 : i32
        %dma_start3A_72 = arith.constant 0 : i32
        %dma_start3A_73 = arith.constant 0 : i32
        %dma_start3A_74 = tpu.memref_slice %arg3[%dma_start3A_71, %dma_start3A_72, %dma_start3A_73] : memref<32768x8x128xf32, #tpu.memory_space<hbm>> -> memref<32768x8x128xf32, #tpu.memory_space<hbm>>
        tpu.enqueue_indirect_dma source(%dma_start3A_74 : memref<32768x8x128xf32, #tpu.memory_space<hbm>>) target(%arg10 : memref<32x8x128xf32, #tpu.memory_space<vmem>>) offsets(%arg8 : memref<32xi32, #tpu.memory_space<vmem>>) semaphore(%arg13 : memref<!tpu.dma_semaphore, #tpu.memory_space<semaphore_mem>>)
        %dma_wait3A = arith.constant 0 : i32
        %dma_wait3A_75 = arith.constant 0 : i32
        %dma_wait3A_76 = arith.constant 0 : i32
        %dma_wait3A_77 = tpu.memref_slice %arg2[%dma_wait3A, %dma_wait3A_75, %dma_wait3A_76] : memref<32768x8x128xf32, #tpu.memory_space<hbm>> -> memref<32768x8x128xf32, #tpu.memory_space<hbm>>
        tpu.wait_indirect_dma semaphore(%arg12 : memref<!tpu.dma_semaphore, #tpu.memory_space<semaphore_mem>>) src(%dma_wait3A_77 : memref<32768x8x128xf32, #tpu.memory_space<hbm>>) dst(%arg9 : memref<32x8x128xf32, #tpu.memory_space<vmem>>)
        %dma_start3A_78 = arith.constant 0 : i32
        %dma_start3A_79 = arith.constant 0 : i32
        %dma_start3A_80 = arith.constant 0 : i32
        %dma_start3A_81 = arith.constant 0 : i32
        %dma_start3A_82 = tpu.memref_slice %arg9[%dma_start3A_80, %dma_start3A_78, %dma_start3A_81] : memref<32x8x128xf32, #tpu.memory_space<vmem>> -> memref<32x1x128xf32, #tpu.memory_space<vmem>>
        %dma_start3A_83 = tpu.memref_squeeze %dma_start3A_82 : memref<32x1x128xf32, #tpu.memory_space<vmem>> -> memref<32x128xf32, #tpu.memory_space<vmem>>
        %dma_start3A_84 = arith.constant 0 : i32
        %dma_start3A_85 = tpu.memref_slice %arg6[%select_n3A, %dma_start3A_79, %mul3A_64, %dma_start3A_84] : memref<8x8x2048x128xf32, #tpu.memory_space<hbm>> -> memref<1x1x32x128xf32, #tpu.memory_space<hbm>>
        %dma_start3A_86 = tpu.memref_squeeze %dma_start3A_85 : memref<1x1x32x128xf32, #tpu.memory_space<hbm>> -> memref<32x128xf32, #tpu.memory_space<hbm>>
        %dma_start3A_87 = arith.constant 0 : i32
        %dma_start3A_88 = tpu.memref_slice %arg6[%select_n3A, %dma_start3A_79, %mul3A_64, %dma_start3A_87] : memref<8x8x2048x128xf32, #tpu.memory_space<hbm>> -> memref<1x1x32x128xf32, #tpu.memory_space<hbm>>
        %dma_start3A_89 = tpu.memref_squeeze %dma_start3A_88 : memref<1x1x32x128xf32, #tpu.memory_space<hbm>> -> memref<32x128xf32, #tpu.memory_space<hbm>>
        %dma_start3A_90 = arith.constant 0 : i32
        %dma_start3A_91 = arith.constant 0 : i32
        %dma_start3A_92 = tpu.memref_slice %arg9[%dma_start3A_90, %dma_start3A_78, %dma_start3A_91] : memref<32x8x128xf32, #tpu.memory_space<vmem>> -> memref<32x1x128xf32, #tpu.memory_space<vmem>>
        %dma_start3A_93 = tpu.memref_squeeze %dma_start3A_92 : memref<32x1x128xf32, #tpu.memory_space<vmem>> -> memref<32x128xf32, #tpu.memory_space<vmem>>
        tpu.enqueue_dma source(%dma_start3A_93 : memref<32x128xf32, #tpu.memory_space<vmem>>) target(%dma_start3A_89 : memref<32x128xf32, #tpu.memory_space<hbm>>) target_semaphore(%arg14 : memref<!tpu.dma_semaphore, #tpu.memory_space<semaphore_mem>>)
        %dma_start3A_94 = arith.constant 1 : i32
        %dma_start3A_95 = arith.constant 1 : i32
        %dma_start3A_96 = arith.constant 0 : i32
        %dma_start3A_97 = arith.constant 0 : i32
        %dma_start3A_98 = tpu.memref_slice %arg9[%dma_start3A_96, %dma_start3A_94, %dma_start3A_97] : memref<32x8x128xf32, #tpu.memory_space<vmem>> -> memref<32x1x128xf32, #tpu.memory_space<vmem>>
        %dma_start3A_99 = tpu.memref_squeeze %dma_start3A_98 : memref<32x1x128xf32, #tpu.memory_space<vmem>> -> memref<32x128xf32, #tpu.memory_space<vmem>>
        %dma_start3A_100 = arith.constant 0 : i32
        %dma_start3A_101 = tpu.memref_slice %arg6[%select_n3A, %dma_start3A_95, %mul3A_64, %dma_start3A_100] : memref<8x8x2048x128xf32, #tpu.memory_space<hbm>> -> memref<1x1x32x128xf32, #tpu.memory_space<hbm>>
        %dma_start3A_102 = tpu.memref_squeeze %dma_start3A_101 : memref<1x1x32x128xf32, #tpu.memory_space<hbm>> -> memref<32x128xf32, #tpu.memory_space<hbm>>
        %dma_start3A_103 = arith.constant 0 : i32
        %dma_start3A_104 = tpu.memref_slice %arg6[%select_n3A, %dma_start3A_95, %mul3A_64, %dma_start3A_103] : memref<8x8x2048x128xf32, #tpu.memory_space<hbm>> -> memref<1x1x32x128xf32, #tpu.memory_space<hbm>>
        %dma_start3A_105 = tpu.memref_squeeze %dma_start3A_104 : memref<1x1x32x128xf32, #tpu.memory_space<hbm>> -> memref<32x128xf32, #tpu.memory_space<hbm>>
        %dma_start3A_106 = arith.constant 0 : i32
        %dma_start3A_107 = arith.constant 0 : i32
        %dma_start3A_108 = tpu.memref_slice %arg9[%dma_start3A_106, %dma_start3A_94, %dma_start3A_107] : memref<32x8x128xf32, #tpu.memory_space<vmem>> -> memref<32x1x128xf32, #tpu.memory_space<vmem>>
        %dma_start3A_109 = tpu.memref_squeeze %dma_start3A_108 : memref<32x1x128xf32, #tpu.memory_space<vmem>> -> memref<32x128xf32, #tpu.memory_space<vmem>>
        tpu.enqueue_dma source(%dma_start3A_109 : memref<32x128xf32, #tpu.memory_space<vmem>>) target(%dma_start3A_105 : memref<32x128xf32, #tpu.memory_space<hbm>>) target_semaphore(%arg14 : memref<!tpu.dma_semaphore, #tpu.memory_space<semaphore_mem>>)
        %dma_start3A_110 = arith.constant 2 : i32
        %dma_start3A_111 = arith.constant 2 : i32
        %dma_start3A_112 = arith.constant 0 : i32
        %dma_start3A_113 = arith.constant 0 : i32
        %dma_start3A_114 = tpu.memref_slice %arg9[%dma_start3A_112, %dma_start3A_110, %dma_start3A_113] : memref<32x8x128xf32, #tpu.memory_space<vmem>> -> memref<32x1x128xf32, #tpu.memory_space<vmem>>
        %dma_start3A_115 = tpu.memref_squeeze %dma_start3A_114 : memref<32x1x128xf32, #tpu.memory_space<vmem>> -> memref<32x128xf32, #tpu.memory_space<vmem>>
        %dma_start3A_116 = arith.constant 0 : i32
        %dma_start3A_117 = tpu.memref_slice %arg6[%select_n3A, %dma_start3A_111, %mul3A_64, %dma_start3A_116] : memref<8x8x2048x128xf32, #tpu.memory_space<hbm>> -> memref<1x1x32x128xf32, #tpu.memory_space<hbm>>
        %dma_start3A_118 = tpu.memref_squeeze %dma_start3A_117 : memref<1x1x32x128xf32, #tpu.memory_space<hbm>> -> memref<32x128xf32, #tpu.memory_space<hbm>>
        %dma_start3A_119 = arith.constant 0 : i32
        %dma_start3A_120 = tpu.memref_slice %arg6[%select_n3A, %dma_start3A_111, %mul3A_64, %dma_start3A_119] : memref<8x8x2048x128xf32, #tpu.memory_space<hbm>> -> memref<1x1x32x128xf32, #tpu.memory_space<hbm>>
        %dma_start3A_121 = tpu.memref_squeeze %dma_start3A_120 : memref<1x1x32x128xf32, #tpu.memory_space<hbm>> -> memref<32x128xf32, #tpu.memory_space<hbm>>
        %dma_start3A_122 = arith.constant 0 : i32
        %dma_start3A_123 = arith.constant 0 : i32
        %dma_start3A_124 = tpu.memref_slice %arg9[%dma_start3A_122, %dma_start3A_110, %dma_start3A_123] : memref<32x8x128xf32, #tpu.memory_space<vmem>> -> memref<32x1x128xf32, #tpu.memory_space<vmem>>
        %dma_start3A_125 = tpu.memref_squeeze %dma_start3A_124 : memref<32x1x128xf32, #tpu.memory_space<vmem>> -> memref<32x128xf32, #tpu.memory_space<vmem>>
        tpu.enqueue_dma source(%dma_start3A_125 : memref<32x128xf32, #tpu.memory_space<vmem>>) target(%dma_start3A_121 : memref<32x128xf32, #tpu.memory_space<hbm>>) target_semaphore(%arg14 : memref<!tpu.dma_semaphore, #tpu.memory_space<semaphore_mem>>)
        %dma_start3A_126 = arith.constant 3 : i32
        %dma_start3A_127 = arith.constant 3 : i32
        %dma_start3A_128 = arith.constant 0 : i32
        %dma_start3A_129 = arith.constant 0 : i32
        %dma_start3A_130 = tpu.memref_slice %arg9[%dma_start3A_128, %dma_start3A_126, %dma_start3A_129] : memref<32x8x128xf32, #tpu.memory_space<vmem>> -> memref<32x1x128xf32, #tpu.memory_space<vmem>>
        %dma_start3A_131 = tpu.memref_squeeze %dma_start3A_130 : memref<32x1x128xf32, #tpu.memory_space<vmem>> -> memref<32x128xf32, #tpu.memory_space<vmem>>
        %dma_start3A_132 = arith.constant 0 : i32
        %dma_start3A_133 = tpu.memref_slice %arg6[%select_n3A, %dma_start3A_127, %mul3A_64, %dma_start3A_132] : memref<8x8x2048x128xf32, #tpu.memory_space<hbm>> -> memref<1x1x32x128xf32, #tpu.memory_space<hbm>>
        %dma_start3A_134 = tpu.memref_squeeze %dma_start3A_133 : memref<1x1x32x128xf32, #tpu.memory_space<hbm>> -> memref<32x128xf32, #tpu.memory_space<hbm>>
        %dma_start3A_135 = arith.constant 0 : i32
        %dma_start3A_136 = tpu.memref_slice %arg6[%select_n3A, %dma_start3A_127, %mul3A_64, %dma_start3A_135] : memref<8x8x2048x128xf32, #tpu.memory_space<hbm>> -> memref<1x1x32x128xf32, #tpu.memory_space<hbm>>
        %dma_start3A_137 = tpu.memref_squeeze %dma_start3A_136 : memref<1x1x32x128xf32, #tpu.memory_space<hbm>> -> memref<32x128xf32, #tpu.memory_space<hbm>>
        %dma_start3A_138 = arith.constant 0 : i32
        %dma_start3A_139 = arith.constant 0 : i32
        %dma_start3A_140 = tpu.memref_slice %arg9[%dma_start3A_138, %dma_start3A_126, %dma_start3A_139] : memref<32x8x128xf32, #tpu.memory_space<vmem>> -> memref<32x1x128xf32, #tpu.memory_space<vmem>>
        %dma_start3A_141 = tpu.memref_squeeze %dma_start3A_140 : memref<32x1x128xf32, #tpu.memory_space<vmem>> -> memref<32x128xf32, #tpu.memory_space<vmem>>
        tpu.enqueue_dma source(%dma_start3A_141 : memref<32x128xf32, #tpu.memory_space<vmem>>) target(%dma_start3A_137 : memref<32x128xf32, #tpu.memory_space<hbm>>) target_semaphore(%arg14 : memref<!tpu.dma_semaphore, #tpu.memory_space<semaphore_mem>>)
        %dma_start3A_142 = arith.constant 4 : i32
        %dma_start3A_143 = arith.constant 4 : i32
        %dma_start3A_144 = arith.constant 0 : i32
        %dma_start3A_145 = arith.constant 0 : i32
        %dma_start3A_146 = tpu.memref_slice %arg9[%dma_start3A_144, %dma_start3A_142, %dma_start3A_145] : memref<32x8x128xf32, #tpu.memory_space<vmem>> -> memref<32x1x128xf32, #tpu.memory_space<vmem>>
        %dma_start3A_147 = tpu.memref_squeeze %dma_start3A_146 : memref<32x1x128xf32, #tpu.memory_space<vmem>> -> memref<32x128xf32, #tpu.memory_space<vmem>>
        %dma_start3A_148 = arith.constant 0 : i32
        %dma_start3A_149 = tpu.memref_slice %arg6[%select_n3A, %dma_start3A_143, %mul3A_64, %dma_start3A_148] : memref<8x8x2048x128xf32, #tpu.memory_space<hbm>> -> memref<1x1x32x128xf32, #tpu.memory_space<hbm>>
        %dma_start3A_150 = tpu.memref_squeeze %dma_start3A_149 : memref<1x1x32x128xf32, #tpu.memory_space<hbm>> -> memref<32x128xf32, #tpu.memory_space<hbm>>
        %dma_start3A_151 = arith.constant 0 : i32
        %dma_start3A_152 = tpu.memref_slice %arg6[%select_n3A, %dma_start3A_143, %mul3A_64, %dma_start3A_151] : memref<8x8x2048x128xf32, #tpu.memory_space<hbm>> -> memref<1x1x32x128xf32, #tpu.memory_space<hbm>>
        %dma_start3A_153 = tpu.memref_squeeze %dma_start3A_152 : memref<1x1x32x128xf32, #tpu.memory_space<hbm>> -> memref<32x128xf32, #tpu.memory_space<hbm>>
        %dma_start3A_154 = arith.constant 0 : i32
        %dma_start3A_155 = arith.constant 0 : i32
        %dma_start3A_156 = tpu.memref_slice %arg9[%dma_start3A_154, %dma_start3A_142, %dma_start3A_155] : memref<32x8x128xf32, #tpu.memory_space<vmem>> -> memref<32x1x128xf32, #tpu.memory_space<vmem>>
        %dma_start3A_157 = tpu.memref_squeeze %dma_start3A_156 : memref<32x1x128xf32, #tpu.memory_space<vmem>> -> memref<32x128xf32, #tpu.memory_space<vmem>>
        tpu.enqueue_dma source(%dma_start3A_157 : memref<32x128xf32, #tpu.memory_space<vmem>>) target(%dma_start3A_153 : memref<32x128xf32, #tpu.memory_space<hbm>>) target_semaphore(%arg14 : memref<!tpu.dma_semaphore, #tpu.memory_space<semaphore_mem>>)
        %dma_start3A_158 = arith.constant 5 : i32
        %dma_start3A_159 = arith.constant 5 : i32
        %dma_start3A_160 = arith.constant 0 : i32
        %dma_start3A_161 = arith.constant 0 : i32
        %dma_start3A_162 = tpu.memref_slice %arg9[%dma_start3A_160, %dma_start3A_158, %dma_start3A_161] : memref<32x8x128xf32, #tpu.memory_space<vmem>> -> memref<32x1x128xf32, #tpu.memory_space<vmem>>
        %dma_start3A_163 = tpu.memref_squeeze %dma_start3A_162 : memref<32x1x128xf32, #tpu.memory_space<vmem>> -> memref<32x128xf32, #tpu.memory_space<vmem>>
        %dma_start3A_164 = arith.constant 0 : i32
        %dma_start3A_165 = tpu.memref_slice %arg6[%select_n3A, %dma_start3A_159, %mul3A_64, %dma_start3A_164] : memref<8x8x2048x128xf32, #tpu.memory_space<hbm>> -> memref<1x1x32x128xf32, #tpu.memory_space<hbm>>
        %dma_start3A_166 = tpu.memref_squeeze %dma_start3A_165 : memref<1x1x32x128xf32, #tpu.memory_space<hbm>> -> memref<32x128xf32, #tpu.memory_space<hbm>>
        %dma_start3A_167 = arith.constant 0 : i32
        %dma_start3A_168 = tpu.memref_slice %arg6[%select_n3A, %dma_start3A_159, %mul3A_64, %dma_start3A_167] : memref<8x8x2048x128xf32, #tpu.memory_space<hbm>> -> memref<1x1x32x128xf32, #tpu.memory_space<hbm>>
        %dma_start3A_169 = tpu.memref_squeeze %dma_start3A_168 : memref<1x1x32x128xf32, #tpu.memory_space<hbm>> -> memref<32x128xf32, #tpu.memory_space<hbm>>
        %dma_start3A_170 = arith.constant 0 : i32
        %dma_start3A_171 = arith.constant 0 : i32
        %dma_start3A_172 = tpu.memref_slice %arg9[%dma_start3A_170, %dma_start3A_158, %dma_start3A_171] : memref<32x8x128xf32, #tpu.memory_space<vmem>> -> memref<32x1x128xf32, #tpu.memory_space<vmem>>
        %dma_start3A_173 = tpu.memref_squeeze %dma_start3A_172 : memref<32x1x128xf32, #tpu.memory_space<vmem>> -> memref<32x128xf32, #tpu.memory_space<vmem>>
        tpu.enqueue_dma source(%dma_start3A_173 : memref<32x128xf32, #tpu.memory_space<vmem>>) target(%dma_start3A_169 : memref<32x128xf32, #tpu.memory_space<hbm>>) target_semaphore(%arg14 : memref<!tpu.dma_semaphore, #tpu.memory_space<semaphore_mem>>)
        %dma_start3A_174 = arith.constant 6 : i32
        %dma_start3A_175 = arith.constant 6 : i32
        %dma_start3A_176 = arith.constant 0 : i32
        %dma_start3A_177 = arith.constant 0 : i32
        %dma_start3A_178 = tpu.memref_slice %arg9[%dma_start3A_176, %dma_start3A_174, %dma_start3A_177] : memref<32x8x128xf32, #tpu.memory_space<vmem>> -> memref<32x1x128xf32, #tpu.memory_space<vmem>>
        %dma_start3A_179 = tpu.memref_squeeze %dma_start3A_178 : memref<32x1x128xf32, #tpu.memory_space<vmem>> -> memref<32x128xf32, #tpu.memory_space<vmem>>
        %dma_start3A_180 = arith.constant 0 : i32
        %dma_start3A_181 = tpu.memref_slice %arg6[%select_n3A, %dma_start3A_175, %mul3A_64, %dma_start3A_180] : memref<8x8x2048x128xf32, #tpu.memory_space<hbm>> -> memref<1x1x32x128xf32, #tpu.memory_space<hbm>>
        %dma_start3A_182 = tpu.memref_squeeze %dma_start3A_181 : memref<1x1x32x128xf32, #tpu.memory_space<hbm>> -> memref<32x128xf32, #tpu.memory_space<hbm>>
        %dma_start3A_183 = arith.constant 0 : i32
        %dma_start3A_184 = tpu.memref_slice %arg6[%select_n3A, %dma_start3A_175, %mul3A_64, %dma_start3A_183] : memref<8x8x2048x128xf32, #tpu.memory_space<hbm>> -> memref<1x1x32x128xf32, #tpu.memory_space<hbm>>
        %dma_start3A_185 = tpu.memref_squeeze %dma_start3A_184 : memref<1x1x32x128xf32, #tpu.memory_space<hbm>> -> memref<32x128xf32, #tpu.memory_space<hbm>>
        %dma_start3A_186 = arith.constant 0 : i32
        %dma_start3A_187 = arith.constant 0 : i32
        %dma_start3A_188 = tpu.memref_slice %arg9[%dma_start3A_186, %dma_start3A_174, %dma_start3A_187] : memref<32x8x128xf32, #tpu.memory_space<vmem>> -> memref<32x1x128xf32, #tpu.memory_space<vmem>>
        %dma_start3A_189 = tpu.memref_squeeze %dma_start3A_188 : memref<32x1x128xf32, #tpu.memory_space<vmem>> -> memref<32x128xf32, #tpu.memory_space<vmem>>
        tpu.enqueue_dma source(%dma_start3A_189 : memref<32x128xf32, #tpu.memory_space<vmem>>) target(%dma_start3A_185 : memref<32x128xf32, #tpu.memory_space<hbm>>) target_semaphore(%arg14 : memref<!tpu.dma_semaphore, #tpu.memory_space<semaphore_mem>>)
        %dma_start3A_190 = arith.constant 7 : i32
        %dma_start3A_191 = arith.constant 7 : i32
        %dma_start3A_192 = arith.constant 0 : i32
        %dma_start3A_193 = arith.constant 0 : i32
        %dma_start3A_194 = tpu.memref_slice %arg9[%dma_start3A_192, %dma_start3A_190, %dma_start3A_193] : memref<32x8x128xf32, #tpu.memory_space<vmem>> -> memref<32x1x128xf32, #tpu.memory_space<vmem>>
        %dma_start3A_195 = tpu.memref_squeeze %dma_start3A_194 : memref<32x1x128xf32, #tpu.memory_space<vmem>> -> memref<32x128xf32, #tpu.memory_space<vmem>>
        %dma_start3A_196 = arith.constant 0 : i32
        %dma_start3A_197 = tpu.memref_slice %arg6[%select_n3A, %dma_start3A_191, %mul3A_64, %dma_start3A_196] : memref<8x8x2048x128xf32, #tpu.memory_space<hbm>> -> memref<1x1x32x128xf32, #tpu.memory_space<hbm>>
        %dma_start3A_198 = tpu.memref_squeeze %dma_start3A_197 : memref<1x1x32x128xf32, #tpu.memory_space<hbm>> -> memref<32x128xf32, #tpu.memory_space<hbm>>
        %dma_start3A_199 = arith.constant 0 : i32
        %dma_start3A_200 = tpu.memref_slice %arg6[%select_n3A, %dma_start3A_191, %mul3A_64, %dma_start3A_199] : memref<8x8x2048x128xf32, #tpu.memory_space<hbm>> -> memref<1x1x32x128xf32, #tpu.memory_space<hbm>>
        %dma_start3A_201 = tpu.memref_squeeze %dma_start3A_200 : memref<1x1x32x128xf32, #tpu.memory_space<hbm>> -> memref<32x128xf32, #tpu.memory_space<hbm>>
        %dma_start3A_202 = arith.constant 0 : i32
        %dma_start3A_203 = arith.constant 0 : i32
        %dma_start3A_204 = tpu.memref_slice %arg9[%dma_start3A_202, %dma_start3A_190, %dma_start3A_203] : memref<32x8x128xf32, #tpu.memory_space<vmem>> -> memref<32x1x128xf32, #tpu.memory_space<vmem>>
        %dma_start3A_205 = tpu.memref_squeeze %dma_start3A_204 : memref<32x1x128xf32, #tpu.memory_space<vmem>> -> memref<32x128xf32, #tpu.memory_space<vmem>>
        tpu.enqueue_dma source(%dma_start3A_205 : memref<32x128xf32, #tpu.memory_space<vmem>>) target(%dma_start3A_201 : memref<32x128xf32, #tpu.memory_space<hbm>>) target_semaphore(%arg14 : memref<!tpu.dma_semaphore, #tpu.memory_space<semaphore_mem>>)
        %dma_wait3A_206 = arith.constant 0 : i32
        %dma_wait3A_207 = arith.constant 0 : i32
        %dma_wait3A_208 = arith.constant 0 : i32
        %dma_wait3A_209 = tpu.memref_slice %arg3[%dma_wait3A_206, %dma_wait3A_207, %dma_wait3A_208] : memref<32768x8x128xf32, #tpu.memory_space<hbm>> -> memref<32768x8x128xf32, #tpu.memory_space<hbm>>
        tpu.wait_indirect_dma semaphore(%arg13 : memref<!tpu.dma_semaphore, #tpu.memory_space<semaphore_mem>>) src(%dma_wait3A_209 : memref<32768x8x128xf32, #tpu.memory_space<hbm>>) dst(%arg10 : memref<32x8x128xf32, #tpu.memory_space<vmem>>)
        %dma_start3A_210 = arith.constant 0 : i32
        %dma_start3A_211 = arith.constant 0 : i32
        %dma_start3A_212 = arith.constant 0 : i32
        %dma_start3A_213 = arith.constant 0 : i32
        %dma_start3A_214 = tpu.memref_slice %arg10[%dma_start3A_212, %dma_start3A_210, %dma_start3A_213] : memref<32x8x128xf32, #tpu.memory_space<vmem>> -> memref<32x1x128xf32, #tpu.memory_space<vmem>>
        %dma_start3A_215 = tpu.memref_squeeze %dma_start3A_214 : memref<32x1x128xf32, #tpu.memory_space<vmem>> -> memref<32x128xf32, #tpu.memory_space<vmem>>
        %dma_start3A_216 = arith.constant 0 : i32
        %dma_start3A_217 = tpu.memref_slice %arg7[%select_n3A, %dma_start3A_211, %mul3A_64, %dma_start3A_216] : memref<8x8x2048x128xf32, #tpu.memory_space<hbm>> -> memref<1x1x32x128xf32, #tpu.memory_space<hbm>>
        %dma_start3A_218 = tpu.memref_squeeze %dma_start3A_217 : memref<1x1x32x128xf32, #tpu.memory_space<hbm>> -> memref<32x128xf32, #tpu.memory_space<hbm>>
        %dma_start3A_219 = arith.constant 0 : i32
        %dma_start3A_220 = tpu.memref_slice %arg7[%select_n3A, %dma_start3A_211, %mul3A_64, %dma_start3A_219] : memref<8x8x2048x128xf32, #tpu.memory_space<hbm>> -> memref<1x1x32x128xf32, #tpu.memory_space<hbm>>
        %dma_start3A_221 = tpu.memref_squeeze %dma_start3A_220 : memref<1x1x32x128xf32, #tpu.memory_space<hbm>> -> memref<32x128xf32, #tpu.memory_space<hbm>>
        %dma_start3A_222 = arith.constant 0 : i32
        %dma_start3A_223 = arith.constant 0 : i32
        %dma_start3A_224 = tpu.memref_slice %arg10[%dma_start3A_222, %dma_start3A_210, %dma_start3A_223] : memref<32x8x128xf32, #tpu.memory_space<vmem>> -> memref<32x1x128xf32, #tpu.memory_space<vmem>>
        %dma_start3A_225 = tpu.memref_squeeze %dma_start3A_224 : memref<32x1x128xf32, #tpu.memory_space<vmem>> -> memref<32x128xf32, #tpu.memory_space<vmem>>
        tpu.enqueue_dma source(%dma_start3A_225 : memref<32x128xf32, #tpu.memory_space<vmem>>) target(%dma_start3A_221 : memref<32x128xf32, #tpu.memory_space<hbm>>) target_semaphore(%arg15 : memref<!tpu.dma_semaphore, #tpu.memory_space<semaphore_mem>>)
        %dma_start3A_226 = arith.constant 1 : i32
        %dma_start3A_227 = arith.constant 1 : i32
        %dma_start3A_228 = arith.constant 0 : i32
        %dma_start3A_229 = arith.constant 0 : i32
        %dma_start3A_230 = tpu.memref_slice %arg10[%dma_start3A_228, %dma_start3A_226, %dma_start3A_229] : memref<32x8x128xf32, #tpu.memory_space<vmem>> -> memref<32x1x128xf32, #tpu.memory_space<vmem>>
        %dma_start3A_231 = tpu.memref_squeeze %dma_start3A_230 : memref<32x1x128xf32, #tpu.memory_space<vmem>> -> memref<32x128xf32, #tpu.memory_space<vmem>>
        %dma_start3A_232 = arith.constant 0 : i32
        %dma_start3A_233 = tpu.memref_slice %arg7[%select_n3A, %dma_start3A_227, %mul3A_64, %dma_start3A_232] : memref<8x8x2048x128xf32, #tpu.memory_space<hbm>> -> memref<1x1x32x128xf32, #tpu.memory_space<hbm>>
        %dma_start3A_234 = tpu.memref_squeeze %dma_start3A_233 : memref<1x1x32x128xf32, #tpu.memory_space<hbm>> -> memref<32x128xf32, #tpu.memory_space<hbm>>
        %dma_start3A_235 = arith.constant 0 : i32
        %dma_start3A_236 = tpu.memref_slice %arg7[%select_n3A, %dma_start3A_227, %mul3A_64, %dma_start3A_235] : memref<8x8x2048x128xf32, #tpu.memory_space<hbm>> -> memref<1x1x32x128xf32, #tpu.memory_space<hbm>>
        %dma_start3A_237 = tpu.memref_squeeze %dma_start3A_236 : memref<1x1x32x128xf32, #tpu.memory_space<hbm>> -> memref<32x128xf32, #tpu.memory_space<hbm>>
        %dma_start3A_238 = arith.constant 0 : i32
        %dma_start3A_239 = arith.constant 0 : i32
        %dma_start3A_240 = tpu.memref_slice %arg10[%dma_start3A_238, %dma_start3A_226, %dma_start3A_239] : memref<32x8x128xf32, #tpu.memory_space<vmem>> -> memref<32x1x128xf32, #tpu.memory_space<vmem>>
        %dma_start3A_241 = tpu.memref_squeeze %dma_start3A_240 : memref<32x1x128xf32, #tpu.memory_space<vmem>> -> memref<32x128xf32, #tpu.memory_space<vmem>>
        tpu.enqueue_dma source(%dma_start3A_241 : memref<32x128xf32, #tpu.memory_space<vmem>>) target(%dma_start3A_237 : memref<32x128xf32, #tpu.memory_space<hbm>>) target_semaphore(%arg15 : memref<!tpu.dma_semaphore, #tpu.memory_space<semaphore_mem>>)
        %dma_start3A_242 = arith.constant 2 : i32
        %dma_start3A_243 = arith.constant 2 : i32
        %dma_start3A_244 = arith.constant 0 : i32
        %dma_start3A_245 = arith.constant 0 : i32
        %dma_start3A_246 = tpu.memref_slice %arg10[%dma_start3A_244, %dma_start3A_242, %dma_start3A_245] : memref<32x8x128xf32, #tpu.memory_space<vmem>> -> memref<32x1x128xf32, #tpu.memory_space<vmem>>
        %dma_start3A_247 = tpu.memref_squeeze %dma_start3A_246 : memref<32x1x128xf32, #tpu.memory_space<vmem>> -> memref<32x128xf32, #tpu.memory_space<vmem>>
        %dma_start3A_248 = arith.constant 0 : i32
        %dma_start3A_249 = tpu.memref_slice %arg7[%select_n3A, %dma_start3A_243, %mul3A_64, %dma_start3A_248] : memref<8x8x2048x128xf32, #tpu.memory_space<hbm>> -> memref<1x1x32x128xf32, #tpu.memory_space<hbm>>
        %dma_start3A_250 = tpu.memref_squeeze %dma_start3A_249 : memref<1x1x32x128xf32, #tpu.memory_space<hbm>> -> memref<32x128xf32, #tpu.memory_space<hbm>>
        %dma_start3A_251 = arith.constant 0 : i32
        %dma_start3A_252 = tpu.memref_slice %arg7[%select_n3A, %dma_start3A_243, %mul3A_64, %dma_start3A_251] : memref<8x8x2048x128xf32, #tpu.memory_space<hbm>> -> memref<1x1x32x128xf32, #tpu.memory_space<hbm>>
        %dma_start3A_253 = tpu.memref_squeeze %dma_start3A_252 : memref<1x1x32x128xf32, #tpu.memory_space<hbm>> -> memref<32x128xf32, #tpu.memory_space<hbm>>
        %dma_start3A_254 = arith.constant 0 : i32
        %dma_start3A_255 = arith.constant 0 : i32
        %dma_start3A_256 = tpu.memref_slice %arg10[%dma_start3A_254, %dma_start3A_242, %dma_start3A_255] : memref<32x8x128xf32, #tpu.memory_space<vmem>> -> memref<32x1x128xf32, #tpu.memory_space<vmem>>
        %dma_start3A_257 = tpu.memref_squeeze %dma_start3A_256 : memref<32x1x128xf32, #tpu.memory_space<vmem>> -> memref<32x128xf32, #tpu.memory_space<vmem>>
        tpu.enqueue_dma source(%dma_start3A_257 : memref<32x128xf32, #tpu.memory_space<vmem>>) target(%dma_start3A_253 : memref<32x128xf32, #tpu.memory_space<hbm>>) target_semaphore(%arg15 : memref<!tpu.dma_semaphore, #tpu.memory_space<semaphore_mem>>)
        %dma_start3A_258 = arith.constant 3 : i32
        %dma_start3A_259 = arith.constant 3 : i32
        %dma_start3A_260 = arith.constant 0 : i32
        %dma_start3A_261 = arith.constant 0 : i32
        %dma_start3A_262 = tpu.memref_slice %arg10[%dma_start3A_260, %dma_start3A_258, %dma_start3A_261] : memref<32x8x128xf32, #tpu.memory_space<vmem>> -> memref<32x1x128xf32, #tpu.memory_space<vmem>>
        %dma_start3A_263 = tpu.memref_squeeze %dma_start3A_262 : memref<32x1x128xf32, #tpu.memory_space<vmem>> -> memref<32x128xf32, #tpu.memory_space<vmem>>
        %dma_start3A_264 = arith.constant 0 : i32
        %dma_start3A_265 = tpu.memref_slice %arg7[%select_n3A, %dma_start3A_259, %mul3A_64, %dma_start3A_264] : memref<8x8x2048x128xf32, #tpu.memory_space<hbm>> -> memref<1x1x32x128xf32, #tpu.memory_space<hbm>>
        %dma_start3A_266 = tpu.memref_squeeze %dma_start3A_265 : memref<1x1x32x128xf32, #tpu.memory_space<hbm>> -> memref<32x128xf32, #tpu.memory_space<hbm>>
        %dma_start3A_267 = arith.constant 0 : i32
        %dma_start3A_268 = tpu.memref_slice %arg7[%select_n3A, %dma_start3A_259, %mul3A_64, %dma_start3A_267] : memref<8x8x2048x128xf32, #tpu.memory_space<hbm>> -> memref<1x1x32x128xf32, #tpu.memory_space<hbm>>
        %dma_start3A_269 = tpu.memref_squeeze %dma_start3A_268 : memref<1x1x32x128xf32, #tpu.memory_space<hbm>> -> memref<32x128xf32, #tpu.memory_space<hbm>>
        %dma_start3A_270 = arith.constant 0 : i32
        %dma_start3A_271 = arith.constant 0 : i32
        %dma_start3A_272 = tpu.memref_slice %arg10[%dma_start3A_270, %dma_start3A_258, %dma_start3A_271] : memref<32x8x128xf32, #tpu.memory_space<vmem>> -> memref<32x1x128xf32, #tpu.memory_space<vmem>>
        %dma_start3A_273 = tpu.memref_squeeze %dma_start3A_272 : memref<32x1x128xf32, #tpu.memory_space<vmem>> -> memref<32x128xf32, #tpu.memory_space<vmem>>
        tpu.enqueue_dma source(%dma_start3A_273 : memref<32x128xf32, #tpu.memory_space<vmem>>) target(%dma_start3A_269 : memref<32x128xf32, #tpu.memory_space<hbm>>) target_semaphore(%arg15 : memref<!tpu.dma_semaphore, #tpu.memory_space<semaphore_mem>>)
        %dma_start3A_274 = arith.constant 4 : i32
        %dma_start3A_275 = arith.constant 4 : i32
        %dma_start3A_276 = arith.constant 0 : i32
        %dma_start3A_277 = arith.constant 0 : i32
        %dma_start3A_278 = tpu.memref_slice %arg10[%dma_start3A_276, %dma_start3A_274, %dma_start3A_277] : memref<32x8x128xf32, #tpu.memory_space<vmem>> -> memref<32x1x128xf32, #tpu.memory_space<vmem>>
        %dma_start3A_279 = tpu.memref_squeeze %dma_start3A_278 : memref<32x1x128xf32, #tpu.memory_space<vmem>> -> memref<32x128xf32, #tpu.memory_space<vmem>>
        %dma_start3A_280 = arith.constant 0 : i32
        %dma_start3A_281 = tpu.memref_slice %arg7[%select_n3A, %dma_start3A_275, %mul3A_64, %dma_start3A_280] : memref<8x8x2048x128xf32, #tpu.memory_space<hbm>> -> memref<1x1x32x128xf32, #tpu.memory_space<hbm>>
        %dma_start3A_282 = tpu.memref_squeeze %dma_start3A_281 : memref<1x1x32x128xf32, #tpu.memory_space<hbm>> -> memref<32x128xf32, #tpu.memory_space<hbm>>
        %dma_start3A_283 = arith.constant 0 : i32
        %dma_start3A_284 = tpu.memref_slice %arg7[%select_n3A, %dma_start3A_275, %mul3A_64, %dma_start3A_283] : memref<8x8x2048x128xf32, #tpu.memory_space<hbm>> -> memref<1x1x32x128xf32, #tpu.memory_space<hbm>>
        %dma_start3A_285 = tpu.memref_squeeze %dma_start3A_284 : memref<1x1x32x128xf32, #tpu.memory_space<hbm>> -> memref<32x128xf32, #tpu.memory_space<hbm>>
        %dma_start3A_286 = arith.constant 0 : i32
        %dma_start3A_287 = arith.constant 0 : i32
        %dma_start3A_288 = tpu.memref_slice %arg10[%dma_start3A_286, %dma_start3A_274, %dma_start3A_287] : memref<32x8x128xf32, #tpu.memory_space<vmem>> -> memref<32x1x128xf32, #tpu.memory_space<vmem>>
        %dma_start3A_289 = tpu.memref_squeeze %dma_start3A_288 : memref<32x1x128xf32, #tpu.memory_space<vmem>> -> memref<32x128xf32, #tpu.memory_space<vmem>>
        tpu.enqueue_dma source(%dma_start3A_289 : memref<32x128xf32, #tpu.memory_space<vmem>>) target(%dma_start3A_285 : memref<32x128xf32, #tpu.memory_space<hbm>>) target_semaphore(%arg15 : memref<!tpu.dma_semaphore, #tpu.memory_space<semaphore_mem>>)
        %dma_start3A_290 = arith.constant 5 : i32
        %dma_start3A_291 = arith.constant 5 : i32
        %dma_start3A_292 = arith.constant 0 : i32
        %dma_start3A_293 = arith.constant 0 : i32
        %dma_start3A_294 = tpu.memref_slice %arg10[%dma_start3A_292, %dma_start3A_290, %dma_start3A_293] : memref<32x8x128xf32, #tpu.memory_space<vmem>> -> memref<32x1x128xf32, #tpu.memory_space<vmem>>
        %dma_start3A_295 = tpu.memref_squeeze %dma_start3A_294 : memref<32x1x128xf32, #tpu.memory_space<vmem>> -> memref<32x128xf32, #tpu.memory_space<vmem>>
        %dma_start3A_296 = arith.constant 0 : i32
        %dma_start3A_297 = tpu.memref_slice %arg7[%select_n3A, %dma_start3A_291, %mul3A_64, %dma_start3A_296] : memref<8x8x2048x128xf32, #tpu.memory_space<hbm>> -> memref<1x1x32x128xf32, #tpu.memory_space<hbm>>
        %dma_start3A_298 = tpu.memref_squeeze %dma_start3A_297 : memref<1x1x32x128xf32, #tpu.memory_space<hbm>> -> memref<32x128xf32, #tpu.memory_space<hbm>>
        %dma_start3A_299 = arith.constant 0 : i32
        %dma_start3A_300 = tpu.memref_slice %arg7[%select_n3A, %dma_start3A_291, %mul3A_64, %dma_start3A_299] : memref<8x8x2048x128xf32, #tpu.memory_space<hbm>> -> memref<1x1x32x128xf32, #tpu.memory_space<hbm>>
        %dma_start3A_301 = tpu.memref_squeeze %dma_start3A_300 : memref<1x1x32x128xf32, #tpu.memory_space<hbm>> -> memref<32x128xf32, #tpu.memory_space<hbm>>
        %dma_start3A_302 = arith.constant 0 : i32
        %dma_start3A_303 = arith.constant 0 : i32
        %dma_start3A_304 = tpu.memref_slice %arg10[%dma_start3A_302, %dma_start3A_290, %dma_start3A_303] : memref<32x8x128xf32, #tpu.memory_space<vmem>> -> memref<32x1x128xf32, #tpu.memory_space<vmem>>
        %dma_start3A_305 = tpu.memref_squeeze %dma_start3A_304 : memref<32x1x128xf32, #tpu.memory_space<vmem>> -> memref<32x128xf32, #tpu.memory_space<vmem>>
        tpu.enqueue_dma source(%dma_start3A_305 : memref<32x128xf32, #tpu.memory_space<vmem>>) target(%dma_start3A_301 : memref<32x128xf32, #tpu.memory_space<hbm>>) target_semaphore(%arg15 : memref<!tpu.dma_semaphore, #tpu.memory_space<semaphore_mem>>)
        %dma_start3A_306 = arith.constant 6 : i32
        %dma_start3A_307 = arith.constant 6 : i32
        %dma_start3A_308 = arith.constant 0 : i32
        %dma_start3A_309 = arith.constant 0 : i32
        %dma_start3A_310 = tpu.memref_slice %arg10[%dma_start3A_308, %dma_start3A_306, %dma_start3A_309] : memref<32x8x128xf32, #tpu.memory_space<vmem>> -> memref<32x1x128xf32, #tpu.memory_space<vmem>>
        %dma_start3A_311 = tpu.memref_squeeze %dma_start3A_310 : memref<32x1x128xf32, #tpu.memory_space<vmem>> -> memref<32x128xf32, #tpu.memory_space<vmem>>
        %dma_start3A_312 = arith.constant 0 : i32
        %dma_start3A_313 = tpu.memref_slice %arg7[%select_n3A, %dma_start3A_307, %mul3A_64, %dma_start3A_312] : memref<8x8x2048x128xf32, #tpu.memory_space<hbm>> -> memref<1x1x32x128xf32, #tpu.memory_space<hbm>>
        %dma_start3A_314 = tpu.memref_squeeze %dma_start3A_313 : memref<1x1x32x128xf32, #tpu.memory_space<hbm>> -> memref<32x128xf32, #tpu.memory_space<hbm>>
        %dma_start3A_315 = arith.constant 0 : i32
        %dma_start3A_316 = tpu.memref_slice %arg7[%select_n3A, %dma_start3A_307, %mul3A_64, %dma_start3A_315] : memref<8x8x2048x128xf32, #tpu.memory_space<hbm>> -> memref<1x1x32x128xf32, #tpu.memory_space<hbm>>
        %dma_start3A_317 = tpu.memref_squeeze %dma_start3A_316 : memref<1x1x32x128xf32, #tpu.memory_space<hbm>> -> memref<32x128xf32, #tpu.memory_space<hbm>>
        %dma_start3A_318 = arith.constant 0 : i32
        %dma_start3A_319 = arith.constant 0 : i32
        %dma_start3A_320 = tpu.memref_slice %arg10[%dma_start3A_318, %dma_start3A_306, %dma_start3A_319] : memref<32x8x128xf32, #tpu.memory_space<vmem>> -> memref<32x1x128xf32, #tpu.memory_space<vmem>>
        %dma_start3A_321 = tpu.memref_squeeze %dma_start3A_320 : memref<32x1x128xf32, #tpu.memory_space<vmem>> -> memref<32x128xf32, #tpu.memory_space<vmem>>
        tpu.enqueue_dma source(%dma_start3A_321 : memref<32x128xf32, #tpu.memory_space<vmem>>) target(%dma_start3A_317 : memref<32x128xf32, #tpu.memory_space<hbm>>) target_semaphore(%arg15 : memref<!tpu.dma_semaphore, #tpu.memory_space<semaphore_mem>>)
        %dma_start3A_322 = arith.constant 7 : i32
        %dma_start3A_323 = arith.constant 7 : i32
        %dma_start3A_324 = arith.constant 0 : i32
        %dma_start3A_325 = arith.constant 0 : i32
        %dma_start3A_326 = tpu.memref_slice %arg10[%dma_start3A_324, %dma_start3A_322, %dma_start3A_325] : memref<32x8x128xf32, #tpu.memory_space<vmem>> -> memref<32x1x128xf32, #tpu.memory_space<vmem>>
        %dma_start3A_327 = tpu.memref_squeeze %dma_start3A_326 : memref<32x1x128xf32, #tpu.memory_space<vmem>> -> memref<32x128xf32, #tpu.memory_space<vmem>>
        %dma_start3A_328 = arith.constant 0 : i32
        %dma_start3A_329 = tpu.memref_slice %arg7[%select_n3A, %dma_start3A_323, %mul3A_64, %dma_start3A_328] : memref<8x8x2048x128xf32, #tpu.memory_space<hbm>> -> memref<1x1x32x128xf32, #tpu.memory_space<hbm>>
        %dma_start3A_330 = tpu.memref_squeeze %dma_start3A_329 : memref<1x1x32x128xf32, #tpu.memory_space<hbm>> -> memref<32x128xf32, #tpu.memory_space<hbm>>
        %dma_start3A_331 = arith.constant 0 : i32
        %dma_start3A_332 = tpu.memref_slice %arg7[%select_n3A, %dma_start3A_323, %mul3A_64, %dma_start3A_331] : memref<8x8x2048x128xf32, #tpu.memory_space<hbm>> -> memref<1x1x32x128xf32, #tpu.memory_space<hbm>>
        %dma_start3A_333 = tpu.memref_squeeze %dma_start3A_332 : memref<1x1x32x128xf32, #tpu.memory_space<hbm>> -> memref<32x128xf32, #tpu.memory_space<hbm>>
        %dma_start3A_334 = arith.constant 0 : i32
        %dma_start3A_335 = arith.constant 0 : i32
        %dma_start3A_336 = tpu.memref_slice %arg10[%dma_start3A_334, %dma_start3A_322, %dma_start3A_335] : memref<32x8x128xf32, #tpu.memory_space<vmem>> -> memref<32x1x128xf32, #tpu.memory_space<vmem>>
        %dma_start3A_337 = tpu.memref_squeeze %dma_start3A_336 : memref<32x1x128xf32, #tpu.memory_space<vmem>> -> memref<32x128xf32, #tpu.memory_space<vmem>>
        tpu.enqueue_dma source(%dma_start3A_337 : memref<32x128xf32, #tpu.memory_space<vmem>>) target(%dma_start3A_333 : memref<32x128xf32, #tpu.memory_space<hbm>>) target_semaphore(%arg15 : memref<!tpu.dma_semaphore, #tpu.memory_space<semaphore_mem>>)
        %dma_wait3A_338 = arith.constant 0 : i32
        %dma_wait3A_339 = arith.constant 0 : i32
        %dma_wait3A_340 = arith.constant 0 : i32
        %dma_wait3A_341 = arith.constant 0 : i32
        %dma_wait3A_342 = tpu.memref_slice %arg9[%dma_wait3A_340, %dma_wait3A_338, %dma_wait3A_341] : memref<32x8x128xf32, #tpu.memory_space<vmem>> -> memref<32x1x128xf32, #tpu.memory_space<vmem>>
        %dma_wait3A_343 = tpu.memref_squeeze %dma_wait3A_342 : memref<32x1x128xf32, #tpu.memory_space<vmem>> -> memref<32x128xf32, #tpu.memory_space<vmem>>
        %dma_wait3A_344 = arith.constant 0 : i32
        %dma_wait3A_345 = tpu.memref_slice %arg6[%select_n3A, %dma_wait3A_339, %mul3A_64, %dma_wait3A_344] : memref<8x8x2048x128xf32, #tpu.memory_space<hbm>> -> memref<1x1x32x128xf32, #tpu.memory_space<hbm>>
        %dma_wait3A_346 = tpu.memref_squeeze %dma_wait3A_345 : memref<1x1x32x128xf32, #tpu.memory_space<hbm>> -> memref<32x128xf32, #tpu.memory_space<hbm>>
        %dma_wait3A_347 = arith.constant 0 : i32
        %dma_wait3A_348 = tpu.memref_slice %arg6[%select_n3A, %dma_wait3A_339, %mul3A_64, %dma_wait3A_347] : memref<8x8x2048x128xf32, #tpu.memory_space<hbm>> -> memref<1x1x32x128xf32, #tpu.memory_space<hbm>>
        %dma_wait3A_349 = tpu.memref_squeeze %dma_wait3A_348 : memref<1x1x32x128xf32, #tpu.memory_space<hbm>> -> memref<32x128xf32, #tpu.memory_space<hbm>>
        %dma_wait3A_350 = arith.constant 0 : i32
        %dma_wait3A_351 = arith.constant 0 : i32
        %dma_wait3A_352 = tpu.memref_slice %arg9[%dma_wait3A_350, %dma_wait3A_338, %dma_wait3A_351] : memref<32x8x128xf32, #tpu.memory_space<vmem>> -> memref<32x1x128xf32, #tpu.memory_space<vmem>>
        %dma_wait3A_353 = tpu.memref_squeeze %dma_wait3A_352 : memref<32x1x128xf32, #tpu.memory_space<vmem>> -> memref<32x128xf32, #tpu.memory_space<vmem>>
        tpu.wait_dma2 semaphore(%arg14 : memref<!tpu.dma_semaphore, #tpu.memory_space<semaphore_mem>>) src(%dma_wait3A_353 : memref<32x128xf32, #tpu.memory_space<vmem>>) dst(%dma_wait3A_349 : memref<32x128xf32, #tpu.memory_space<hbm>>)
        %dma_wait3A_354 = arith.constant 1 : i32
        %dma_wait3A_355 = arith.constant 1 : i32
        %dma_wait3A_356 = arith.constant 0 : i32
        %dma_wait3A_357 = arith.constant 0 : i32
        %dma_wait3A_358 = tpu.memref_slice %arg9[%dma_wait3A_356, %dma_wait3A_354, %dma_wait3A_357] : memref<32x8x128xf32, #tpu.memory_space<vmem>> -> memref<32x1x128xf32, #tpu.memory_space<vmem>>
        %dma_wait3A_359 = tpu.memref_squeeze %dma_wait3A_358 : memref<32x1x128xf32, #tpu.memory_space<vmem>> -> memref<32x128xf32, #tpu.memory_space<vmem>>
        %dma_wait3A_360 = arith.constant 0 : i32
        %dma_wait3A_361 = tpu.memref_slice %arg6[%select_n3A, %dma_wait3A_355, %mul3A_64, %dma_wait3A_360] : memref<8x8x2048x128xf32, #tpu.memory_space<hbm>> -> memref<1x1x32x128xf32, #tpu.memory_space<hbm>>
        %dma_wait3A_362 = tpu.memref_squeeze %dma_wait3A_361 : memref<1x1x32x128xf32, #tpu.memory_space<hbm>> -> memref<32x128xf32, #tpu.memory_space<hbm>>
        %dma_wait3A_363 = arith.constant 0 : i32
        %dma_wait3A_364 = tpu.memref_slice %arg6[%select_n3A, %dma_wait3A_355, %mul3A_64, %dma_wait3A_363] : memref<8x8x2048x128xf32, #tpu.memory_space<hbm>> -> memref<1x1x32x128xf32, #tpu.memory_space<hbm>>
        %dma_wait3A_365 = tpu.memref_squeeze %dma_wait3A_364 : memref<1x1x32x128xf32, #tpu.memory_space<hbm>> -> memref<32x128xf32, #tpu.memory_space<hbm>>
        %dma_wait3A_366 = arith.constant 0 : i32
        %dma_wait3A_367 = arith.constant 0 : i32
        %dma_wait3A_368 = tpu.memref_slice %arg9[%dma_wait3A_366, %dma_wait3A_354, %dma_wait3A_367] : memref<32x8x128xf32, #tpu.memory_space<vmem>> -> memref<32x1x128xf32, #tpu.memory_space<vmem>>
        %dma_wait3A_369 = tpu.memref_squeeze %dma_wait3A_368 : memref<32x1x128xf32, #tpu.memory_space<vmem>> -> memref<32x128xf32, #tpu.memory_space<vmem>>
        tpu.wait_dma2 semaphore(%arg14 : memref<!tpu.dma_semaphore, #tpu.memory_space<semaphore_mem>>) src(%dma_wait3A_369 : memref<32x128xf32, #tpu.memory_space<vmem>>) dst(%dma_wait3A_365 : memref<32x128xf32, #tpu.memory_space<hbm>>)
        %dma_wait3A_370 = arith.constant 2 : i32
        %dma_wait3A_371 = arith.constant 2 : i32
        %dma_wait3A_372 = arith.constant 0 : i32
        %dma_wait3A_373 = arith.constant 0 : i32
        %dma_wait3A_374 = tpu.memref_slice %arg9[%dma_wait3A_372, %dma_wait3A_370, %dma_wait3A_373] : memref<32x8x128xf32, #tpu.memory_space<vmem>> -> memref<32x1x128xf32, #tpu.memory_space<vmem>>
        %dma_wait3A_375 = tpu.memref_squeeze %dma_wait3A_374 : memref<32x1x128xf32, #tpu.memory_space<vmem>> -> memref<32x128xf32, #tpu.memory_space<vmem>>
        %dma_wait3A_376 = arith.constant 0 : i32
        %dma_wait3A_377 = tpu.memref_slice %arg6[%select_n3A, %dma_wait3A_371, %mul3A_64, %dma_wait3A_376] : memref<8x8x2048x128xf32, #tpu.memory_space<hbm>> -> memref<1x1x32x128xf32, #tpu.memory_space<hbm>>
        %dma_wait3A_378 = tpu.memref_squeeze %dma_wait3A_377 : memref<1x1x32x128xf32, #tpu.memory_space<hbm>> -> memref<32x128xf32, #tpu.memory_space<hbm>>
        %dma_wait3A_379 = arith.constant 0 : i32
        %dma_wait3A_380 = tpu.memref_slice %arg6[%select_n3A, %dma_wait3A_371, %mul3A_64, %dma_wait3A_379] : memref<8x8x2048x128xf32, #tpu.memory_space<hbm>> -> memref<1x1x32x128xf32, #tpu.memory_space<hbm>>
        %dma_wait3A_381 = tpu.memref_squeeze %dma_wait3A_380 : memref<1x1x32x128xf32, #tpu.memory_space<hbm>> -> memref<32x128xf32, #tpu.memory_space<hbm>>
        %dma_wait3A_382 = arith.constant 0 : i32
        %dma_wait3A_383 = arith.constant 0 : i32
        %dma_wait3A_384 = tpu.memref_slice %arg9[%dma_wait3A_382, %dma_wait3A_370, %dma_wait3A_383] : memref<32x8x128xf32, #tpu.memory_space<vmem>> -> memref<32x1x128xf32, #tpu.memory_space<vmem>>
        %dma_wait3A_385 = tpu.memref_squeeze %dma_wait3A_384 : memref<32x1x128xf32, #tpu.memory_space<vmem>> -> memref<32x128xf32, #tpu.memory_space<vmem>>
        tpu.wait_dma2 semaphore(%arg14 : memref<!tpu.dma_semaphore, #tpu.memory_space<semaphore_mem>>) src(%dma_wait3A_385 : memref<32x128xf32, #tpu.memory_space<vmem>>) dst(%dma_wait3A_381 : memref<32x128xf32, #tpu.memory_space<hbm>>)
        %dma_wait3A_386 = arith.constant 3 : i32
        %dma_wait3A_387 = arith.constant 3 : i32
        %dma_wait3A_388 = arith.constant 0 : i32
        %dma_wait3A_389 = arith.constant 0 : i32
        %dma_wait3A_390 = tpu.memref_slice %arg9[%dma_wait3A_388, %dma_wait3A_386, %dma_wait3A_389] : memref<32x8x128xf32, #tpu.memory_space<vmem>> -> memref<32x1x128xf32, #tpu.memory_space<vmem>>
        %dma_wait3A_391 = tpu.memref_squeeze %dma_wait3A_390 : memref<32x1x128xf32, #tpu.memory_space<vmem>> -> memref<32x128xf32, #tpu.memory_space<vmem>>
        %dma_wait3A_392 = arith.constant 0 : i32
        %dma_wait3A_393 = tpu.memref_slice %arg6[%select_n3A, %dma_wait3A_387, %mul3A_64, %dma_wait3A_392] : memref<8x8x2048x128xf32, #tpu.memory_space<hbm>> -> memref<1x1x32x128xf32, #tpu.memory_space<hbm>>
        %dma_wait3A_394 = tpu.memref_squeeze %dma_wait3A_393 : memref<1x1x32x128xf32, #tpu.memory_space<hbm>> -> memref<32x128xf32, #tpu.memory_space<hbm>>
        %dma_wait3A_395 = arith.constant 0 : i32
        %dma_wait3A_396 = tpu.memref_slice %arg6[%select_n3A, %dma_wait3A_387, %mul3A_64, %dma_wait3A_395] : memref<8x8x2048x128xf32, #tpu.memory_space<hbm>> -> memref<1x1x32x128xf32, #tpu.memory_space<hbm>>
        %dma_wait3A_397 = tpu.memref_squeeze %dma_wait3A_396 : memref<1x1x32x128xf32, #tpu.memory_space<hbm>> -> memref<32x128xf32, #tpu.memory_space<hbm>>
        %dma_wait3A_398 = arith.constant 0 : i32
        %dma_wait3A_399 = arith.constant 0 : i32
        %dma_wait3A_400 = tpu.memref_slice %arg9[%dma_wait3A_398, %dma_wait3A_386, %dma_wait3A_399] : memref<32x8x128xf32, #tpu.memory_space<vmem>> -> memref<32x1x128xf32, #tpu.memory_space<vmem>>
        %dma_wait3A_401 = tpu.memref_squeeze %dma_wait3A_400 : memref<32x1x128xf32, #tpu.memory_space<vmem>> -> memref<32x128xf32, #tpu.memory_space<vmem>>
        tpu.wait_dma2 semaphore(%arg14 : memref<!tpu.dma_semaphore, #tpu.memory_space<semaphore_mem>>) src(%dma_wait3A_401 : memref<32x128xf32, #tpu.memory_space<vmem>>) dst(%dma_wait3A_397 : memref<32x128xf32, #tpu.memory_space<hbm>>)
        %dma_wait3A_402 = arith.constant 4 : i32
        %dma_wait3A_403 = arith.constant 4 : i32
        %dma_wait3A_404 = arith.constant 0 : i32
        %dma_wait3A_405 = arith.constant 0 : i32
        %dma_wait3A_406 = tpu.memref_slice %arg9[%dma_wait3A_404, %dma_wait3A_402, %dma_wait3A_405] : memref<32x8x128xf32, #tpu.memory_space<vmem>> -> memref<32x1x128xf32, #tpu.memory_space<vmem>>
        %dma_wait3A_407 = tpu.memref_squeeze %dma_wait3A_406 : memref<32x1x128xf32, #tpu.memory_space<vmem>> -> memref<32x128xf32, #tpu.memory_space<vmem>>
        %dma_wait3A_408 = arith.constant 0 : i32
        %dma_wait3A_409 = tpu.memref_slice %arg6[%select_n3A, %dma_wait3A_403, %mul3A_64, %dma_wait3A_408] : memref<8x8x2048x128xf32, #tpu.memory_space<hbm>> -> memref<1x1x32x128xf32, #tpu.memory_space<hbm>>
        %dma_wait3A_410 = tpu.memref_squeeze %dma_wait3A_409 : memref<1x1x32x128xf32, #tpu.memory_space<hbm>> -> memref<32x128xf32, #tpu.memory_space<hbm>>
        %dma_wait3A_411 = arith.constant 0 : i32
        %dma_wait3A_412 = tpu.memref_slice %arg6[%select_n3A, %dma_wait3A_403, %mul3A_64, %dma_wait3A_411] : memref<8x8x2048x128xf32, #tpu.memory_space<hbm>> -> memref<1x1x32x128xf32, #tpu.memory_space<hbm>>
        %dma_wait3A_413 = tpu.memref_squeeze %dma_wait3A_412 : memref<1x1x32x128xf32, #tpu.memory_space<hbm>> -> memref<32x128xf32, #tpu.memory_space<hbm>>
        %dma_wait3A_414 = arith.constant 0 : i32
        %dma_wait3A_415 = arith.constant 0 : i32
        %dma_wait3A_416 = tpu.memref_slice %arg9[%dma_wait3A_414, %dma_wait3A_402, %dma_wait3A_415] : memref<32x8x128xf32, #tpu.memory_space<vmem>> -> memref<32x1x128xf32, #tpu.memory_space<vmem>>
        %dma_wait3A_417 = tpu.memref_squeeze %dma_wait3A_416 : memref<32x1x128xf32, #tpu.memory_space<vmem>> -> memref<32x128xf32, #tpu.memory_space<vmem>>
        tpu.wait_dma2 semaphore(%arg14 : memref<!tpu.dma_semaphore, #tpu.memory_space<semaphore_mem>>) src(%dma_wait3A_417 : memref<32x128xf32, #tpu.memory_space<vmem>>) dst(%dma_wait3A_413 : memref<32x128xf32, #tpu.memory_space<hbm>>)
        %dma_wait3A_418 = arith.constant 5 : i32
        %dma_wait3A_419 = arith.constant 5 : i32
        %dma_wait3A_420 = arith.constant 0 : i32
        %dma_wait3A_421 = arith.constant 0 : i32
        %dma_wait3A_422 = tpu.memref_slice %arg9[%dma_wait3A_420, %dma_wait3A_418, %dma_wait3A_421] : memref<32x8x128xf32, #tpu.memory_space<vmem>> -> memref<32x1x128xf32, #tpu.memory_space<vmem>>
        %dma_wait3A_423 = tpu.memref_squeeze %dma_wait3A_422 : memref<32x1x128xf32, #tpu.memory_space<vmem>> -> memref<32x128xf32, #tpu.memory_space<vmem>>
        %dma_wait3A_424 = arith.constant 0 : i32
        %dma_wait3A_425 = tpu.memref_slice %arg6[%select_n3A, %dma_wait3A_419, %mul3A_64, %dma_wait3A_424] : memref<8x8x2048x128xf32, #tpu.memory_space<hbm>> -> memref<1x1x32x128xf32, #tpu.memory_space<hbm>>
        %dma_wait3A_426 = tpu.memref_squeeze %dma_wait3A_425 : memref<1x1x32x128xf32, #tpu.memory_space<hbm>> -> memref<32x128xf32, #tpu.memory_space<hbm>>
        %dma_wait3A_427 = arith.constant 0 : i32
        %dma_wait3A_428 = tpu.memref_slice %arg6[%select_n3A, %dma_wait3A_419, %mul3A_64, %dma_wait3A_427] : memref<8x8x2048x128xf32, #tpu.memory_space<hbm>> -> memref<1x1x32x128xf32, #tpu.memory_space<hbm>>
        %dma_wait3A_429 = tpu.memref_squeeze %dma_wait3A_428 : memref<1x1x32x128xf32, #tpu.memory_space<hbm>> -> memref<32x128xf32, #tpu.memory_space<hbm>>
        %dma_wait3A_430 = arith.constant 0 : i32
        %dma_wait3A_431 = arith.constant 0 : i32
        %dma_wait3A_432 = tpu.memref_slice %arg9[%dma_wait3A_430, %dma_wait3A_418, %dma_wait3A_431] : memref<32x8x128xf32, #tpu.memory_space<vmem>> -> memref<32x1x128xf32, #tpu.memory_space<vmem>>
        %dma_wait3A_433 = tpu.memref_squeeze %dma_wait3A_432 : memref<32x1x128xf32, #tpu.memory_space<vmem>> -> memref<32x128xf32, #tpu.memory_space<vmem>>
        tpu.wait_dma2 semaphore(%arg14 : memref<!tpu.dma_semaphore, #tpu.memory_space<semaphore_mem>>) src(%dma_wait3A_433 : memref<32x128xf32, #tpu.memory_space<vmem>>) dst(%dma_wait3A_429 : memref<32x128xf32, #tpu.memory_space<hbm>>)
        %dma_wait3A_434 = arith.constant 6 : i32
        %dma_wait3A_435 = arith.constant 6 : i32
        %dma_wait3A_436 = arith.constant 0 : i32
        %dma_wait3A_437 = arith.constant 0 : i32
        %dma_wait3A_438 = tpu.memref_slice %arg9[%dma_wait3A_436, %dma_wait3A_434, %dma_wait3A_437] : memref<32x8x128xf32, #tpu.memory_space<vmem>> -> memref<32x1x128xf32, #tpu.memory_space<vmem>>
        %dma_wait3A_439 = tpu.memref_squeeze %dma_wait3A_438 : memref<32x1x128xf32, #tpu.memory_space<vmem>> -> memref<32x128xf32, #tpu.memory_space<vmem>>
        %dma_wait3A_440 = arith.constant 0 : i32
        %dma_wait3A_441 = tpu.memref_slice %arg6[%select_n3A, %dma_wait3A_435, %mul3A_64, %dma_wait3A_440] : memref<8x8x2048x128xf32, #tpu.memory_space<hbm>> -> memref<1x1x32x128xf32, #tpu.memory_space<hbm>>
        %dma_wait3A_442 = tpu.memref_squeeze %dma_wait3A_441 : memref<1x1x32x128xf32, #tpu.memory_space<hbm>> -> memref<32x128xf32, #tpu.memory_space<hbm>>
        %dma_wait3A_443 = arith.constant 0 : i32
        %dma_wait3A_444 = tpu.memref_slice %arg6[%select_n3A, %dma_wait3A_435, %mul3A_64, %dma_wait3A_443] : memref<8x8x2048x128xf32, #tpu.memory_space<hbm>> -> memref<1x1x32x128xf32, #tpu.memory_space<hbm>>
        %dma_wait3A_445 = tpu.memref_squeeze %dma_wait3A_444 : memref<1x1x32x128xf32, #tpu.memory_space<hbm>> -> memref<32x128xf32, #tpu.memory_space<hbm>>
        %dma_wait3A_446 = arith.constant 0 : i32
        %dma_wait3A_447 = arith.constant 0 : i32
        %dma_wait3A_448 = tpu.memref_slice %arg9[%dma_wait3A_446, %dma_wait3A_434, %dma_wait3A_447] : memref<32x8x128xf32, #tpu.memory_space<vmem>> -> memref<32x1x128xf32, #tpu.memory_space<vmem>>
        %dma_wait3A_449 = tpu.memref_squeeze %dma_wait3A_448 : memref<32x1x128xf32, #tpu.memory_space<vmem>> -> memref<32x128xf32, #tpu.memory_space<vmem>>
        tpu.wait_dma2 semaphore(%arg14 : memref<!tpu.dma_semaphore, #tpu.memory_space<semaphore_mem>>) src(%dma_wait3A_449 : memref<32x128xf32, #tpu.memory_space<vmem>>) dst(%dma_wait3A_445 : memref<32x128xf32, #tpu.memory_space<hbm>>)
        %dma_wait3A_450 = arith.constant 7 : i32
        %dma_wait3A_451 = arith.constant 7 : i32
        %dma_wait3A_452 = arith.constant 0 : i32
        %dma_wait3A_453 = arith.constant 0 : i32
        %dma_wait3A_454 = tpu.memref_slice %arg9[%dma_wait3A_452, %dma_wait3A_450, %dma_wait3A_453] : memref<32x8x128xf32, #tpu.memory_space<vmem>> -> memref<32x1x128xf32, #tpu.memory_space<vmem>>
        %dma_wait3A_455 = tpu.memref_squeeze %dma_wait3A_454 : memref<32x1x128xf32, #tpu.memory_space<vmem>> -> memref<32x128xf32, #tpu.memory_space<vmem>>
        %dma_wait3A_456 = arith.constant 0 : i32
        %dma_wait3A_457 = tpu.memref_slice %arg6[%select_n3A, %dma_wait3A_451, %mul3A_64, %dma_wait3A_456] : memref<8x8x2048x128xf32, #tpu.memory_space<hbm>> -> memref<1x1x32x128xf32, #tpu.memory_space<hbm>>
        %dma_wait3A_458 = tpu.memref_squeeze %dma_wait3A_457 : memref<1x1x32x128xf32, #tpu.memory_space<hbm>> -> memref<32x128xf32, #tpu.memory_space<hbm>>
        %dma_wait3A_459 = arith.constant 0 : i32
        %dma_wait3A_460 = tpu.memref_slice %arg6[%select_n3A, %dma_wait3A_451, %mul3A_64, %dma_wait3A_459] : memref<8x8x2048x128xf32, #tpu.memory_space<hbm>> -> memref<1x1x32x128xf32, #tpu.memory_space<hbm>>
        %dma_wait3A_461 = tpu.memref_squeeze %dma_wait3A_460 : memref<1x1x32x128xf32, #tpu.memory_space<hbm>> -> memref<32x128xf32, #tpu.memory_space<hbm>>
        %dma_wait3A_462 = arith.constant 0 : i32
        %dma_wait3A_463 = arith.constant 0 : i32
        %dma_wait3A_464 = tpu.memref_slice %arg9[%dma_wait3A_462, %dma_wait3A_450, %dma_wait3A_463] : memref<32x8x128xf32, #tpu.memory_space<vmem>> -> memref<32x1x128xf32, #tpu.memory_space<vmem>>
        %dma_wait3A_465 = tpu.memref_squeeze %dma_wait3A_464 : memref<32x1x128xf32, #tpu.memory_space<vmem>> -> memref<32x128xf32, #tpu.memory_space<vmem>>
        tpu.wait_dma2 semaphore(%arg14 : memref<!tpu.dma_semaphore, #tpu.memory_space<semaphore_mem>>) src(%dma_wait3A_465 : memref<32x128xf32, #tpu.memory_space<vmem>>) dst(%dma_wait3A_461 : memref<32x128xf32, #tpu.memory_space<hbm>>)
        %dma_wait3A_466 = arith.constant 0 : i32
        %dma_wait3A_467 = arith.constant 0 : i32
        %dma_wait3A_468 = arith.constant 0 : i32
        %dma_wait3A_469 = arith.constant 0 : i32
        %dma_wait3A_470 = tpu.memref_slice %arg10[%dma_wait3A_468, %dma_wait3A_466, %dma_wait3A_469] : memref<32x8x128xf32, #tpu.memory_space<vmem>> -> memref<32x1x128xf32, #tpu.memory_space<vmem>>
        %dma_wait3A_471 = tpu.memref_squeeze %dma_wait3A_470 : memref<32x1x128xf32, #tpu.memory_space<vmem>> -> memref<32x128xf32, #tpu.memory_space<vmem>>
        %dma_wait3A_472 = arith.constant 0 : i32
        %dma_wait3A_473 = tpu.memref_slice %arg7[%select_n3A, %dma_wait3A_467, %mul3A_64, %dma_wait3A_472] : memref<8x8x2048x128xf32, #tpu.memory_space<hbm>> -> memref<1x1x32x128xf32, #tpu.memory_space<hbm>>
        %dma_wait3A_474 = tpu.memref_squeeze %dma_wait3A_473 : memref<1x1x32x128xf32, #tpu.memory_space<hbm>> -> memref<32x128xf32, #tpu.memory_space<hbm>>
        %dma_wait3A_475 = arith.constant 0 : i32
        %dma_wait3A_476 = tpu.memref_slice %arg7[%select_n3A, %dma_wait3A_467, %mul3A_64, %dma_wait3A_475] : memref<8x8x2048x128xf32, #tpu.memory_space<hbm>> -> memref<1x1x32x128xf32, #tpu.memory_space<hbm>>
        %dma_wait3A_477 = tpu.memref_squeeze %dma_wait3A_476 : memref<1x1x32x128xf32, #tpu.memory_space<hbm>> -> memref<32x128xf32, #tpu.memory_space<hbm>>
        %dma_wait3A_478 = arith.constant 0 : i32
        %dma_wait3A_479 = arith.constant 0 : i32
        %dma_wait3A_480 = tpu.memref_slice %arg10[%dma_wait3A_478, %dma_wait3A_466, %dma_wait3A_479] : memref<32x8x128xf32, #tpu.memory_space<vmem>> -> memref<32x1x128xf32, #tpu.memory_space<vmem>>
        %dma_wait3A_481 = tpu.memref_squeeze %dma_wait3A_480 : memref<32x1x128xf32, #tpu.memory_space<vmem>> -> memref<32x128xf32, #tpu.memory_space<vmem>>
        tpu.wait_dma2 semaphore(%arg15 : memref<!tpu.dma_semaphore, #tpu.memory_space<semaphore_mem>>) src(%dma_wait3A_481 : memref<32x128xf32, #tpu.memory_space<vmem>>) dst(%dma_wait3A_477 : memref<32x128xf32, #tpu.memory_space<hbm>>)
        %dma_wait3A_482 = arith.constant 1 : i32
        %dma_wait3A_483 = arith.constant 1 : i32
        %dma_wait3A_484 = arith.constant 0 : i32
        %dma_wait3A_485 = arith.constant 0 : i32
        %dma_wait3A_486 = tpu.memref_slice %arg10[%dma_wait3A_484, %dma_wait3A_482, %dma_wait3A_485] : memref<32x8x128xf32, #tpu.memory_space<vmem>> -> memref<32x1x128xf32, #tpu.memory_space<vmem>>
        %dma_wait3A_487 = tpu.memref_squeeze %dma_wait3A_486 : memref<32x1x128xf32, #tpu.memory_space<vmem>> -> memref<32x128xf32, #tpu.memory_space<vmem>>
        %dma_wait3A_488 = arith.constant 0 : i32
        %dma_wait3A_489 = tpu.memref_slice %arg7[%select_n3A, %dma_wait3A_483, %mul3A_64, %dma_wait3A_488] : memref<8x8x2048x128xf32, #tpu.memory_space<hbm>> -> memref<1x1x32x128xf32, #tpu.memory_space<hbm>>
        %dma_wait3A_490 = tpu.memref_squeeze %dma_wait3A_489 : memref<1x1x32x128xf32, #tpu.memory_space<hbm>> -> memref<32x128xf32, #tpu.memory_space<hbm>>
        %dma_wait3A_491 = arith.constant 0 : i32
        %dma_wait3A_492 = tpu.memref_slice %arg7[%select_n3A, %dma_wait3A_483, %mul3A_64, %dma_wait3A_491] : memref<8x8x2048x128xf32, #tpu.memory_space<hbm>> -> memref<1x1x32x128xf32, #tpu.memory_space<hbm>>
        %dma_wait3A_493 = tpu.memref_squeeze %dma_wait3A_492 : memref<1x1x32x128xf32, #tpu.memory_space<hbm>> -> memref<32x128xf32, #tpu.memory_space<hbm>>
        %dma_wait3A_494 = arith.constant 0 : i32
        %dma_wait3A_495 = arith.constant 0 : i32
        %dma_wait3A_496 = tpu.memref_slice %arg10[%dma_wait3A_494, %dma_wait3A_482, %dma_wait3A_495] : memref<32x8x128xf32, #tpu.memory_space<vmem>> -> memref<32x1x128xf32, #tpu.memory_space<vmem>>
        %dma_wait3A_497 = tpu.memref_squeeze %dma_wait3A_496 : memref<32x1x128xf32, #tpu.memory_space<vmem>> -> memref<32x128xf32, #tpu.memory_space<vmem>>
        tpu.wait_dma2 semaphore(%arg15 : memref<!tpu.dma_semaphore, #tpu.memory_space<semaphore_mem>>) src(%dma_wait3A_497 : memref<32x128xf32, #tpu.memory_space<vmem>>) dst(%dma_wait3A_493 : memref<32x128xf32, #tpu.memory_space<hbm>>)
        %dma_wait3A_498 = arith.constant 2 : i32
        %dma_wait3A_499 = arith.constant 2 : i32
        %dma_wait3A_500 = arith.constant 0 : i32
        %dma_wait3A_501 = arith.constant 0 : i32
        %dma_wait3A_502 = tpu.memref_slice %arg10[%dma_wait3A_500, %dma_wait3A_498, %dma_wait3A_501] : memref<32x8x128xf32, #tpu.memory_space<vmem>> -> memref<32x1x128xf32, #tpu.memory_space<vmem>>
        %dma_wait3A_503 = tpu.memref_squeeze %dma_wait3A_502 : memref<32x1x128xf32, #tpu.memory_space<vmem>> -> memref<32x128xf32, #tpu.memory_space<vmem>>
        %dma_wait3A_504 = arith.constant 0 : i32
        %dma_wait3A_505 = tpu.memref_slice %arg7[%select_n3A, %dma_wait3A_499, %mul3A_64, %dma_wait3A_504] : memref<8x8x2048x128xf32, #tpu.memory_space<hbm>> -> memref<1x1x32x128xf32, #tpu.memory_space<hbm>>
        %dma_wait3A_506 = tpu.memref_squeeze %dma_wait3A_505 : memref<1x1x32x128xf32, #tpu.memory_space<hbm>> -> memref<32x128xf32, #tpu.memory_space<hbm>>
        %dma_wait3A_507 = arith.constant 0 : i32
        %dma_wait3A_508 = tpu.memref_slice %arg7[%select_n3A, %dma_wait3A_499, %mul3A_64, %dma_wait3A_507] : memref<8x8x2048x128xf32, #tpu.memory_space<hbm>> -> memref<1x1x32x128xf32, #tpu.memory_space<hbm>>
        %dma_wait3A_509 = tpu.memref_squeeze %dma_wait3A_508 : memref<1x1x32x128xf32, #tpu.memory_space<hbm>> -> memref<32x128xf32, #tpu.memory_space<hbm>>
        %dma_wait3A_510 = arith.constant 0 : i32
        %dma_wait3A_511 = arith.constant 0 : i32
        %dma_wait3A_512 = tpu.memref_slice %arg10[%dma_wait3A_510, %dma_wait3A_498, %dma_wait3A_511] : memref<32x8x128xf32, #tpu.memory_space<vmem>> -> memref<32x1x128xf32, #tpu.memory_space<vmem>>
        %dma_wait3A_513 = tpu.memref_squeeze %dma_wait3A_512 : memref<32x1x128xf32, #tpu.memory_space<vmem>> -> memref<32x128xf32, #tpu.memory_space<vmem>>
        tpu.wait_dma2 semaphore(%arg15 : memref<!tpu.dma_semaphore, #tpu.memory_space<semaphore_mem>>) src(%dma_wait3A_513 : memref<32x128xf32, #tpu.memory_space<vmem>>) dst(%dma_wait3A_509 : memref<32x128xf32, #tpu.memory_space<hbm>>)
        %dma_wait3A_514 = arith.constant 3 : i32
        %dma_wait3A_515 = arith.constant 3 : i32
        %dma_wait3A_516 = arith.constant 0 : i32
        %dma_wait3A_517 = arith.constant 0 : i32
        %dma_wait3A_518 = tpu.memref_slice %arg10[%dma_wait3A_516, %dma_wait3A_514, %dma_wait3A_517] : memref<32x8x128xf32, #tpu.memory_space<vmem>> -> memref<32x1x128xf32, #tpu.memory_space<vmem>>
        %dma_wait3A_519 = tpu.memref_squeeze %dma_wait3A_518 : memref<32x1x128xf32, #tpu.memory_space<vmem>> -> memref<32x128xf32, #tpu.memory_space<vmem>>
        %dma_wait3A_520 = arith.constant 0 : i32
        %dma_wait3A_521 = tpu.memref_slice %arg7[%select_n3A, %dma_wait3A_515, %mul3A_64, %dma_wait3A_520] : memref<8x8x2048x128xf32, #tpu.memory_space<hbm>> -> memref<1x1x32x128xf32, #tpu.memory_space<hbm>>
        %dma_wait3A_522 = tpu.memref_squeeze %dma_wait3A_521 : memref<1x1x32x128xf32, #tpu.memory_space<hbm>> -> memref<32x128xf32, #tpu.memory_space<hbm>>
        %dma_wait3A_523 = arith.constant 0 : i32
        %dma_wait3A_524 = tpu.memref_slice %arg7[%select_n3A, %dma_wait3A_515, %mul3A_64, %dma_wait3A_523] : memref<8x8x2048x128xf32, #tpu.memory_space<hbm>> -> memref<1x1x32x128xf32, #tpu.memory_space<hbm>>
        %dma_wait3A_525 = tpu.memref_squeeze %dma_wait3A_524 : memref<1x1x32x128xf32, #tpu.memory_space<hbm>> -> memref<32x128xf32, #tpu.memory_space<hbm>>
        %dma_wait3A_526 = arith.constant 0 : i32
        %dma_wait3A_527 = arith.constant 0 : i32
        %dma_wait3A_528 = tpu.memref_slice %arg10[%dma_wait3A_526, %dma_wait3A_514, %dma_wait3A_527] : memref<32x8x128xf32, #tpu.memory_space<vmem>> -> memref<32x1x128xf32, #tpu.memory_space<vmem>>
        %dma_wait3A_529 = tpu.memref_squeeze %dma_wait3A_528 : memref<32x1x128xf32, #tpu.memory_space<vmem>> -> memref<32x128xf32, #tpu.memory_space<vmem>>
        tpu.wait_dma2 semaphore(%arg15 : memref<!tpu.dma_semaphore, #tpu.memory_space<semaphore_mem>>) src(%dma_wait3A_529 : memref<32x128xf32, #tpu.memory_space<vmem>>) dst(%dma_wait3A_525 : memref<32x128xf32, #tpu.memory_space<hbm>>)
        %dma_wait3A_530 = arith.constant 4 : i32
        %dma_wait3A_531 = arith.constant 4 : i32
        %dma_wait3A_532 = arith.constant 0 : i32
        %dma_wait3A_533 = arith.constant 0 : i32
        %dma_wait3A_534 = tpu.memref_slice %arg10[%dma_wait3A_532, %dma_wait3A_530, %dma_wait3A_533] : memref<32x8x128xf32, #tpu.memory_space<vmem>> -> memref<32x1x128xf32, #tpu.memory_space<vmem>>
        %dma_wait3A_535 = tpu.memref_squeeze %dma_wait3A_534 : memref<32x1x128xf32, #tpu.memory_space<vmem>> -> memref<32x128xf32, #tpu.memory_space<vmem>>
        %dma_wait3A_536 = arith.constant 0 : i32
        %dma_wait3A_537 = tpu.memref_slice %arg7[%select_n3A, %dma_wait3A_531, %mul3A_64, %dma_wait3A_536] : memref<8x8x2048x128xf32, #tpu.memory_space<hbm>> -> memref<1x1x32x128xf32, #tpu.memory_space<hbm>>
        %dma_wait3A_538 = tpu.memref_squeeze %dma_wait3A_537 : memref<1x1x32x128xf32, #tpu.memory_space<hbm>> -> memref<32x128xf32, #tpu.memory_space<hbm>>
        %dma_wait3A_539 = arith.constant 0 : i32
        %dma_wait3A_540 = tpu.memref_slice %arg7[%select_n3A, %dma_wait3A_531, %mul3A_64, %dma_wait3A_539] : memref<8x8x2048x128xf32, #tpu.memory_space<hbm>> -> memref<1x1x32x128xf32, #tpu.memory_space<hbm>>
        %dma_wait3A_541 = tpu.memref_squeeze %dma_wait3A_540 : memref<1x1x32x128xf32, #tpu.memory_space<hbm>> -> memref<32x128xf32, #tpu.memory_space<hbm>>
        %dma_wait3A_542 = arith.constant 0 : i32
        %dma_wait3A_543 = arith.constant 0 : i32
        %dma_wait3A_544 = tpu.memref_slice %arg10[%dma_wait3A_542, %dma_wait3A_530, %dma_wait3A_543] : memref<32x8x128xf32, #tpu.memory_space<vmem>> -> memref<32x1x128xf32, #tpu.memory_space<vmem>>
        %dma_wait3A_545 = tpu.memref_squeeze %dma_wait3A_544 : memref<32x1x128xf32, #tpu.memory_space<vmem>> -> memref<32x128xf32, #tpu.memory_space<vmem>>
        tpu.wait_dma2 semaphore(%arg15 : memref<!tpu.dma_semaphore, #tpu.memory_space<semaphore_mem>>) src(%dma_wait3A_545 : memref<32x128xf32, #tpu.memory_space<vmem>>) dst(%dma_wait3A_541 : memref<32x128xf32, #tpu.memory_space<hbm>>)
        %dma_wait3A_546 = arith.constant 5 : i32
        %dma_wait3A_547 = arith.constant 5 : i32
        %dma_wait3A_548 = arith.constant 0 : i32
        %dma_wait3A_549 = arith.constant 0 : i32
        %dma_wait3A_550 = tpu.memref_slice %arg10[%dma_wait3A_548, %dma_wait3A_546, %dma_wait3A_549] : memref<32x8x128xf32, #tpu.memory_space<vmem>> -> memref<32x1x128xf32, #tpu.memory_space<vmem>>
        %dma_wait3A_551 = tpu.memref_squeeze %dma_wait3A_550 : memref<32x1x128xf32, #tpu.memory_space<vmem>> -> memref<32x128xf32, #tpu.memory_space<vmem>>
        %dma_wait3A_552 = arith.constant 0 : i32
        %dma_wait3A_553 = tpu.memref_slice %arg7[%select_n3A, %dma_wait3A_547, %mul3A_64, %dma_wait3A_552] : memref<8x8x2048x128xf32, #tpu.memory_space<hbm>> -> memref<1x1x32x128xf32, #tpu.memory_space<hbm>>
        %dma_wait3A_554 = tpu.memref_squeeze %dma_wait3A_553 : memref<1x1x32x128xf32, #tpu.memory_space<hbm>> -> memref<32x128xf32, #tpu.memory_space<hbm>>
        %dma_wait3A_555 = arith.constant 0 : i32
        %dma_wait3A_556 = tpu.memref_slice %arg7[%select_n3A, %dma_wait3A_547, %mul3A_64, %dma_wait3A_555] : memref<8x8x2048x128xf32, #tpu.memory_space<hbm>> -> memref<1x1x32x128xf32, #tpu.memory_space<hbm>>
        %dma_wait3A_557 = tpu.memref_squeeze %dma_wait3A_556 : memref<1x1x32x128xf32, #tpu.memory_space<hbm>> -> memref<32x128xf32, #tpu.memory_space<hbm>>
        %dma_wait3A_558 = arith.constant 0 : i32
        %dma_wait3A_559 = arith.constant 0 : i32
        %dma_wait3A_560 = tpu.memref_slice %arg10[%dma_wait3A_558, %dma_wait3A_546, %dma_wait3A_559] : memref<32x8x128xf32, #tpu.memory_space<vmem>> -> memref<32x1x128xf32, #tpu.memory_space<vmem>>
        %dma_wait3A_561 = tpu.memref_squeeze %dma_wait3A_560 : memref<32x1x128xf32, #tpu.memory_space<vmem>> -> memref<32x128xf32, #tpu.memory_space<vmem>>
        tpu.wait_dma2 semaphore(%arg15 : memref<!tpu.dma_semaphore, #tpu.memory_space<semaphore_mem>>) src(%dma_wait3A_561 : memref<32x128xf32, #tpu.memory_space<vmem>>) dst(%dma_wait3A_557 : memref<32x128xf32, #tpu.memory_space<hbm>>)
        %dma_wait3A_562 = arith.constant 6 : i32
        %dma_wait3A_563 = arith.constant 6 : i32
        %dma_wait3A_564 = arith.constant 0 : i32
        %dma_wait3A_565 = arith.constant 0 : i32
        %dma_wait3A_566 = tpu.memref_slice %arg10[%dma_wait3A_564, %dma_wait3A_562, %dma_wait3A_565] : memref<32x8x128xf32, #tpu.memory_space<vmem>> -> memref<32x1x128xf32, #tpu.memory_space<vmem>>
        %dma_wait3A_567 = tpu.memref_squeeze %dma_wait3A_566 : memref<32x1x128xf32, #tpu.memory_space<vmem>> -> memref<32x128xf32, #tpu.memory_space<vmem>>
        %dma_wait3A_568 = arith.constant 0 : i32
        %dma_wait3A_569 = tpu.memref_slice %arg7[%select_n3A, %dma_wait3A_563, %mul3A_64, %dma_wait3A_568] : memref<8x8x2048x128xf32, #tpu.memory_space<hbm>> -> memref<1x1x32x128xf32, #tpu.memory_space<hbm>>
        %dma_wait3A_570 = tpu.memref_squeeze %dma_wait3A_569 : memref<1x1x32x128xf32, #tpu.memory_space<hbm>> -> memref<32x128xf32, #tpu.memory_space<hbm>>
        %dma_wait3A_571 = arith.constant 0 : i32
        %dma_wait3A_572 = tpu.memref_slice %arg7[%select_n3A, %dma_wait3A_563, %mul3A_64, %dma_wait3A_571] : memref<8x8x2048x128xf32, #tpu.memory_space<hbm>> -> memref<1x1x32x128xf32, #tpu.memory_space<hbm>>
        %dma_wait3A_573 = tpu.memref_squeeze %dma_wait3A_572 : memref<1x1x32x128xf32, #tpu.memory_space<hbm>> -> memref<32x128xf32, #tpu.memory_space<hbm>>
        %dma_wait3A_574 = arith.constant 0 : i32
        %dma_wait3A_575 = arith.constant 0 : i32
        %dma_wait3A_576 = tpu.memref_slice %arg10[%dma_wait3A_574, %dma_wait3A_562, %dma_wait3A_575] : memref<32x8x128xf32, #tpu.memory_space<vmem>> -> memref<32x1x128xf32, #tpu.memory_space<vmem>>
        %dma_wait3A_577 = tpu.memref_squeeze %dma_wait3A_576 : memref<32x1x128xf32, #tpu.memory_space<vmem>> -> memref<32x128xf32, #tpu.memory_space<vmem>>
        tpu.wait_dma2 semaphore(%arg15 : memref<!tpu.dma_semaphore, #tpu.memory_space<semaphore_mem>>) src(%dma_wait3A_577 : memref<32x128xf32, #tpu.memory_space<vmem>>) dst(%dma_wait3A_573 : memref<32x128xf32, #tpu.memory_space<hbm>>)
        %dma_wait3A_578 = arith.constant 7 : i32
        %dma_wait3A_579 = arith.constant 7 : i32
        %dma_wait3A_580 = arith.constant 0 : i32
        %dma_wait3A_581 = arith.constant 0 : i32
        %dma_wait3A_582 = tpu.memref_slice %arg10[%dma_wait3A_580, %dma_wait3A_578, %dma_wait3A_581] : memref<32x8x128xf32, #tpu.memory_space<vmem>> -> memref<32x1x128xf32, #tpu.memory_space<vmem>>
        %dma_wait3A_583 = tpu.memref_squeeze %dma_wait3A_582 : memref<32x1x128xf32, #tpu.memory_space<vmem>> -> memref<32x128xf32, #tpu.memory_space<vmem>>
        %dma_wait3A_584 = arith.constant 0 : i32
        %dma_wait3A_585 = tpu.memref_slice %arg7[%select_n3A, %dma_wait3A_579, %mul3A_64, %dma_wait3A_584] : memref<8x8x2048x128xf32, #tpu.memory_space<hbm>> -> memref<1x1x32x128xf32, #tpu.memory_space<hbm>>
        %dma_wait3A_586 = tpu.memref_squeeze %dma_wait3A_585 : memref<1x1x32x128xf32, #tpu.memory_space<hbm>> -> memref<32x128xf32, #tpu.memory_space<hbm>>
        %dma_wait3A_587 = arith.constant 0 : i32
        %dma_wait3A_588 = tpu.memref_slice %arg7[%select_n3A, %dma_wait3A_579, %mul3A_64, %dma_wait3A_587] : memref<8x8x2048x128xf32, #tpu.memory_space<hbm>> -> memref<1x1x32x128xf32, #tpu.memory_space<hbm>>
        %dma_wait3A_589 = tpu.memref_squeeze %dma_wait3A_588 : memref<1x1x32x128xf32, #tpu.memory_space<hbm>> -> memref<32x128xf32, #tpu.memory_space<hbm>>
        %dma_wait3A_590 = arith.constant 0 : i32
        %dma_wait3A_591 = arith.constant 0 : i32
        %dma_wait3A_592 = tpu.memref_slice %arg10[%dma_wait3A_590, %dma_wait3A_578, %dma_wait3A_591] : memref<32x8x128xf32, #tpu.memory_space<vmem>> -> memref<32x1x128xf32, #tpu.memory_space<vmem>>
        %dma_wait3A_593 = tpu.memref_squeeze %dma_wait3A_592 : memref<32x1x128xf32, #tpu.memory_space<vmem>> -> memref<32x128xf32, #tpu.memory_space<vmem>>
        tpu.wait_dma2 semaphore(%arg15 : memref<!tpu.dma_semaphore, #tpu.memory_space<semaphore_mem>>) src(%dma_wait3A_593 : memref<32x128xf32, #tpu.memory_space<vmem>>) dst(%dma_wait3A_589 : memref<32x128xf32, #tpu.memory_space<hbm>>)
      } else {
      }
    }
    %scan3A_5 = arith.constant 16 : i32
    return
  }
}

#map = affine_map<(d0, d1) -> (0, 0, 0)>
#map1 = affine_map<(d0, d1) -> (0)>
#map2 = affine_map<(d0, d1) -> (0, 0, 0, 0)>
module attributes {stable_mosaic.version = 14 : i64} {
  func.func @sc_gather_b8(%arg0: i32, %arg1: i32, %arg2: memref<32768x8x128xf32, #tpu.memory_space<hbm>>, %arg3: memref<32768x8x128xf32, #tpu.memory_space<hbm>>, %arg4: memref<32768xi32, #tpu.memory_space<hbm>>, %arg5: memref<16xf32, #tpu.memory_space<hbm>>, %arg6: memref<8x8x2048x128xf32, #tpu.memory_space<hbm>>, %arg7: memref<8x8x2048x128xf32, #tpu.memory_space<hbm>>, %arg8: memref<32xi32, #tpu.memory_space<vmem>>, %arg9: memref<32x8x128xf32, #tpu.memory_space<vmem>>, %arg10: memref<32x8x128xf32, #tpu.memory_space<vmem>>, %arg11: memref<16xf32, #tpu.memory_space<vmem>>, %arg12: memref<!tpu.dma_semaphore, #tpu.memory_space<semaphore_mem>>, %arg13: memref<!tpu.dma_semaphore, #tpu.memory_space<semaphore_mem>>, %arg14: memref<!tpu.dma_semaphore, #tpu.memory_space<semaphore_mem>>, %arg15: memref<!tpu.dma_semaphore, #tpu.memory_space<semaphore_mem>>) attributes {dimension_semantics = [#tpu.dimension_semantics<core_parallel>, #tpu.dimension_semantics<subcore_parallel>], iteration_bounds = array<i64: 2, 16>, scalar_prefetch = 0 : i64, scratch_operands = 8 : i64, tpu.core_type = #tpu.core_type<sc_vector_subcore>, window_params = [{transform_indices = #map}, {transform_indices = #map}, {transform_indices = #map1}, {transform_indices = #map1}, {transform_indices = #map2}, {transform_indices = #map2}]} {
    %mul3A = arith.constant 2 : i32
    %mul3A_0 = arith.muli %arg1, %mul3A : i32
    %add3A = arith.addi %mul3A_0, %arg0 : i32
    "tpu.region"() ({
      %run_scoped3A = tpu.sem_alloc : memref<!tpu.dma_semaphore, #tpu.memory_space<semaphore_mem>>
      tpu.enqueue_dma source(%arg5 : memref<16xf32, #tpu.memory_space<hbm>>) target(%arg11 : memref<16xf32, #tpu.memory_space<vmem>>) target_semaphore(%run_scoped3A : memref<!tpu.dma_semaphore, #tpu.memory_space<semaphore_mem>>)
      tpu.wait_dma2 semaphore(%run_scoped3A : memref<!tpu.dma_semaphore, #tpu.memory_space<semaphore_mem>>) src(%arg5 : memref<16xf32, #tpu.memory_space<hbm>>) dst(%arg11 : memref<16xf32, #tpu.memory_space<vmem>>)
      tpu.yield
    }) : () -> ()
    %iota3A = tpu.iota {dimensions = array<i32: 0>} : vector<16xi32>
    %scan3A = arith.constant 0 : i32
    %scan3A_1 = arith.constant 0 : i32
    %scan3A_2 = arith.constant 16 : i32
    %scan3A_3 = arith.addi %scan3A_1, %scan3A_2 : i32
    %scan3A_4 = arith.constant 1 : i32
    scf.for %scan3A_6 = %scan3A_1 to %scan3A_3 step %scan3A_4  : i32 {
      %jit3A = arith.constant 2 : i32
      %div3A = arith.divsi %scan3A_6, %jit3A : i32
      %sign3A = arith.constant 0 : i32
      %sign3A_7 = arith.cmpi sgt, %scan3A_6, %sign3A : i32
      %sign3A_8 = arith.extui %sign3A_7 : i1 to i32
      %sign3A_9 = arith.constant 0 : i32
      %sign3A_10 = arith.cmpi slt, %scan3A_6, %sign3A_9 : i32
      %sign3A_11 = arith.extui %sign3A_10 : i1 to i32
      %sign3A_12 = arith.subi %sign3A_8, %sign3A_11 : i32
      %sign3A_13 = arith.constant 0 : i32
      %sign3A_14 = arith.cmpi sgt, %jit3A, %sign3A_13 : i32
      %sign3A_15 = arith.extui %sign3A_14 : i1 to i32
      %sign3A_16 = arith.constant 0 : i32
      %sign3A_17 = arith.cmpi slt, %jit3A, %sign3A_16 : i32
      %sign3A_18 = arith.extui %sign3A_17 : i1 to i32
      %sign3A_19 = arith.subi %sign3A_15, %sign3A_18 : i32
      %ne3A = arith.cmpi ne, %sign3A_12, %sign3A_19 : i32
      %rem3A = arith.remsi %scan3A_6, %jit3A : i32
      %ne3A_20 = arith.constant 0 : i32
      %ne3A_21 = arith.cmpi ne, %rem3A, %ne3A_20 : i32
      %and3A = arith.andi %ne3A, %ne3A_21 : i1
      %sub3A = arith.constant 1 : i32
      %sub3A_22 = arith.subi %div3A, %sub3A : i32
      %select_n3A = arith.select %and3A, %sub3A_22, %div3A : i32
      %jit3A_23 = arith.constant 2 : i32
      %eq3A = arith.constant 0 : i32
      %eq3A_24 = arith.cmpi eq, %jit3A_23, %eq3A : i32
      %jit3A_25 = arith.constant 1 : i32
      %select_n3A_26 = arith.select %eq3A_24, %jit3A_25, %jit3A_23 : i32
      %rem3A_27 = arith.remsi %scan3A_6, %select_n3A_26 : i32
      %ne3A_28 = arith.constant 0 : i32
      %ne3A_29 = arith.cmpi ne, %rem3A_27, %ne3A_28 : i32
      %lt3A = arith.constant 0 : i32
      %lt3A_30 = arith.cmpi slt, %rem3A_27, %lt3A : i32
      %lt3A_31 = arith.constant 0 : i32
      %lt3A_32 = arith.cmpi slt, %select_n3A_26, %lt3A_31 : i32
      %ne3A_33 = arith.xori %lt3A_30, %lt3A_32 : i1
      %and3A_34 = arith.andi %ne3A_33, %ne3A_29 : i1
      %add3A_35 = arith.addi %rem3A_27, %select_n3A_26 : i32
      %select_n3A_36 = arith.select %and3A_34, %add3A_35, %rem3A_27 : i32
      %add3A_37 = arith.constant 32 : i32
      %add3A_38 = arith.addi %add3A, %add3A_37 : i32
      %mul3A_39 = arith.constant 4 : i32
      %mul3A_40 = arith.muli %mul3A_39, %select_n3A : i32
      %sub3A_41 = arith.subi %add3A_38, %mul3A_40 : i32
      %rem3A_42 = arith.constant 32 : i32
      %rem3A_43 = arith.remsi %sub3A_41, %rem3A_42 : i32
      %mul3A_44 = arith.constant 32 : i32
      %mul3A_45 = arith.muli %mul3A_44, %select_n3A_36 : i32
      %add3A_46 = arith.addi %rem3A_43, %mul3A_45 : i32
      %add3A_47 = arith.constant 8 : i32
      %add3A_48 = arith.addi %add3A_47, %select_n3A : i32
      %eq3A_49 = vector.broadcast %add3A_48 : i32 to vector<16xi32>
      %eq3A_50 = arith.cmpi eq, %iota3A, %eq3A_49 : vector<16xi32>
      %get3A = arith.constant 0 : index
      %get3A_51 = tpu.vector_load %arg11[%get3A] {strides = array<i32>} : memref<16xf32, #tpu.memory_space<vmem>>, vector<16xf32>,
      %jit3A_52 = arith.constant 0.000000e+00 : f32
      %broadcast_in_dim3A = vector.broadcast %jit3A_52 : f32 to vector<16xf32>
      %select_n3A_53 = arith.select %eq3A_50, %get3A_51, %broadcast_in_dim3A : vector<16xi1>, vector<16xf32>
      %reduce_sum3A = arith.constant true
      %reduce_sum3A_54 = vector.broadcast %reduce_sum3A : i1 to vector<16xi1>
      %reduce_sum3A_55 = tpu.scan <sum>, %select_n3A_53 masked %reduce_sum3A_54 : vector<16xf32>, vector<16xi1> -> vector<16xf32>
      %reduce_sum3A_56 = vector.extract %reduce_sum3A_55[15] : f32 from vector<16xf32>
      %eq3A_57 = arith.constant 0 : i32
      %eq3A_58 = arith.cmpi eq, %add3A_46, %eq3A_57 : i32
      %mul3A_59 = arith.constant 32 : i32
      %mul3A_60 = arith.muli %add3A_46, %mul3A_59 : i32
      %convert_element_type3A = arith.sitofp %mul3A_60 : i32 to f32
      %gt3A = arith.cmpf ogt, %reduce_sum3A_56, %convert_element_type3A : f32
      %or3A = arith.ori %eq3A_58, %gt3A : i1
      %convert_element_type3A_61 = arith.extui %or3A : i1 to i32
      %cond3A = arith.constant 0 : i32
      %cond3A_62 = arith.cmpi ne, %convert_element_type3A_61, %cond3A : i32
      scf.if %cond3A_62 {
        %mul3A_63 = arith.constant 32 : i32
        %mul3A_64 = arith.muli %add3A_46, %mul3A_63 : i32
        %mul3A_65 = arith.constant 2048 : i32
        %mul3A_66 = arith.muli %add3A_48, %mul3A_65 : i32
        %add3A_67 = arith.addi %mul3A_66, %mul3A_64 : i32
        "tpu.region"() ({
          %run_scoped3A = tpu.sem_alloc : memref<!tpu.dma_semaphore, #tpu.memory_space<semaphore_mem>>
          %dma_start3A_594 = tpu.memref_slice %arg4[%add3A_67] : memref<32768xi32, #tpu.memory_space<hbm>> -> memref<32xi32, #tpu.memory_space<hbm>>
          %dma_start3A_595 = tpu.memref_slice %arg4[%add3A_67] : memref<32768xi32, #tpu.memory_space<hbm>> -> memref<32xi32, #tpu.memory_space<hbm>>
          tpu.enqueue_dma source(%dma_start3A_595 : memref<32xi32, #tpu.memory_space<hbm>>) target(%arg8 : memref<32xi32, #tpu.memory_space<vmem>>) target_semaphore(%run_scoped3A : memref<!tpu.dma_semaphore, #tpu.memory_space<semaphore_mem>>)
          %dma_wait3A_596 = tpu.memref_slice %arg4[%add3A_67] : memref<32768xi32, #tpu.memory_space<hbm>> -> memref<32xi32, #tpu.memory_space<hbm>>
          %dma_wait3A_597 = tpu.memref_slice %arg4[%add3A_67] : memref<32768xi32, #tpu.memory_space<hbm>> -> memref<32xi32, #tpu.memory_space<hbm>>
          tpu.wait_dma2 semaphore(%run_scoped3A : memref<!tpu.dma_semaphore, #tpu.memory_space<semaphore_mem>>) src(%dma_wait3A_597 : memref<32xi32, #tpu.memory_space<hbm>>) dst(%arg8 : memref<32xi32, #tpu.memory_space<vmem>>)
          tpu.yield
        }) : () -> ()
        %dma_start3A = arith.constant 0 : i32
        %dma_start3A_68 = arith.constant 0 : i32
        %dma_start3A_69 = arith.constant 0 : i32
        %dma_start3A_70 = tpu.memref_slice %arg2[%dma_start3A, %dma_start3A_68, %dma_start3A_69] : memref<32768x8x128xf32, #tpu.memory_space<hbm>> -> memref<32768x8x128xf32, #tpu.memory_space<hbm>>
        tpu.enqueue_indirect_dma source(%dma_start3A_70 : memref<32768x8x128xf32, #tpu.memory_space<hbm>>) target(%arg9 : memref<32x8x128xf32, #tpu.memory_space<vmem>>) offsets(%arg8 : memref<32xi32, #tpu.memory_space<vmem>>) semaphore(%arg12 : memref<!tpu.dma_semaphore, #tpu.memory_space<semaphore_mem>>)
        %dma_start3A_71 = arith.constant 0 : i32
        %dma_start3A_72 = arith.constant 0 : i32
        %dma_start3A_73 = arith.constant 0 : i32
        %dma_start3A_74 = tpu.memref_slice %arg3[%dma_start3A_71, %dma_start3A_72, %dma_start3A_73] : memref<32768x8x128xf32, #tpu.memory_space<hbm>> -> memref<32768x8x128xf32, #tpu.memory_space<hbm>>
        tpu.enqueue_indirect_dma source(%dma_start3A_74 : memref<32768x8x128xf32, #tpu.memory_space<hbm>>) target(%arg10 : memref<32x8x128xf32, #tpu.memory_space<vmem>>) offsets(%arg8 : memref<32xi32, #tpu.memory_space<vmem>>) semaphore(%arg13 : memref<!tpu.dma_semaphore, #tpu.memory_space<semaphore_mem>>)
        %dma_wait3A = arith.constant 0 : i32
        %dma_wait3A_75 = arith.constant 0 : i32
        %dma_wait3A_76 = arith.constant 0 : i32
        %dma_wait3A_77 = tpu.memref_slice %arg2[%dma_wait3A, %dma_wait3A_75, %dma_wait3A_76] : memref<32768x8x128xf32, #tpu.memory_space<hbm>> -> memref<32768x8x128xf32, #tpu.memory_space<hbm>>
        tpu.wait_indirect_dma semaphore(%arg12 : memref<!tpu.dma_semaphore, #tpu.memory_space<semaphore_mem>>) src(%dma_wait3A_77 : memref<32768x8x128xf32, #tpu.memory_space<hbm>>) dst(%arg9 : memref<32x8x128xf32, #tpu.memory_space<vmem>>)
        %dma_start3A_78 = arith.constant 0 : i32
        %dma_start3A_79 = arith.constant 0 : i32
        %dma_start3A_80 = arith.constant 0 : i32
        %dma_start3A_81 = arith.constant 0 : i32
        %dma_start3A_82 = tpu.memref_slice %arg9[%dma_start3A_80, %dma_start3A_78, %dma_start3A_81] : memref<32x8x128xf32, #tpu.memory_space<vmem>> -> memref<32x1x128xf32, #tpu.memory_space<vmem>>
        %dma_start3A_83 = tpu.memref_squeeze %dma_start3A_82 : memref<32x1x128xf32, #tpu.memory_space<vmem>> -> memref<32x128xf32, #tpu.memory_space<vmem>>
        %dma_start3A_84 = arith.constant 0 : i32
        %dma_start3A_85 = tpu.memref_slice %arg6[%select_n3A, %dma_start3A_79, %mul3A_64, %dma_start3A_84] : memref<8x8x2048x128xf32, #tpu.memory_space<hbm>> -> memref<1x1x32x128xf32, #tpu.memory_space<hbm>>
        %dma_start3A_86 = tpu.memref_squeeze %dma_start3A_85 : memref<1x1x32x128xf32, #tpu.memory_space<hbm>> -> memref<32x128xf32, #tpu.memory_space<hbm>>
        %dma_start3A_87 = arith.constant 0 : i32
        %dma_start3A_88 = tpu.memref_slice %arg6[%select_n3A, %dma_start3A_79, %mul3A_64, %dma_start3A_87] : memref<8x8x2048x128xf32, #tpu.memory_space<hbm>> -> memref<1x1x32x128xf32, #tpu.memory_space<hbm>>
        %dma_start3A_89 = tpu.memref_squeeze %dma_start3A_88 : memref<1x1x32x128xf32, #tpu.memory_space<hbm>> -> memref<32x128xf32, #tpu.memory_space<hbm>>
        %dma_start3A_90 = arith.constant 0 : i32
        %dma_start3A_91 = arith.constant 0 : i32
        %dma_start3A_92 = tpu.memref_slice %arg9[%dma_start3A_90, %dma_start3A_78, %dma_start3A_91] : memref<32x8x128xf32, #tpu.memory_space<vmem>> -> memref<32x1x128xf32, #tpu.memory_space<vmem>>
        %dma_start3A_93 = tpu.memref_squeeze %dma_start3A_92 : memref<32x1x128xf32, #tpu.memory_space<vmem>> -> memref<32x128xf32, #tpu.memory_space<vmem>>
        tpu.enqueue_dma source(%dma_start3A_93 : memref<32x128xf32, #tpu.memory_space<vmem>>) target(%dma_start3A_89 : memref<32x128xf32, #tpu.memory_space<hbm>>) target_semaphore(%arg14 : memref<!tpu.dma_semaphore, #tpu.memory_space<semaphore_mem>>)
        %dma_start3A_94 = arith.constant 1 : i32
        %dma_start3A_95 = arith.constant 1 : i32
        %dma_start3A_96 = arith.constant 0 : i32
        %dma_start3A_97 = arith.constant 0 : i32
        %dma_start3A_98 = tpu.memref_slice %arg9[%dma_start3A_96, %dma_start3A_94, %dma_start3A_97] : memref<32x8x128xf32, #tpu.memory_space<vmem>> -> memref<32x1x128xf32, #tpu.memory_space<vmem>>
        %dma_start3A_99 = tpu.memref_squeeze %dma_start3A_98 : memref<32x1x128xf32, #tpu.memory_space<vmem>> -> memref<32x128xf32, #tpu.memory_space<vmem>>
        %dma_start3A_100 = arith.constant 0 : i32
        %dma_start3A_101 = tpu.memref_slice %arg6[%select_n3A, %dma_start3A_95, %mul3A_64, %dma_start3A_100] : memref<8x8x2048x128xf32, #tpu.memory_space<hbm>> -> memref<1x1x32x128xf32, #tpu.memory_space<hbm>>
        %dma_start3A_102 = tpu.memref_squeeze %dma_start3A_101 : memref<1x1x32x128xf32, #tpu.memory_space<hbm>> -> memref<32x128xf32, #tpu.memory_space<hbm>>
        %dma_start3A_103 = arith.constant 0 : i32
        %dma_start3A_104 = tpu.memref_slice %arg6[%select_n3A, %dma_start3A_95, %mul3A_64, %dma_start3A_103] : memref<8x8x2048x128xf32, #tpu.memory_space<hbm>> -> memref<1x1x32x128xf32, #tpu.memory_space<hbm>>
        %dma_start3A_105 = tpu.memref_squeeze %dma_start3A_104 : memref<1x1x32x128xf32, #tpu.memory_space<hbm>> -> memref<32x128xf32, #tpu.memory_space<hbm>>
        %dma_start3A_106 = arith.constant 0 : i32
        %dma_start3A_107 = arith.constant 0 : i32
        %dma_start3A_108 = tpu.memref_slice %arg9[%dma_start3A_106, %dma_start3A_94, %dma_start3A_107] : memref<32x8x128xf32, #tpu.memory_space<vmem>> -> memref<32x1x128xf32, #tpu.memory_space<vmem>>
        %dma_start3A_109 = tpu.memref_squeeze %dma_start3A_108 : memref<32x1x128xf32, #tpu.memory_space<vmem>> -> memref<32x128xf32, #tpu.memory_space<vmem>>
        tpu.enqueue_dma source(%dma_start3A_109 : memref<32x128xf32, #tpu.memory_space<vmem>>) target(%dma_start3A_105 : memref<32x128xf32, #tpu.memory_space<hbm>>) target_semaphore(%arg14 : memref<!tpu.dma_semaphore, #tpu.memory_space<semaphore_mem>>)
        %dma_start3A_110 = arith.constant 2 : i32
        %dma_start3A_111 = arith.constant 2 : i32
        %dma_start3A_112 = arith.constant 0 : i32
        %dma_start3A_113 = arith.constant 0 : i32
        %dma_start3A_114 = tpu.memref_slice %arg9[%dma_start3A_112, %dma_start3A_110, %dma_start3A_113] : memref<32x8x128xf32, #tpu.memory_space<vmem>> -> memref<32x1x128xf32, #tpu.memory_space<vmem>>
        %dma_start3A_115 = tpu.memref_squeeze %dma_start3A_114 : memref<32x1x128xf32, #tpu.memory_space<vmem>> -> memref<32x128xf32, #tpu.memory_space<vmem>>
        %dma_start3A_116 = arith.constant 0 : i32
        %dma_start3A_117 = tpu.memref_slice %arg6[%select_n3A, %dma_start3A_111, %mul3A_64, %dma_start3A_116] : memref<8x8x2048x128xf32, #tpu.memory_space<hbm>> -> memref<1x1x32x128xf32, #tpu.memory_space<hbm>>
        %dma_start3A_118 = tpu.memref_squeeze %dma_start3A_117 : memref<1x1x32x128xf32, #tpu.memory_space<hbm>> -> memref<32x128xf32, #tpu.memory_space<hbm>>
        %dma_start3A_119 = arith.constant 0 : i32
        %dma_start3A_120 = tpu.memref_slice %arg6[%select_n3A, %dma_start3A_111, %mul3A_64, %dma_start3A_119] : memref<8x8x2048x128xf32, #tpu.memory_space<hbm>> -> memref<1x1x32x128xf32, #tpu.memory_space<hbm>>
        %dma_start3A_121 = tpu.memref_squeeze %dma_start3A_120 : memref<1x1x32x128xf32, #tpu.memory_space<hbm>> -> memref<32x128xf32, #tpu.memory_space<hbm>>
        %dma_start3A_122 = arith.constant 0 : i32
        %dma_start3A_123 = arith.constant 0 : i32
        %dma_start3A_124 = tpu.memref_slice %arg9[%dma_start3A_122, %dma_start3A_110, %dma_start3A_123] : memref<32x8x128xf32, #tpu.memory_space<vmem>> -> memref<32x1x128xf32, #tpu.memory_space<vmem>>
        %dma_start3A_125 = tpu.memref_squeeze %dma_start3A_124 : memref<32x1x128xf32, #tpu.memory_space<vmem>> -> memref<32x128xf32, #tpu.memory_space<vmem>>
        tpu.enqueue_dma source(%dma_start3A_125 : memref<32x128xf32, #tpu.memory_space<vmem>>) target(%dma_start3A_121 : memref<32x128xf32, #tpu.memory_space<hbm>>) target_semaphore(%arg14 : memref<!tpu.dma_semaphore, #tpu.memory_space<semaphore_mem>>)
        %dma_start3A_126 = arith.constant 3 : i32
        %dma_start3A_127 = arith.constant 3 : i32
        %dma_start3A_128 = arith.constant 0 : i32
        %dma_start3A_129 = arith.constant 0 : i32
        %dma_start3A_130 = tpu.memref_slice %arg9[%dma_start3A_128, %dma_start3A_126, %dma_start3A_129] : memref<32x8x128xf32, #tpu.memory_space<vmem>> -> memref<32x1x128xf32, #tpu.memory_space<vmem>>
        %dma_start3A_131 = tpu.memref_squeeze %dma_start3A_130 : memref<32x1x128xf32, #tpu.memory_space<vmem>> -> memref<32x128xf32, #tpu.memory_space<vmem>>
        %dma_start3A_132 = arith.constant 0 : i32
        %dma_start3A_133 = tpu.memref_slice %arg6[%select_n3A, %dma_start3A_127, %mul3A_64, %dma_start3A_132] : memref<8x8x2048x128xf32, #tpu.memory_space<hbm>> -> memref<1x1x32x128xf32, #tpu.memory_space<hbm>>
        %dma_start3A_134 = tpu.memref_squeeze %dma_start3A_133 : memref<1x1x32x128xf32, #tpu.memory_space<hbm>> -> memref<32x128xf32, #tpu.memory_space<hbm>>
        %dma_start3A_135 = arith.constant 0 : i32
        %dma_start3A_136 = tpu.memref_slice %arg6[%select_n3A, %dma_start3A_127, %mul3A_64, %dma_start3A_135] : memref<8x8x2048x128xf32, #tpu.memory_space<hbm>> -> memref<1x1x32x128xf32, #tpu.memory_space<hbm>>
        %dma_start3A_137 = tpu.memref_squeeze %dma_start3A_136 : memref<1x1x32x128xf32, #tpu.memory_space<hbm>> -> memref<32x128xf32, #tpu.memory_space<hbm>>
        %dma_start3A_138 = arith.constant 0 : i32
        %dma_start3A_139 = arith.constant 0 : i32
        %dma_start3A_140 = tpu.memref_slice %arg9[%dma_start3A_138, %dma_start3A_126, %dma_start3A_139] : memref<32x8x128xf32, #tpu.memory_space<vmem>> -> memref<32x1x128xf32, #tpu.memory_space<vmem>>
        %dma_start3A_141 = tpu.memref_squeeze %dma_start3A_140 : memref<32x1x128xf32, #tpu.memory_space<vmem>> -> memref<32x128xf32, #tpu.memory_space<vmem>>
        tpu.enqueue_dma source(%dma_start3A_141 : memref<32x128xf32, #tpu.memory_space<vmem>>) target(%dma_start3A_137 : memref<32x128xf32, #tpu.memory_space<hbm>>) target_semaphore(%arg14 : memref<!tpu.dma_semaphore, #tpu.memory_space<semaphore_mem>>)
        %dma_start3A_142 = arith.constant 4 : i32
        %dma_start3A_143 = arith.constant 4 : i32
        %dma_start3A_144 = arith.constant 0 : i32
        %dma_start3A_145 = arith.constant 0 : i32
        %dma_start3A_146 = tpu.memref_slice %arg9[%dma_start3A_144, %dma_start3A_142, %dma_start3A_145] : memref<32x8x128xf32, #tpu.memory_space<vmem>> -> memref<32x1x128xf32, #tpu.memory_space<vmem>>
        %dma_start3A_147 = tpu.memref_squeeze %dma_start3A_146 : memref<32x1x128xf32, #tpu.memory_space<vmem>> -> memref<32x128xf32, #tpu.memory_space<vmem>>
        %dma_start3A_148 = arith.constant 0 : i32
        %dma_start3A_149 = tpu.memref_slice %arg6[%select_n3A, %dma_start3A_143, %mul3A_64, %dma_start3A_148] : memref<8x8x2048x128xf32, #tpu.memory_space<hbm>> -> memref<1x1x32x128xf32, #tpu.memory_space<hbm>>
        %dma_start3A_150 = tpu.memref_squeeze %dma_start3A_149 : memref<1x1x32x128xf32, #tpu.memory_space<hbm>> -> memref<32x128xf32, #tpu.memory_space<hbm>>
        %dma_start3A_151 = arith.constant 0 : i32
        %dma_start3A_152 = tpu.memref_slice %arg6[%select_n3A, %dma_start3A_143, %mul3A_64, %dma_start3A_151] : memref<8x8x2048x128xf32, #tpu.memory_space<hbm>> -> memref<1x1x32x128xf32, #tpu.memory_space<hbm>>
        %dma_start3A_153 = tpu.memref_squeeze %dma_start3A_152 : memref<1x1x32x128xf32, #tpu.memory_space<hbm>> -> memref<32x128xf32, #tpu.memory_space<hbm>>
        %dma_start3A_154 = arith.constant 0 : i32
        %dma_start3A_155 = arith.constant 0 : i32
        %dma_start3A_156 = tpu.memref_slice %arg9[%dma_start3A_154, %dma_start3A_142, %dma_start3A_155] : memref<32x8x128xf32, #tpu.memory_space<vmem>> -> memref<32x1x128xf32, #tpu.memory_space<vmem>>
        %dma_start3A_157 = tpu.memref_squeeze %dma_start3A_156 : memref<32x1x128xf32, #tpu.memory_space<vmem>> -> memref<32x128xf32, #tpu.memory_space<vmem>>
        tpu.enqueue_dma source(%dma_start3A_157 : memref<32x128xf32, #tpu.memory_space<vmem>>) target(%dma_start3A_153 : memref<32x128xf32, #tpu.memory_space<hbm>>) target_semaphore(%arg14 : memref<!tpu.dma_semaphore, #tpu.memory_space<semaphore_mem>>)
        %dma_start3A_158 = arith.constant 5 : i32
        %dma_start3A_159 = arith.constant 5 : i32
        %dma_start3A_160 = arith.constant 0 : i32
        %dma_start3A_161 = arith.constant 0 : i32
        %dma_start3A_162 = tpu.memref_slice %arg9[%dma_start3A_160, %dma_start3A_158, %dma_start3A_161] : memref<32x8x128xf32, #tpu.memory_space<vmem>> -> memref<32x1x128xf32, #tpu.memory_space<vmem>>
        %dma_start3A_163 = tpu.memref_squeeze %dma_start3A_162 : memref<32x1x128xf32, #tpu.memory_space<vmem>> -> memref<32x128xf32, #tpu.memory_space<vmem>>
        %dma_start3A_164 = arith.constant 0 : i32
        %dma_start3A_165 = tpu.memref_slice %arg6[%select_n3A, %dma_start3A_159, %mul3A_64, %dma_start3A_164] : memref<8x8x2048x128xf32, #tpu.memory_space<hbm>> -> memref<1x1x32x128xf32, #tpu.memory_space<hbm>>
        %dma_start3A_166 = tpu.memref_squeeze %dma_start3A_165 : memref<1x1x32x128xf32, #tpu.memory_space<hbm>> -> memref<32x128xf32, #tpu.memory_space<hbm>>
        %dma_start3A_167 = arith.constant 0 : i32
        %dma_start3A_168 = tpu.memref_slice %arg6[%select_n3A, %dma_start3A_159, %mul3A_64, %dma_start3A_167] : memref<8x8x2048x128xf32, #tpu.memory_space<hbm>> -> memref<1x1x32x128xf32, #tpu.memory_space<hbm>>
        %dma_start3A_169 = tpu.memref_squeeze %dma_start3A_168 : memref<1x1x32x128xf32, #tpu.memory_space<hbm>> -> memref<32x128xf32, #tpu.memory_space<hbm>>
        %dma_start3A_170 = arith.constant 0 : i32
        %dma_start3A_171 = arith.constant 0 : i32
        %dma_start3A_172 = tpu.memref_slice %arg9[%dma_start3A_170, %dma_start3A_158, %dma_start3A_171] : memref<32x8x128xf32, #tpu.memory_space<vmem>> -> memref<32x1x128xf32, #tpu.memory_space<vmem>>
        %dma_start3A_173 = tpu.memref_squeeze %dma_start3A_172 : memref<32x1x128xf32, #tpu.memory_space<vmem>> -> memref<32x128xf32, #tpu.memory_space<vmem>>
        tpu.enqueue_dma source(%dma_start3A_173 : memref<32x128xf32, #tpu.memory_space<vmem>>) target(%dma_start3A_169 : memref<32x128xf32, #tpu.memory_space<hbm>>) target_semaphore(%arg14 : memref<!tpu.dma_semaphore, #tpu.memory_space<semaphore_mem>>)
        %dma_start3A_174 = arith.constant 6 : i32
        %dma_start3A_175 = arith.constant 6 : i32
        %dma_start3A_176 = arith.constant 0 : i32
        %dma_start3A_177 = arith.constant 0 : i32
        %dma_start3A_178 = tpu.memref_slice %arg9[%dma_start3A_176, %dma_start3A_174, %dma_start3A_177] : memref<32x8x128xf32, #tpu.memory_space<vmem>> -> memref<32x1x128xf32, #tpu.memory_space<vmem>>
        %dma_start3A_179 = tpu.memref_squeeze %dma_start3A_178 : memref<32x1x128xf32, #tpu.memory_space<vmem>> -> memref<32x128xf32, #tpu.memory_space<vmem>>
        %dma_start3A_180 = arith.constant 0 : i32
        %dma_start3A_181 = tpu.memref_slice %arg6[%select_n3A, %dma_start3A_175, %mul3A_64, %dma_start3A_180] : memref<8x8x2048x128xf32, #tpu.memory_space<hbm>> -> memref<1x1x32x128xf32, #tpu.memory_space<hbm>>
        %dma_start3A_182 = tpu.memref_squeeze %dma_start3A_181 : memref<1x1x32x128xf32, #tpu.memory_space<hbm>> -> memref<32x128xf32, #tpu.memory_space<hbm>>
        %dma_start3A_183 = arith.constant 0 : i32
        %dma_start3A_184 = tpu.memref_slice %arg6[%select_n3A, %dma_start3A_175, %mul3A_64, %dma_start3A_183] : memref<8x8x2048x128xf32, #tpu.memory_space<hbm>> -> memref<1x1x32x128xf32, #tpu.memory_space<hbm>>
        %dma_start3A_185 = tpu.memref_squeeze %dma_start3A_184 : memref<1x1x32x128xf32, #tpu.memory_space<hbm>> -> memref<32x128xf32, #tpu.memory_space<hbm>>
        %dma_start3A_186 = arith.constant 0 : i32
        %dma_start3A_187 = arith.constant 0 : i32
        %dma_start3A_188 = tpu.memref_slice %arg9[%dma_start3A_186, %dma_start3A_174, %dma_start3A_187] : memref<32x8x128xf32, #tpu.memory_space<vmem>> -> memref<32x1x128xf32, #tpu.memory_space<vmem>>
        %dma_start3A_189 = tpu.memref_squeeze %dma_start3A_188 : memref<32x1x128xf32, #tpu.memory_space<vmem>> -> memref<32x128xf32, #tpu.memory_space<vmem>>
        tpu.enqueue_dma source(%dma_start3A_189 : memref<32x128xf32, #tpu.memory_space<vmem>>) target(%dma_start3A_185 : memref<32x128xf32, #tpu.memory_space<hbm>>) target_semaphore(%arg14 : memref<!tpu.dma_semaphore, #tpu.memory_space<semaphore_mem>>)
        %dma_start3A_190 = arith.constant 7 : i32
        %dma_start3A_191 = arith.constant 7 : i32
        %dma_start3A_192 = arith.constant 0 : i32
        %dma_start3A_193 = arith.constant 0 : i32
        %dma_start3A_194 = tpu.memref_slice %arg9[%dma_start3A_192, %dma_start3A_190, %dma_start3A_193] : memref<32x8x128xf32, #tpu.memory_space<vmem>> -> memref<32x1x128xf32, #tpu.memory_space<vmem>>
        %dma_start3A_195 = tpu.memref_squeeze %dma_start3A_194 : memref<32x1x128xf32, #tpu.memory_space<vmem>> -> memref<32x128xf32, #tpu.memory_space<vmem>>
        %dma_start3A_196 = arith.constant 0 : i32
        %dma_start3A_197 = tpu.memref_slice %arg6[%select_n3A, %dma_start3A_191, %mul3A_64, %dma_start3A_196] : memref<8x8x2048x128xf32, #tpu.memory_space<hbm>> -> memref<1x1x32x128xf32, #tpu.memory_space<hbm>>
        %dma_start3A_198 = tpu.memref_squeeze %dma_start3A_197 : memref<1x1x32x128xf32, #tpu.memory_space<hbm>> -> memref<32x128xf32, #tpu.memory_space<hbm>>
        %dma_start3A_199 = arith.constant 0 : i32
        %dma_start3A_200 = tpu.memref_slice %arg6[%select_n3A, %dma_start3A_191, %mul3A_64, %dma_start3A_199] : memref<8x8x2048x128xf32, #tpu.memory_space<hbm>> -> memref<1x1x32x128xf32, #tpu.memory_space<hbm>>
        %dma_start3A_201 = tpu.memref_squeeze %dma_start3A_200 : memref<1x1x32x128xf32, #tpu.memory_space<hbm>> -> memref<32x128xf32, #tpu.memory_space<hbm>>
        %dma_start3A_202 = arith.constant 0 : i32
        %dma_start3A_203 = arith.constant 0 : i32
        %dma_start3A_204 = tpu.memref_slice %arg9[%dma_start3A_202, %dma_start3A_190, %dma_start3A_203] : memref<32x8x128xf32, #tpu.memory_space<vmem>> -> memref<32x1x128xf32, #tpu.memory_space<vmem>>
        %dma_start3A_205 = tpu.memref_squeeze %dma_start3A_204 : memref<32x1x128xf32, #tpu.memory_space<vmem>> -> memref<32x128xf32, #tpu.memory_space<vmem>>
        tpu.enqueue_dma source(%dma_start3A_205 : memref<32x128xf32, #tpu.memory_space<vmem>>) target(%dma_start3A_201 : memref<32x128xf32, #tpu.memory_space<hbm>>) target_semaphore(%arg14 : memref<!tpu.dma_semaphore, #tpu.memory_space<semaphore_mem>>)
        %dma_wait3A_206 = arith.constant 0 : i32
        %dma_wait3A_207 = arith.constant 0 : i32
        %dma_wait3A_208 = arith.constant 0 : i32
        %dma_wait3A_209 = tpu.memref_slice %arg3[%dma_wait3A_206, %dma_wait3A_207, %dma_wait3A_208] : memref<32768x8x128xf32, #tpu.memory_space<hbm>> -> memref<32768x8x128xf32, #tpu.memory_space<hbm>>
        tpu.wait_indirect_dma semaphore(%arg13 : memref<!tpu.dma_semaphore, #tpu.memory_space<semaphore_mem>>) src(%dma_wait3A_209 : memref<32768x8x128xf32, #tpu.memory_space<hbm>>) dst(%arg10 : memref<32x8x128xf32, #tpu.memory_space<vmem>>)
        %dma_start3A_210 = arith.constant 0 : i32
        %dma_start3A_211 = arith.constant 0 : i32
        %dma_start3A_212 = arith.constant 0 : i32
        %dma_start3A_213 = arith.constant 0 : i32
        %dma_start3A_214 = tpu.memref_slice %arg10[%dma_start3A_212, %dma_start3A_210, %dma_start3A_213] : memref<32x8x128xf32, #tpu.memory_space<vmem>> -> memref<32x1x128xf32, #tpu.memory_space<vmem>>
        %dma_start3A_215 = tpu.memref_squeeze %dma_start3A_214 : memref<32x1x128xf32, #tpu.memory_space<vmem>> -> memref<32x128xf32, #tpu.memory_space<vmem>>
        %dma_start3A_216 = arith.constant 0 : i32
        %dma_start3A_217 = tpu.memref_slice %arg7[%select_n3A, %dma_start3A_211, %mul3A_64, %dma_start3A_216] : memref<8x8x2048x128xf32, #tpu.memory_space<hbm>> -> memref<1x1x32x128xf32, #tpu.memory_space<hbm>>
        %dma_start3A_218 = tpu.memref_squeeze %dma_start3A_217 : memref<1x1x32x128xf32, #tpu.memory_space<hbm>> -> memref<32x128xf32, #tpu.memory_space<hbm>>
        %dma_start3A_219 = arith.constant 0 : i32
        %dma_start3A_220 = tpu.memref_slice %arg7[%select_n3A, %dma_start3A_211, %mul3A_64, %dma_start3A_219] : memref<8x8x2048x128xf32, #tpu.memory_space<hbm>> -> memref<1x1x32x128xf32, #tpu.memory_space<hbm>>
        %dma_start3A_221 = tpu.memref_squeeze %dma_start3A_220 : memref<1x1x32x128xf32, #tpu.memory_space<hbm>> -> memref<32x128xf32, #tpu.memory_space<hbm>>
        %dma_start3A_222 = arith.constant 0 : i32
        %dma_start3A_223 = arith.constant 0 : i32
        %dma_start3A_224 = tpu.memref_slice %arg10[%dma_start3A_222, %dma_start3A_210, %dma_start3A_223] : memref<32x8x128xf32, #tpu.memory_space<vmem>> -> memref<32x1x128xf32, #tpu.memory_space<vmem>>
        %dma_start3A_225 = tpu.memref_squeeze %dma_start3A_224 : memref<32x1x128xf32, #tpu.memory_space<vmem>> -> memref<32x128xf32, #tpu.memory_space<vmem>>
        tpu.enqueue_dma source(%dma_start3A_225 : memref<32x128xf32, #tpu.memory_space<vmem>>) target(%dma_start3A_221 : memref<32x128xf32, #tpu.memory_space<hbm>>) target_semaphore(%arg15 : memref<!tpu.dma_semaphore, #tpu.memory_space<semaphore_mem>>)
        %dma_start3A_226 = arith.constant 1 : i32
        %dma_start3A_227 = arith.constant 1 : i32
        %dma_start3A_228 = arith.constant 0 : i32
        %dma_start3A_229 = arith.constant 0 : i32
        %dma_start3A_230 = tpu.memref_slice %arg10[%dma_start3A_228, %dma_start3A_226, %dma_start3A_229] : memref<32x8x128xf32, #tpu.memory_space<vmem>> -> memref<32x1x128xf32, #tpu.memory_space<vmem>>
        %dma_start3A_231 = tpu.memref_squeeze %dma_start3A_230 : memref<32x1x128xf32, #tpu.memory_space<vmem>> -> memref<32x128xf32, #tpu.memory_space<vmem>>
        %dma_start3A_232 = arith.constant 0 : i32
        %dma_start3A_233 = tpu.memref_slice %arg7[%select_n3A, %dma_start3A_227, %mul3A_64, %dma_start3A_232] : memref<8x8x2048x128xf32, #tpu.memory_space<hbm>> -> memref<1x1x32x128xf32, #tpu.memory_space<hbm>>
        %dma_start3A_234 = tpu.memref_squeeze %dma_start3A_233 : memref<1x1x32x128xf32, #tpu.memory_space<hbm>> -> memref<32x128xf32, #tpu.memory_space<hbm>>
        %dma_start3A_235 = arith.constant 0 : i32
        %dma_start3A_236 = tpu.memref_slice %arg7[%select_n3A, %dma_start3A_227, %mul3A_64, %dma_start3A_235] : memref<8x8x2048x128xf32, #tpu.memory_space<hbm>> -> memref<1x1x32x128xf32, #tpu.memory_space<hbm>>
        %dma_start3A_237 = tpu.memref_squeeze %dma_start3A_236 : memref<1x1x32x128xf32, #tpu.memory_space<hbm>> -> memref<32x128xf32, #tpu.memory_space<hbm>>
        %dma_start3A_238 = arith.constant 0 : i32
        %dma_start3A_239 = arith.constant 0 : i32
        %dma_start3A_240 = tpu.memref_slice %arg10[%dma_start3A_238, %dma_start3A_226, %dma_start3A_239] : memref<32x8x128xf32, #tpu.memory_space<vmem>> -> memref<32x1x128xf32, #tpu.memory_space<vmem>>
        %dma_start3A_241 = tpu.memref_squeeze %dma_start3A_240 : memref<32x1x128xf32, #tpu.memory_space<vmem>> -> memref<32x128xf32, #tpu.memory_space<vmem>>
        tpu.enqueue_dma source(%dma_start3A_241 : memref<32x128xf32, #tpu.memory_space<vmem>>) target(%dma_start3A_237 : memref<32x128xf32, #tpu.memory_space<hbm>>) target_semaphore(%arg15 : memref<!tpu.dma_semaphore, #tpu.memory_space<semaphore_mem>>)
        %dma_start3A_242 = arith.constant 2 : i32
        %dma_start3A_243 = arith.constant 2 : i32
        %dma_start3A_244 = arith.constant 0 : i32
        %dma_start3A_245 = arith.constant 0 : i32
        %dma_start3A_246 = tpu.memref_slice %arg10[%dma_start3A_244, %dma_start3A_242, %dma_start3A_245] : memref<32x8x128xf32, #tpu.memory_space<vmem>> -> memref<32x1x128xf32, #tpu.memory_space<vmem>>
        %dma_start3A_247 = tpu.memref_squeeze %dma_start3A_246 : memref<32x1x128xf32, #tpu.memory_space<vmem>> -> memref<32x128xf32, #tpu.memory_space<vmem>>
        %dma_start3A_248 = arith.constant 0 : i32
        %dma_start3A_249 = tpu.memref_slice %arg7[%select_n3A, %dma_start3A_243, %mul3A_64, %dma_start3A_248] : memref<8x8x2048x128xf32, #tpu.memory_space<hbm>> -> memref<1x1x32x128xf32, #tpu.memory_space<hbm>>
        %dma_start3A_250 = tpu.memref_squeeze %dma_start3A_249 : memref<1x1x32x128xf32, #tpu.memory_space<hbm>> -> memref<32x128xf32, #tpu.memory_space<hbm>>
        %dma_start3A_251 = arith.constant 0 : i32
        %dma_start3A_252 = tpu.memref_slice %arg7[%select_n3A, %dma_start3A_243, %mul3A_64, %dma_start3A_251] : memref<8x8x2048x128xf32, #tpu.memory_space<hbm>> -> memref<1x1x32x128xf32, #tpu.memory_space<hbm>>
        %dma_start3A_253 = tpu.memref_squeeze %dma_start3A_252 : memref<1x1x32x128xf32, #tpu.memory_space<hbm>> -> memref<32x128xf32, #tpu.memory_space<hbm>>
        %dma_start3A_254 = arith.constant 0 : i32
        %dma_start3A_255 = arith.constant 0 : i32
        %dma_start3A_256 = tpu.memref_slice %arg10[%dma_start3A_254, %dma_start3A_242, %dma_start3A_255] : memref<32x8x128xf32, #tpu.memory_space<vmem>> -> memref<32x1x128xf32, #tpu.memory_space<vmem>>
        %dma_start3A_257 = tpu.memref_squeeze %dma_start3A_256 : memref<32x1x128xf32, #tpu.memory_space<vmem>> -> memref<32x128xf32, #tpu.memory_space<vmem>>
        tpu.enqueue_dma source(%dma_start3A_257 : memref<32x128xf32, #tpu.memory_space<vmem>>) target(%dma_start3A_253 : memref<32x128xf32, #tpu.memory_space<hbm>>) target_semaphore(%arg15 : memref<!tpu.dma_semaphore, #tpu.memory_space<semaphore_mem>>)
        %dma_start3A_258 = arith.constant 3 : i32
        %dma_start3A_259 = arith.constant 3 : i32
        %dma_start3A_260 = arith.constant 0 : i32
        %dma_start3A_261 = arith.constant 0 : i32
        %dma_start3A_262 = tpu.memref_slice %arg10[%dma_start3A_260, %dma_start3A_258, %dma_start3A_261] : memref<32x8x128xf32, #tpu.memory_space<vmem>> -> memref<32x1x128xf32, #tpu.memory_space<vmem>>
        %dma_start3A_263 = tpu.memref_squeeze %dma_start3A_262 : memref<32x1x128xf32, #tpu.memory_space<vmem>> -> memref<32x128xf32, #tpu.memory_space<vmem>>
        %dma_start3A_264 = arith.constant 0 : i32
        %dma_start3A_265 = tpu.memref_slice %arg7[%select_n3A, %dma_start3A_259, %mul3A_64, %dma_start3A_264] : memref<8x8x2048x128xf32, #tpu.memory_space<hbm>> -> memref<1x1x32x128xf32, #tpu.memory_space<hbm>>
        %dma_start3A_266 = tpu.memref_squeeze %dma_start3A_265 : memref<1x1x32x128xf32, #tpu.memory_space<hbm>> -> memref<32x128xf32, #tpu.memory_space<hbm>>
        %dma_start3A_267 = arith.constant 0 : i32
        %dma_start3A_268 = tpu.memref_slice %arg7[%select_n3A, %dma_start3A_259, %mul3A_64, %dma_start3A_267] : memref<8x8x2048x128xf32, #tpu.memory_space<hbm>> -> memref<1x1x32x128xf32, #tpu.memory_space<hbm>>
        %dma_start3A_269 = tpu.memref_squeeze %dma_start3A_268 : memref<1x1x32x128xf32, #tpu.memory_space<hbm>> -> memref<32x128xf32, #tpu.memory_space<hbm>>
        %dma_start3A_270 = arith.constant 0 : i32
        %dma_start3A_271 = arith.constant 0 : i32
        %dma_start3A_272 = tpu.memref_slice %arg10[%dma_start3A_270, %dma_start3A_258, %dma_start3A_271] : memref<32x8x128xf32, #tpu.memory_space<vmem>> -> memref<32x1x128xf32, #tpu.memory_space<vmem>>
        %dma_start3A_273 = tpu.memref_squeeze %dma_start3A_272 : memref<32x1x128xf32, #tpu.memory_space<vmem>> -> memref<32x128xf32, #tpu.memory_space<vmem>>
        tpu.enqueue_dma source(%dma_start3A_273 : memref<32x128xf32, #tpu.memory_space<vmem>>) target(%dma_start3A_269 : memref<32x128xf32, #tpu.memory_space<hbm>>) target_semaphore(%arg15 : memref<!tpu.dma_semaphore, #tpu.memory_space<semaphore_mem>>)
        %dma_start3A_274 = arith.constant 4 : i32
        %dma_start3A_275 = arith.constant 4 : i32
        %dma_start3A_276 = arith.constant 0 : i32
        %dma_start3A_277 = arith.constant 0 : i32
        %dma_start3A_278 = tpu.memref_slice %arg10[%dma_start3A_276, %dma_start3A_274, %dma_start3A_277] : memref<32x8x128xf32, #tpu.memory_space<vmem>> -> memref<32x1x128xf32, #tpu.memory_space<vmem>>
        %dma_start3A_279 = tpu.memref_squeeze %dma_start3A_278 : memref<32x1x128xf32, #tpu.memory_space<vmem>> -> memref<32x128xf32, #tpu.memory_space<vmem>>
        %dma_start3A_280 = arith.constant 0 : i32
        %dma_start3A_281 = tpu.memref_slice %arg7[%select_n3A, %dma_start3A_275, %mul3A_64, %dma_start3A_280] : memref<8x8x2048x128xf32, #tpu.memory_space<hbm>> -> memref<1x1x32x128xf32, #tpu.memory_space<hbm>>
        %dma_start3A_282 = tpu.memref_squeeze %dma_start3A_281 : memref<1x1x32x128xf32, #tpu.memory_space<hbm>> -> memref<32x128xf32, #tpu.memory_space<hbm>>
        %dma_start3A_283 = arith.constant 0 : i32
        %dma_start3A_284 = tpu.memref_slice %arg7[%select_n3A, %dma_start3A_275, %mul3A_64, %dma_start3A_283] : memref<8x8x2048x128xf32, #tpu.memory_space<hbm>> -> memref<1x1x32x128xf32, #tpu.memory_space<hbm>>
        %dma_start3A_285 = tpu.memref_squeeze %dma_start3A_284 : memref<1x1x32x128xf32, #tpu.memory_space<hbm>> -> memref<32x128xf32, #tpu.memory_space<hbm>>
        %dma_start3A_286 = arith.constant 0 : i32
        %dma_start3A_287 = arith.constant 0 : i32
        %dma_start3A_288 = tpu.memref_slice %arg10[%dma_start3A_286, %dma_start3A_274, %dma_start3A_287] : memref<32x8x128xf32, #tpu.memory_space<vmem>> -> memref<32x1x128xf32, #tpu.memory_space<vmem>>
        %dma_start3A_289 = tpu.memref_squeeze %dma_start3A_288 : memref<32x1x128xf32, #tpu.memory_space<vmem>> -> memref<32x128xf32, #tpu.memory_space<vmem>>
        tpu.enqueue_dma source(%dma_start3A_289 : memref<32x128xf32, #tpu.memory_space<vmem>>) target(%dma_start3A_285 : memref<32x128xf32, #tpu.memory_space<hbm>>) target_semaphore(%arg15 : memref<!tpu.dma_semaphore, #tpu.memory_space<semaphore_mem>>)
        %dma_start3A_290 = arith.constant 5 : i32
        %dma_start3A_291 = arith.constant 5 : i32
        %dma_start3A_292 = arith.constant 0 : i32
        %dma_start3A_293 = arith.constant 0 : i32
        %dma_start3A_294 = tpu.memref_slice %arg10[%dma_start3A_292, %dma_start3A_290, %dma_start3A_293] : memref<32x8x128xf32, #tpu.memory_space<vmem>> -> memref<32x1x128xf32, #tpu.memory_space<vmem>>
        %dma_start3A_295 = tpu.memref_squeeze %dma_start3A_294 : memref<32x1x128xf32, #tpu.memory_space<vmem>> -> memref<32x128xf32, #tpu.memory_space<vmem>>
        %dma_start3A_296 = arith.constant 0 : i32
        %dma_start3A_297 = tpu.memref_slice %arg7[%select_n3A, %dma_start3A_291, %mul3A_64, %dma_start3A_296] : memref<8x8x2048x128xf32, #tpu.memory_space<hbm>> -> memref<1x1x32x128xf32, #tpu.memory_space<hbm>>
        %dma_start3A_298 = tpu.memref_squeeze %dma_start3A_297 : memref<1x1x32x128xf32, #tpu.memory_space<hbm>> -> memref<32x128xf32, #tpu.memory_space<hbm>>
        %dma_start3A_299 = arith.constant 0 : i32
        %dma_start3A_300 = tpu.memref_slice %arg7[%select_n3A, %dma_start3A_291, %mul3A_64, %dma_start3A_299] : memref<8x8x2048x128xf32, #tpu.memory_space<hbm>> -> memref<1x1x32x128xf32, #tpu.memory_space<hbm>>
        %dma_start3A_301 = tpu.memref_squeeze %dma_start3A_300 : memref<1x1x32x128xf32, #tpu.memory_space<hbm>> -> memref<32x128xf32, #tpu.memory_space<hbm>>
        %dma_start3A_302 = arith.constant 0 : i32
        %dma_start3A_303 = arith.constant 0 : i32
        %dma_start3A_304 = tpu.memref_slice %arg10[%dma_start3A_302, %dma_start3A_290, %dma_start3A_303] : memref<32x8x128xf32, #tpu.memory_space<vmem>> -> memref<32x1x128xf32, #tpu.memory_space<vmem>>
        %dma_start3A_305 = tpu.memref_squeeze %dma_start3A_304 : memref<32x1x128xf32, #tpu.memory_space<vmem>> -> memref<32x128xf32, #tpu.memory_space<vmem>>
        tpu.enqueue_dma source(%dma_start3A_305 : memref<32x128xf32, #tpu.memory_space<vmem>>) target(%dma_start3A_301 : memref<32x128xf32, #tpu.memory_space<hbm>>) target_semaphore(%arg15 : memref<!tpu.dma_semaphore, #tpu.memory_space<semaphore_mem>>)
        %dma_start3A_306 = arith.constant 6 : i32
        %dma_start3A_307 = arith.constant 6 : i32
        %dma_start3A_308 = arith.constant 0 : i32
        %dma_start3A_309 = arith.constant 0 : i32
        %dma_start3A_310 = tpu.memref_slice %arg10[%dma_start3A_308, %dma_start3A_306, %dma_start3A_309] : memref<32x8x128xf32, #tpu.memory_space<vmem>> -> memref<32x1x128xf32, #tpu.memory_space<vmem>>
        %dma_start3A_311 = tpu.memref_squeeze %dma_start3A_310 : memref<32x1x128xf32, #tpu.memory_space<vmem>> -> memref<32x128xf32, #tpu.memory_space<vmem>>
        %dma_start3A_312 = arith.constant 0 : i32
        %dma_start3A_313 = tpu.memref_slice %arg7[%select_n3A, %dma_start3A_307, %mul3A_64, %dma_start3A_312] : memref<8x8x2048x128xf32, #tpu.memory_space<hbm>> -> memref<1x1x32x128xf32, #tpu.memory_space<hbm>>
        %dma_start3A_314 = tpu.memref_squeeze %dma_start3A_313 : memref<1x1x32x128xf32, #tpu.memory_space<hbm>> -> memref<32x128xf32, #tpu.memory_space<hbm>>
        %dma_start3A_315 = arith.constant 0 : i32
        %dma_start3A_316 = tpu.memref_slice %arg7[%select_n3A, %dma_start3A_307, %mul3A_64, %dma_start3A_315] : memref<8x8x2048x128xf32, #tpu.memory_space<hbm>> -> memref<1x1x32x128xf32, #tpu.memory_space<hbm>>
        %dma_start3A_317 = tpu.memref_squeeze %dma_start3A_316 : memref<1x1x32x128xf32, #tpu.memory_space<hbm>> -> memref<32x128xf32, #tpu.memory_space<hbm>>
        %dma_start3A_318 = arith.constant 0 : i32
        %dma_start3A_319 = arith.constant 0 : i32
        %dma_start3A_320 = tpu.memref_slice %arg10[%dma_start3A_318, %dma_start3A_306, %dma_start3A_319] : memref<32x8x128xf32, #tpu.memory_space<vmem>> -> memref<32x1x128xf32, #tpu.memory_space<vmem>>
        %dma_start3A_321 = tpu.memref_squeeze %dma_start3A_320 : memref<32x1x128xf32, #tpu.memory_space<vmem>> -> memref<32x128xf32, #tpu.memory_space<vmem>>
        tpu.enqueue_dma source(%dma_start3A_321 : memref<32x128xf32, #tpu.memory_space<vmem>>) target(%dma_start3A_317 : memref<32x128xf32, #tpu.memory_space<hbm>>) target_semaphore(%arg15 : memref<!tpu.dma_semaphore, #tpu.memory_space<semaphore_mem>>)
        %dma_start3A_322 = arith.constant 7 : i32
        %dma_start3A_323 = arith.constant 7 : i32
        %dma_start3A_324 = arith.constant 0 : i32
        %dma_start3A_325 = arith.constant 0 : i32
        %dma_start3A_326 = tpu.memref_slice %arg10[%dma_start3A_324, %dma_start3A_322, %dma_start3A_325] : memref<32x8x128xf32, #tpu.memory_space<vmem>> -> memref<32x1x128xf32, #tpu.memory_space<vmem>>
        %dma_start3A_327 = tpu.memref_squeeze %dma_start3A_326 : memref<32x1x128xf32, #tpu.memory_space<vmem>> -> memref<32x128xf32, #tpu.memory_space<vmem>>
        %dma_start3A_328 = arith.constant 0 : i32
        %dma_start3A_329 = tpu.memref_slice %arg7[%select_n3A, %dma_start3A_323, %mul3A_64, %dma_start3A_328] : memref<8x8x2048x128xf32, #tpu.memory_space<hbm>> -> memref<1x1x32x128xf32, #tpu.memory_space<hbm>>
        %dma_start3A_330 = tpu.memref_squeeze %dma_start3A_329 : memref<1x1x32x128xf32, #tpu.memory_space<hbm>> -> memref<32x128xf32, #tpu.memory_space<hbm>>
        %dma_start3A_331 = arith.constant 0 : i32
        %dma_start3A_332 = tpu.memref_slice %arg7[%select_n3A, %dma_start3A_323, %mul3A_64, %dma_start3A_331] : memref<8x8x2048x128xf32, #tpu.memory_space<hbm>> -> memref<1x1x32x128xf32, #tpu.memory_space<hbm>>
        %dma_start3A_333 = tpu.memref_squeeze %dma_start3A_332 : memref<1x1x32x128xf32, #tpu.memory_space<hbm>> -> memref<32x128xf32, #tpu.memory_space<hbm>>
        %dma_start3A_334 = arith.constant 0 : i32
        %dma_start3A_335 = arith.constant 0 : i32
        %dma_start3A_336 = tpu.memref_slice %arg10[%dma_start3A_334, %dma_start3A_322, %dma_start3A_335] : memref<32x8x128xf32, #tpu.memory_space<vmem>> -> memref<32x1x128xf32, #tpu.memory_space<vmem>>
        %dma_start3A_337 = tpu.memref_squeeze %dma_start3A_336 : memref<32x1x128xf32, #tpu.memory_space<vmem>> -> memref<32x128xf32, #tpu.memory_space<vmem>>
        tpu.enqueue_dma source(%dma_start3A_337 : memref<32x128xf32, #tpu.memory_space<vmem>>) target(%dma_start3A_333 : memref<32x128xf32, #tpu.memory_space<hbm>>) target_semaphore(%arg15 : memref<!tpu.dma_semaphore, #tpu.memory_space<semaphore_mem>>)
        %dma_wait3A_338 = arith.constant 0 : i32
        %dma_wait3A_339 = arith.constant 0 : i32
        %dma_wait3A_340 = arith.constant 0 : i32
        %dma_wait3A_341 = arith.constant 0 : i32
        %dma_wait3A_342 = tpu.memref_slice %arg9[%dma_wait3A_340, %dma_wait3A_338, %dma_wait3A_341] : memref<32x8x128xf32, #tpu.memory_space<vmem>> -> memref<32x1x128xf32, #tpu.memory_space<vmem>>
        %dma_wait3A_343 = tpu.memref_squeeze %dma_wait3A_342 : memref<32x1x128xf32, #tpu.memory_space<vmem>> -> memref<32x128xf32, #tpu.memory_space<vmem>>
        %dma_wait3A_344 = arith.constant 0 : i32
        %dma_wait3A_345 = tpu.memref_slice %arg6[%select_n3A, %dma_wait3A_339, %mul3A_64, %dma_wait3A_344] : memref<8x8x2048x128xf32, #tpu.memory_space<hbm>> -> memref<1x1x32x128xf32, #tpu.memory_space<hbm>>
        %dma_wait3A_346 = tpu.memref_squeeze %dma_wait3A_345 : memref<1x1x32x128xf32, #tpu.memory_space<hbm>> -> memref<32x128xf32, #tpu.memory_space<hbm>>
        %dma_wait3A_347 = arith.constant 0 : i32
        %dma_wait3A_348 = tpu.memref_slice %arg6[%select_n3A, %dma_wait3A_339, %mul3A_64, %dma_wait3A_347] : memref<8x8x2048x128xf32, #tpu.memory_space<hbm>> -> memref<1x1x32x128xf32, #tpu.memory_space<hbm>>
        %dma_wait3A_349 = tpu.memref_squeeze %dma_wait3A_348 : memref<1x1x32x128xf32, #tpu.memory_space<hbm>> -> memref<32x128xf32, #tpu.memory_space<hbm>>
        %dma_wait3A_350 = arith.constant 0 : i32
        %dma_wait3A_351 = arith.constant 0 : i32
        %dma_wait3A_352 = tpu.memref_slice %arg9[%dma_wait3A_350, %dma_wait3A_338, %dma_wait3A_351] : memref<32x8x128xf32, #tpu.memory_space<vmem>> -> memref<32x1x128xf32, #tpu.memory_space<vmem>>
        %dma_wait3A_353 = tpu.memref_squeeze %dma_wait3A_352 : memref<32x1x128xf32, #tpu.memory_space<vmem>> -> memref<32x128xf32, #tpu.memory_space<vmem>>
        tpu.wait_dma2 semaphore(%arg14 : memref<!tpu.dma_semaphore, #tpu.memory_space<semaphore_mem>>) src(%dma_wait3A_353 : memref<32x128xf32, #tpu.memory_space<vmem>>) dst(%dma_wait3A_349 : memref<32x128xf32, #tpu.memory_space<hbm>>)
        %dma_wait3A_354 = arith.constant 1 : i32
        %dma_wait3A_355 = arith.constant 1 : i32
        %dma_wait3A_356 = arith.constant 0 : i32
        %dma_wait3A_357 = arith.constant 0 : i32
        %dma_wait3A_358 = tpu.memref_slice %arg9[%dma_wait3A_356, %dma_wait3A_354, %dma_wait3A_357] : memref<32x8x128xf32, #tpu.memory_space<vmem>> -> memref<32x1x128xf32, #tpu.memory_space<vmem>>
        %dma_wait3A_359 = tpu.memref_squeeze %dma_wait3A_358 : memref<32x1x128xf32, #tpu.memory_space<vmem>> -> memref<32x128xf32, #tpu.memory_space<vmem>>
        %dma_wait3A_360 = arith.constant 0 : i32
        %dma_wait3A_361 = tpu.memref_slice %arg6[%select_n3A, %dma_wait3A_355, %mul3A_64, %dma_wait3A_360] : memref<8x8x2048x128xf32, #tpu.memory_space<hbm>> -> memref<1x1x32x128xf32, #tpu.memory_space<hbm>>
        %dma_wait3A_362 = tpu.memref_squeeze %dma_wait3A_361 : memref<1x1x32x128xf32, #tpu.memory_space<hbm>> -> memref<32x128xf32, #tpu.memory_space<hbm>>
        %dma_wait3A_363 = arith.constant 0 : i32
        %dma_wait3A_364 = tpu.memref_slice %arg6[%select_n3A, %dma_wait3A_355, %mul3A_64, %dma_wait3A_363] : memref<8x8x2048x128xf32, #tpu.memory_space<hbm>> -> memref<1x1x32x128xf32, #tpu.memory_space<hbm>>
        %dma_wait3A_365 = tpu.memref_squeeze %dma_wait3A_364 : memref<1x1x32x128xf32, #tpu.memory_space<hbm>> -> memref<32x128xf32, #tpu.memory_space<hbm>>
        %dma_wait3A_366 = arith.constant 0 : i32
        %dma_wait3A_367 = arith.constant 0 : i32
        %dma_wait3A_368 = tpu.memref_slice %arg9[%dma_wait3A_366, %dma_wait3A_354, %dma_wait3A_367] : memref<32x8x128xf32, #tpu.memory_space<vmem>> -> memref<32x1x128xf32, #tpu.memory_space<vmem>>
        %dma_wait3A_369 = tpu.memref_squeeze %dma_wait3A_368 : memref<32x1x128xf32, #tpu.memory_space<vmem>> -> memref<32x128xf32, #tpu.memory_space<vmem>>
        tpu.wait_dma2 semaphore(%arg14 : memref<!tpu.dma_semaphore, #tpu.memory_space<semaphore_mem>>) src(%dma_wait3A_369 : memref<32x128xf32, #tpu.memory_space<vmem>>) dst(%dma_wait3A_365 : memref<32x128xf32, #tpu.memory_space<hbm>>)
        %dma_wait3A_370 = arith.constant 2 : i32
        %dma_wait3A_371 = arith.constant 2 : i32
        %dma_wait3A_372 = arith.constant 0 : i32
        %dma_wait3A_373 = arith.constant 0 : i32
        %dma_wait3A_374 = tpu.memref_slice %arg9[%dma_wait3A_372, %dma_wait3A_370, %dma_wait3A_373] : memref<32x8x128xf32, #tpu.memory_space<vmem>> -> memref<32x1x128xf32, #tpu.memory_space<vmem>>
        %dma_wait3A_375 = tpu.memref_squeeze %dma_wait3A_374 : memref<32x1x128xf32, #tpu.memory_space<vmem>> -> memref<32x128xf32, #tpu.memory_space<vmem>>
        %dma_wait3A_376 = arith.constant 0 : i32
        %dma_wait3A_377 = tpu.memref_slice %arg6[%select_n3A, %dma_wait3A_371, %mul3A_64, %dma_wait3A_376] : memref<8x8x2048x128xf32, #tpu.memory_space<hbm>> -> memref<1x1x32x128xf32, #tpu.memory_space<hbm>>
        %dma_wait3A_378 = tpu.memref_squeeze %dma_wait3A_377 : memref<1x1x32x128xf32, #tpu.memory_space<hbm>> -> memref<32x128xf32, #tpu.memory_space<hbm>>
        %dma_wait3A_379 = arith.constant 0 : i32
        %dma_wait3A_380 = tpu.memref_slice %arg6[%select_n3A, %dma_wait3A_371, %mul3A_64, %dma_wait3A_379] : memref<8x8x2048x128xf32, #tpu.memory_space<hbm>> -> memref<1x1x32x128xf32, #tpu.memory_space<hbm>>
        %dma_wait3A_381 = tpu.memref_squeeze %dma_wait3A_380 : memref<1x1x32x128xf32, #tpu.memory_space<hbm>> -> memref<32x128xf32, #tpu.memory_space<hbm>>
        %dma_wait3A_382 = arith.constant 0 : i32
        %dma_wait3A_383 = arith.constant 0 : i32
        %dma_wait3A_384 = tpu.memref_slice %arg9[%dma_wait3A_382, %dma_wait3A_370, %dma_wait3A_383] : memref<32x8x128xf32, #tpu.memory_space<vmem>> -> memref<32x1x128xf32, #tpu.memory_space<vmem>>
        %dma_wait3A_385 = tpu.memref_squeeze %dma_wait3A_384 : memref<32x1x128xf32, #tpu.memory_space<vmem>> -> memref<32x128xf32, #tpu.memory_space<vmem>>
        tpu.wait_dma2 semaphore(%arg14 : memref<!tpu.dma_semaphore, #tpu.memory_space<semaphore_mem>>) src(%dma_wait3A_385 : memref<32x128xf32, #tpu.memory_space<vmem>>) dst(%dma_wait3A_381 : memref<32x128xf32, #tpu.memory_space<hbm>>)
        %dma_wait3A_386 = arith.constant 3 : i32
        %dma_wait3A_387 = arith.constant 3 : i32
        %dma_wait3A_388 = arith.constant 0 : i32
        %dma_wait3A_389 = arith.constant 0 : i32
        %dma_wait3A_390 = tpu.memref_slice %arg9[%dma_wait3A_388, %dma_wait3A_386, %dma_wait3A_389] : memref<32x8x128xf32, #tpu.memory_space<vmem>> -> memref<32x1x128xf32, #tpu.memory_space<vmem>>
        %dma_wait3A_391 = tpu.memref_squeeze %dma_wait3A_390 : memref<32x1x128xf32, #tpu.memory_space<vmem>> -> memref<32x128xf32, #tpu.memory_space<vmem>>
        %dma_wait3A_392 = arith.constant 0 : i32
        %dma_wait3A_393 = tpu.memref_slice %arg6[%select_n3A, %dma_wait3A_387, %mul3A_64, %dma_wait3A_392] : memref<8x8x2048x128xf32, #tpu.memory_space<hbm>> -> memref<1x1x32x128xf32, #tpu.memory_space<hbm>>
        %dma_wait3A_394 = tpu.memref_squeeze %dma_wait3A_393 : memref<1x1x32x128xf32, #tpu.memory_space<hbm>> -> memref<32x128xf32, #tpu.memory_space<hbm>>
        %dma_wait3A_395 = arith.constant 0 : i32
        %dma_wait3A_396 = tpu.memref_slice %arg6[%select_n3A, %dma_wait3A_387, %mul3A_64, %dma_wait3A_395] : memref<8x8x2048x128xf32, #tpu.memory_space<hbm>> -> memref<1x1x32x128xf32, #tpu.memory_space<hbm>>
        %dma_wait3A_397 = tpu.memref_squeeze %dma_wait3A_396 : memref<1x1x32x128xf32, #tpu.memory_space<hbm>> -> memref<32x128xf32, #tpu.memory_space<hbm>>
        %dma_wait3A_398 = arith.constant 0 : i32
        %dma_wait3A_399 = arith.constant 0 : i32
        %dma_wait3A_400 = tpu.memref_slice %arg9[%dma_wait3A_398, %dma_wait3A_386, %dma_wait3A_399] : memref<32x8x128xf32, #tpu.memory_space<vmem>> -> memref<32x1x128xf32, #tpu.memory_space<vmem>>
        %dma_wait3A_401 = tpu.memref_squeeze %dma_wait3A_400 : memref<32x1x128xf32, #tpu.memory_space<vmem>> -> memref<32x128xf32, #tpu.memory_space<vmem>>
        tpu.wait_dma2 semaphore(%arg14 : memref<!tpu.dma_semaphore, #tpu.memory_space<semaphore_mem>>) src(%dma_wait3A_401 : memref<32x128xf32, #tpu.memory_space<vmem>>) dst(%dma_wait3A_397 : memref<32x128xf32, #tpu.memory_space<hbm>>)
        %dma_wait3A_402 = arith.constant 4 : i32
        %dma_wait3A_403 = arith.constant 4 : i32
        %dma_wait3A_404 = arith.constant 0 : i32
        %dma_wait3A_405 = arith.constant 0 : i32
        %dma_wait3A_406 = tpu.memref_slice %arg9[%dma_wait3A_404, %dma_wait3A_402, %dma_wait3A_405] : memref<32x8x128xf32, #tpu.memory_space<vmem>> -> memref<32x1x128xf32, #tpu.memory_space<vmem>>
        %dma_wait3A_407 = tpu.memref_squeeze %dma_wait3A_406 : memref<32x1x128xf32, #tpu.memory_space<vmem>> -> memref<32x128xf32, #tpu.memory_space<vmem>>
        %dma_wait3A_408 = arith.constant 0 : i32
        %dma_wait3A_409 = tpu.memref_slice %arg6[%select_n3A, %dma_wait3A_403, %mul3A_64, %dma_wait3A_408] : memref<8x8x2048x128xf32, #tpu.memory_space<hbm>> -> memref<1x1x32x128xf32, #tpu.memory_space<hbm>>
        %dma_wait3A_410 = tpu.memref_squeeze %dma_wait3A_409 : memref<1x1x32x128xf32, #tpu.memory_space<hbm>> -> memref<32x128xf32, #tpu.memory_space<hbm>>
        %dma_wait3A_411 = arith.constant 0 : i32
        %dma_wait3A_412 = tpu.memref_slice %arg6[%select_n3A, %dma_wait3A_403, %mul3A_64, %dma_wait3A_411] : memref<8x8x2048x128xf32, #tpu.memory_space<hbm>> -> memref<1x1x32x128xf32, #tpu.memory_space<hbm>>
        %dma_wait3A_413 = tpu.memref_squeeze %dma_wait3A_412 : memref<1x1x32x128xf32, #tpu.memory_space<hbm>> -> memref<32x128xf32, #tpu.memory_space<hbm>>
        %dma_wait3A_414 = arith.constant 0 : i32
        %dma_wait3A_415 = arith.constant 0 : i32
        %dma_wait3A_416 = tpu.memref_slice %arg9[%dma_wait3A_414, %dma_wait3A_402, %dma_wait3A_415] : memref<32x8x128xf32, #tpu.memory_space<vmem>> -> memref<32x1x128xf32, #tpu.memory_space<vmem>>
        %dma_wait3A_417 = tpu.memref_squeeze %dma_wait3A_416 : memref<32x1x128xf32, #tpu.memory_space<vmem>> -> memref<32x128xf32, #tpu.memory_space<vmem>>
        tpu.wait_dma2 semaphore(%arg14 : memref<!tpu.dma_semaphore, #tpu.memory_space<semaphore_mem>>) src(%dma_wait3A_417 : memref<32x128xf32, #tpu.memory_space<vmem>>) dst(%dma_wait3A_413 : memref<32x128xf32, #tpu.memory_space<hbm>>)
        %dma_wait3A_418 = arith.constant 5 : i32
        %dma_wait3A_419 = arith.constant 5 : i32
        %dma_wait3A_420 = arith.constant 0 : i32
        %dma_wait3A_421 = arith.constant 0 : i32
        %dma_wait3A_422 = tpu.memref_slice %arg9[%dma_wait3A_420, %dma_wait3A_418, %dma_wait3A_421] : memref<32x8x128xf32, #tpu.memory_space<vmem>> -> memref<32x1x128xf32, #tpu.memory_space<vmem>>
        %dma_wait3A_423 = tpu.memref_squeeze %dma_wait3A_422 : memref<32x1x128xf32, #tpu.memory_space<vmem>> -> memref<32x128xf32, #tpu.memory_space<vmem>>
        %dma_wait3A_424 = arith.constant 0 : i32
        %dma_wait3A_425 = tpu.memref_slice %arg6[%select_n3A, %dma_wait3A_419, %mul3A_64, %dma_wait3A_424] : memref<8x8x2048x128xf32, #tpu.memory_space<hbm>> -> memref<1x1x32x128xf32, #tpu.memory_space<hbm>>
        %dma_wait3A_426 = tpu.memref_squeeze %dma_wait3A_425 : memref<1x1x32x128xf32, #tpu.memory_space<hbm>> -> memref<32x128xf32, #tpu.memory_space<hbm>>
        %dma_wait3A_427 = arith.constant 0 : i32
        %dma_wait3A_428 = tpu.memref_slice %arg6[%select_n3A, %dma_wait3A_419, %mul3A_64, %dma_wait3A_427] : memref<8x8x2048x128xf32, #tpu.memory_space<hbm>> -> memref<1x1x32x128xf32, #tpu.memory_space<hbm>>
        %dma_wait3A_429 = tpu.memref_squeeze %dma_wait3A_428 : memref<1x1x32x128xf32, #tpu.memory_space<hbm>> -> memref<32x128xf32, #tpu.memory_space<hbm>>
        %dma_wait3A_430 = arith.constant 0 : i32
        %dma_wait3A_431 = arith.constant 0 : i32
        %dma_wait3A_432 = tpu.memref_slice %arg9[%dma_wait3A_430, %dma_wait3A_418, %dma_wait3A_431] : memref<32x8x128xf32, #tpu.memory_space<vmem>> -> memref<32x1x128xf32, #tpu.memory_space<vmem>>
        %dma_wait3A_433 = tpu.memref_squeeze %dma_wait3A_432 : memref<32x1x128xf32, #tpu.memory_space<vmem>> -> memref<32x128xf32, #tpu.memory_space<vmem>>
        tpu.wait_dma2 semaphore(%arg14 : memref<!tpu.dma_semaphore, #tpu.memory_space<semaphore_mem>>) src(%dma_wait3A_433 : memref<32x128xf32, #tpu.memory_space<vmem>>) dst(%dma_wait3A_429 : memref<32x128xf32, #tpu.memory_space<hbm>>)
        %dma_wait3A_434 = arith.constant 6 : i32
        %dma_wait3A_435 = arith.constant 6 : i32
        %dma_wait3A_436 = arith.constant 0 : i32
        %dma_wait3A_437 = arith.constant 0 : i32
        %dma_wait3A_438 = tpu.memref_slice %arg9[%dma_wait3A_436, %dma_wait3A_434, %dma_wait3A_437] : memref<32x8x128xf32, #tpu.memory_space<vmem>> -> memref<32x1x128xf32, #tpu.memory_space<vmem>>
        %dma_wait3A_439 = tpu.memref_squeeze %dma_wait3A_438 : memref<32x1x128xf32, #tpu.memory_space<vmem>> -> memref<32x128xf32, #tpu.memory_space<vmem>>
        %dma_wait3A_440 = arith.constant 0 : i32
        %dma_wait3A_441 = tpu.memref_slice %arg6[%select_n3A, %dma_wait3A_435, %mul3A_64, %dma_wait3A_440] : memref<8x8x2048x128xf32, #tpu.memory_space<hbm>> -> memref<1x1x32x128xf32, #tpu.memory_space<hbm>>
        %dma_wait3A_442 = tpu.memref_squeeze %dma_wait3A_441 : memref<1x1x32x128xf32, #tpu.memory_space<hbm>> -> memref<32x128xf32, #tpu.memory_space<hbm>>
        %dma_wait3A_443 = arith.constant 0 : i32
        %dma_wait3A_444 = tpu.memref_slice %arg6[%select_n3A, %dma_wait3A_435, %mul3A_64, %dma_wait3A_443] : memref<8x8x2048x128xf32, #tpu.memory_space<hbm>> -> memref<1x1x32x128xf32, #tpu.memory_space<hbm>>
        %dma_wait3A_445 = tpu.memref_squeeze %dma_wait3A_444 : memref<1x1x32x128xf32, #tpu.memory_space<hbm>> -> memref<32x128xf32, #tpu.memory_space<hbm>>
        %dma_wait3A_446 = arith.constant 0 : i32
        %dma_wait3A_447 = arith.constant 0 : i32
        %dma_wait3A_448 = tpu.memref_slice %arg9[%dma_wait3A_446, %dma_wait3A_434, %dma_wait3A_447] : memref<32x8x128xf32, #tpu.memory_space<vmem>> -> memref<32x1x128xf32, #tpu.memory_space<vmem>>
        %dma_wait3A_449 = tpu.memref_squeeze %dma_wait3A_448 : memref<32x1x128xf32, #tpu.memory_space<vmem>> -> memref<32x128xf32, #tpu.memory_space<vmem>>
        tpu.wait_dma2 semaphore(%arg14 : memref<!tpu.dma_semaphore, #tpu.memory_space<semaphore_mem>>) src(%dma_wait3A_449 : memref<32x128xf32, #tpu.memory_space<vmem>>) dst(%dma_wait3A_445 : memref<32x128xf32, #tpu.memory_space<hbm>>)
        %dma_wait3A_450 = arith.constant 7 : i32
        %dma_wait3A_451 = arith.constant 7 : i32
        %dma_wait3A_452 = arith.constant 0 : i32
        %dma_wait3A_453 = arith.constant 0 : i32
        %dma_wait3A_454 = tpu.memref_slice %arg9[%dma_wait3A_452, %dma_wait3A_450, %dma_wait3A_453] : memref<32x8x128xf32, #tpu.memory_space<vmem>> -> memref<32x1x128xf32, #tpu.memory_space<vmem>>
        %dma_wait3A_455 = tpu.memref_squeeze %dma_wait3A_454 : memref<32x1x128xf32, #tpu.memory_space<vmem>> -> memref<32x128xf32, #tpu.memory_space<vmem>>
        %dma_wait3A_456 = arith.constant 0 : i32
        %dma_wait3A_457 = tpu.memref_slice %arg6[%select_n3A, %dma_wait3A_451, %mul3A_64, %dma_wait3A_456] : memref<8x8x2048x128xf32, #tpu.memory_space<hbm>> -> memref<1x1x32x128xf32, #tpu.memory_space<hbm>>
        %dma_wait3A_458 = tpu.memref_squeeze %dma_wait3A_457 : memref<1x1x32x128xf32, #tpu.memory_space<hbm>> -> memref<32x128xf32, #tpu.memory_space<hbm>>
        %dma_wait3A_459 = arith.constant 0 : i32
        %dma_wait3A_460 = tpu.memref_slice %arg6[%select_n3A, %dma_wait3A_451, %mul3A_64, %dma_wait3A_459] : memref<8x8x2048x128xf32, #tpu.memory_space<hbm>> -> memref<1x1x32x128xf32, #tpu.memory_space<hbm>>
        %dma_wait3A_461 = tpu.memref_squeeze %dma_wait3A_460 : memref<1x1x32x128xf32, #tpu.memory_space<hbm>> -> memref<32x128xf32, #tpu.memory_space<hbm>>
        %dma_wait3A_462 = arith.constant 0 : i32
        %dma_wait3A_463 = arith.constant 0 : i32
        %dma_wait3A_464 = tpu.memref_slice %arg9[%dma_wait3A_462, %dma_wait3A_450, %dma_wait3A_463] : memref<32x8x128xf32, #tpu.memory_space<vmem>> -> memref<32x1x128xf32, #tpu.memory_space<vmem>>
        %dma_wait3A_465 = tpu.memref_squeeze %dma_wait3A_464 : memref<32x1x128xf32, #tpu.memory_space<vmem>> -> memref<32x128xf32, #tpu.memory_space<vmem>>
        tpu.wait_dma2 semaphore(%arg14 : memref<!tpu.dma_semaphore, #tpu.memory_space<semaphore_mem>>) src(%dma_wait3A_465 : memref<32x128xf32, #tpu.memory_space<vmem>>) dst(%dma_wait3A_461 : memref<32x128xf32, #tpu.memory_space<hbm>>)
        %dma_wait3A_466 = arith.constant 0 : i32
        %dma_wait3A_467 = arith.constant 0 : i32
        %dma_wait3A_468 = arith.constant 0 : i32
        %dma_wait3A_469 = arith.constant 0 : i32
        %dma_wait3A_470 = tpu.memref_slice %arg10[%dma_wait3A_468, %dma_wait3A_466, %dma_wait3A_469] : memref<32x8x128xf32, #tpu.memory_space<vmem>> -> memref<32x1x128xf32, #tpu.memory_space<vmem>>
        %dma_wait3A_471 = tpu.memref_squeeze %dma_wait3A_470 : memref<32x1x128xf32, #tpu.memory_space<vmem>> -> memref<32x128xf32, #tpu.memory_space<vmem>>
        %dma_wait3A_472 = arith.constant 0 : i32
        %dma_wait3A_473 = tpu.memref_slice %arg7[%select_n3A, %dma_wait3A_467, %mul3A_64, %dma_wait3A_472] : memref<8x8x2048x128xf32, #tpu.memory_space<hbm>> -> memref<1x1x32x128xf32, #tpu.memory_space<hbm>>
        %dma_wait3A_474 = tpu.memref_squeeze %dma_wait3A_473 : memref<1x1x32x128xf32, #tpu.memory_space<hbm>> -> memref<32x128xf32, #tpu.memory_space<hbm>>
        %dma_wait3A_475 = arith.constant 0 : i32
        %dma_wait3A_476 = tpu.memref_slice %arg7[%select_n3A, %dma_wait3A_467, %mul3A_64, %dma_wait3A_475] : memref<8x8x2048x128xf32, #tpu.memory_space<hbm>> -> memref<1x1x32x128xf32, #tpu.memory_space<hbm>>
        %dma_wait3A_477 = tpu.memref_squeeze %dma_wait3A_476 : memref<1x1x32x128xf32, #tpu.memory_space<hbm>> -> memref<32x128xf32, #tpu.memory_space<hbm>>
        %dma_wait3A_478 = arith.constant 0 : i32
        %dma_wait3A_479 = arith.constant 0 : i32
        %dma_wait3A_480 = tpu.memref_slice %arg10[%dma_wait3A_478, %dma_wait3A_466, %dma_wait3A_479] : memref<32x8x128xf32, #tpu.memory_space<vmem>> -> memref<32x1x128xf32, #tpu.memory_space<vmem>>
        %dma_wait3A_481 = tpu.memref_squeeze %dma_wait3A_480 : memref<32x1x128xf32, #tpu.memory_space<vmem>> -> memref<32x128xf32, #tpu.memory_space<vmem>>
        tpu.wait_dma2 semaphore(%arg15 : memref<!tpu.dma_semaphore, #tpu.memory_space<semaphore_mem>>) src(%dma_wait3A_481 : memref<32x128xf32, #tpu.memory_space<vmem>>) dst(%dma_wait3A_477 : memref<32x128xf32, #tpu.memory_space<hbm>>)
        %dma_wait3A_482 = arith.constant 1 : i32
        %dma_wait3A_483 = arith.constant 1 : i32
        %dma_wait3A_484 = arith.constant 0 : i32
        %dma_wait3A_485 = arith.constant 0 : i32
        %dma_wait3A_486 = tpu.memref_slice %arg10[%dma_wait3A_484, %dma_wait3A_482, %dma_wait3A_485] : memref<32x8x128xf32, #tpu.memory_space<vmem>> -> memref<32x1x128xf32, #tpu.memory_space<vmem>>
        %dma_wait3A_487 = tpu.memref_squeeze %dma_wait3A_486 : memref<32x1x128xf32, #tpu.memory_space<vmem>> -> memref<32x128xf32, #tpu.memory_space<vmem>>
        %dma_wait3A_488 = arith.constant 0 : i32
        %dma_wait3A_489 = tpu.memref_slice %arg7[%select_n3A, %dma_wait3A_483, %mul3A_64, %dma_wait3A_488] : memref<8x8x2048x128xf32, #tpu.memory_space<hbm>> -> memref<1x1x32x128xf32, #tpu.memory_space<hbm>>
        %dma_wait3A_490 = tpu.memref_squeeze %dma_wait3A_489 : memref<1x1x32x128xf32, #tpu.memory_space<hbm>> -> memref<32x128xf32, #tpu.memory_space<hbm>>
        %dma_wait3A_491 = arith.constant 0 : i32
        %dma_wait3A_492 = tpu.memref_slice %arg7[%select_n3A, %dma_wait3A_483, %mul3A_64, %dma_wait3A_491] : memref<8x8x2048x128xf32, #tpu.memory_space<hbm>> -> memref<1x1x32x128xf32, #tpu.memory_space<hbm>>
        %dma_wait3A_493 = tpu.memref_squeeze %dma_wait3A_492 : memref<1x1x32x128xf32, #tpu.memory_space<hbm>> -> memref<32x128xf32, #tpu.memory_space<hbm>>
        %dma_wait3A_494 = arith.constant 0 : i32
        %dma_wait3A_495 = arith.constant 0 : i32
        %dma_wait3A_496 = tpu.memref_slice %arg10[%dma_wait3A_494, %dma_wait3A_482, %dma_wait3A_495] : memref<32x8x128xf32, #tpu.memory_space<vmem>> -> memref<32x1x128xf32, #tpu.memory_space<vmem>>
        %dma_wait3A_497 = tpu.memref_squeeze %dma_wait3A_496 : memref<32x1x128xf32, #tpu.memory_space<vmem>> -> memref<32x128xf32, #tpu.memory_space<vmem>>
        tpu.wait_dma2 semaphore(%arg15 : memref<!tpu.dma_semaphore, #tpu.memory_space<semaphore_mem>>) src(%dma_wait3A_497 : memref<32x128xf32, #tpu.memory_space<vmem>>) dst(%dma_wait3A_493 : memref<32x128xf32, #tpu.memory_space<hbm>>)
        %dma_wait3A_498 = arith.constant 2 : i32
        %dma_wait3A_499 = arith.constant 2 : i32
        %dma_wait3A_500 = arith.constant 0 : i32
        %dma_wait3A_501 = arith.constant 0 : i32
        %dma_wait3A_502 = tpu.memref_slice %arg10[%dma_wait3A_500, %dma_wait3A_498, %dma_wait3A_501] : memref<32x8x128xf32, #tpu.memory_space<vmem>> -> memref<32x1x128xf32, #tpu.memory_space<vmem>>
        %dma_wait3A_503 = tpu.memref_squeeze %dma_wait3A_502 : memref<32x1x128xf32, #tpu.memory_space<vmem>> -> memref<32x128xf32, #tpu.memory_space<vmem>>
        %dma_wait3A_504 = arith.constant 0 : i32
        %dma_wait3A_505 = tpu.memref_slice %arg7[%select_n3A, %dma_wait3A_499, %mul3A_64, %dma_wait3A_504] : memref<8x8x2048x128xf32, #tpu.memory_space<hbm>> -> memref<1x1x32x128xf32, #tpu.memory_space<hbm>>
        %dma_wait3A_506 = tpu.memref_squeeze %dma_wait3A_505 : memref<1x1x32x128xf32, #tpu.memory_space<hbm>> -> memref<32x128xf32, #tpu.memory_space<hbm>>
        %dma_wait3A_507 = arith.constant 0 : i32
        %dma_wait3A_508 = tpu.memref_slice %arg7[%select_n3A, %dma_wait3A_499, %mul3A_64, %dma_wait3A_507] : memref<8x8x2048x128xf32, #tpu.memory_space<hbm>> -> memref<1x1x32x128xf32, #tpu.memory_space<hbm>>
        %dma_wait3A_509 = tpu.memref_squeeze %dma_wait3A_508 : memref<1x1x32x128xf32, #tpu.memory_space<hbm>> -> memref<32x128xf32, #tpu.memory_space<hbm>>
        %dma_wait3A_510 = arith.constant 0 : i32
        %dma_wait3A_511 = arith.constant 0 : i32
        %dma_wait3A_512 = tpu.memref_slice %arg10[%dma_wait3A_510, %dma_wait3A_498, %dma_wait3A_511] : memref<32x8x128xf32, #tpu.memory_space<vmem>> -> memref<32x1x128xf32, #tpu.memory_space<vmem>>
        %dma_wait3A_513 = tpu.memref_squeeze %dma_wait3A_512 : memref<32x1x128xf32, #tpu.memory_space<vmem>> -> memref<32x128xf32, #tpu.memory_space<vmem>>
        tpu.wait_dma2 semaphore(%arg15 : memref<!tpu.dma_semaphore, #tpu.memory_space<semaphore_mem>>) src(%dma_wait3A_513 : memref<32x128xf32, #tpu.memory_space<vmem>>) dst(%dma_wait3A_509 : memref<32x128xf32, #tpu.memory_space<hbm>>)
        %dma_wait3A_514 = arith.constant 3 : i32
        %dma_wait3A_515 = arith.constant 3 : i32
        %dma_wait3A_516 = arith.constant 0 : i32
        %dma_wait3A_517 = arith.constant 0 : i32
        %dma_wait3A_518 = tpu.memref_slice %arg10[%dma_wait3A_516, %dma_wait3A_514, %dma_wait3A_517] : memref<32x8x128xf32, #tpu.memory_space<vmem>> -> memref<32x1x128xf32, #tpu.memory_space<vmem>>
        %dma_wait3A_519 = tpu.memref_squeeze %dma_wait3A_518 : memref<32x1x128xf32, #tpu.memory_space<vmem>> -> memref<32x128xf32, #tpu.memory_space<vmem>>
        %dma_wait3A_520 = arith.constant 0 : i32
        %dma_wait3A_521 = tpu.memref_slice %arg7[%select_n3A, %dma_wait3A_515, %mul3A_64, %dma_wait3A_520] : memref<8x8x2048x128xf32, #tpu.memory_space<hbm>> -> memref<1x1x32x128xf32, #tpu.memory_space<hbm>>
        %dma_wait3A_522 = tpu.memref_squeeze %dma_wait3A_521 : memref<1x1x32x128xf32, #tpu.memory_space<hbm>> -> memref<32x128xf32, #tpu.memory_space<hbm>>
        %dma_wait3A_523 = arith.constant 0 : i32
        %dma_wait3A_524 = tpu.memref_slice %arg7[%select_n3A, %dma_wait3A_515, %mul3A_64, %dma_wait3A_523] : memref<8x8x2048x128xf32, #tpu.memory_space<hbm>> -> memref<1x1x32x128xf32, #tpu.memory_space<hbm>>
        %dma_wait3A_525 = tpu.memref_squeeze %dma_wait3A_524 : memref<1x1x32x128xf32, #tpu.memory_space<hbm>> -> memref<32x128xf32, #tpu.memory_space<hbm>>
        %dma_wait3A_526 = arith.constant 0 : i32
        %dma_wait3A_527 = arith.constant 0 : i32
        %dma_wait3A_528 = tpu.memref_slice %arg10[%dma_wait3A_526, %dma_wait3A_514, %dma_wait3A_527] : memref<32x8x128xf32, #tpu.memory_space<vmem>> -> memref<32x1x128xf32, #tpu.memory_space<vmem>>
        %dma_wait3A_529 = tpu.memref_squeeze %dma_wait3A_528 : memref<32x1x128xf32, #tpu.memory_space<vmem>> -> memref<32x128xf32, #tpu.memory_space<vmem>>
        tpu.wait_dma2 semaphore(%arg15 : memref<!tpu.dma_semaphore, #tpu.memory_space<semaphore_mem>>) src(%dma_wait3A_529 : memref<32x128xf32, #tpu.memory_space<vmem>>) dst(%dma_wait3A_525 : memref<32x128xf32, #tpu.memory_space<hbm>>)
        %dma_wait3A_530 = arith.constant 4 : i32
        %dma_wait3A_531 = arith.constant 4 : i32
        %dma_wait3A_532 = arith.constant 0 : i32
        %dma_wait3A_533 = arith.constant 0 : i32
        %dma_wait3A_534 = tpu.memref_slice %arg10[%dma_wait3A_532, %dma_wait3A_530, %dma_wait3A_533] : memref<32x8x128xf32, #tpu.memory_space<vmem>> -> memref<32x1x128xf32, #tpu.memory_space<vmem>>
        %dma_wait3A_535 = tpu.memref_squeeze %dma_wait3A_534 : memref<32x1x128xf32, #tpu.memory_space<vmem>> -> memref<32x128xf32, #tpu.memory_space<vmem>>
        %dma_wait3A_536 = arith.constant 0 : i32
        %dma_wait3A_537 = tpu.memref_slice %arg7[%select_n3A, %dma_wait3A_531, %mul3A_64, %dma_wait3A_536] : memref<8x8x2048x128xf32, #tpu.memory_space<hbm>> -> memref<1x1x32x128xf32, #tpu.memory_space<hbm>>
        %dma_wait3A_538 = tpu.memref_squeeze %dma_wait3A_537 : memref<1x1x32x128xf32, #tpu.memory_space<hbm>> -> memref<32x128xf32, #tpu.memory_space<hbm>>
        %dma_wait3A_539 = arith.constant 0 : i32
        %dma_wait3A_540 = tpu.memref_slice %arg7[%select_n3A, %dma_wait3A_531, %mul3A_64, %dma_wait3A_539] : memref<8x8x2048x128xf32, #tpu.memory_space<hbm>> -> memref<1x1x32x128xf32, #tpu.memory_space<hbm>>
        %dma_wait3A_541 = tpu.memref_squeeze %dma_wait3A_540 : memref<1x1x32x128xf32, #tpu.memory_space<hbm>> -> memref<32x128xf32, #tpu.memory_space<hbm>>
        %dma_wait3A_542 = arith.constant 0 : i32
        %dma_wait3A_543 = arith.constant 0 : i32
        %dma_wait3A_544 = tpu.memref_slice %arg10[%dma_wait3A_542, %dma_wait3A_530, %dma_wait3A_543] : memref<32x8x128xf32, #tpu.memory_space<vmem>> -> memref<32x1x128xf32, #tpu.memory_space<vmem>>
        %dma_wait3A_545 = tpu.memref_squeeze %dma_wait3A_544 : memref<32x1x128xf32, #tpu.memory_space<vmem>> -> memref<32x128xf32, #tpu.memory_space<vmem>>
        tpu.wait_dma2 semaphore(%arg15 : memref<!tpu.dma_semaphore, #tpu.memory_space<semaphore_mem>>) src(%dma_wait3A_545 : memref<32x128xf32, #tpu.memory_space<vmem>>) dst(%dma_wait3A_541 : memref<32x128xf32, #tpu.memory_space<hbm>>)
        %dma_wait3A_546 = arith.constant 5 : i32
        %dma_wait3A_547 = arith.constant 5 : i32
        %dma_wait3A_548 = arith.constant 0 : i32
        %dma_wait3A_549 = arith.constant 0 : i32
        %dma_wait3A_550 = tpu.memref_slice %arg10[%dma_wait3A_548, %dma_wait3A_546, %dma_wait3A_549] : memref<32x8x128xf32, #tpu.memory_space<vmem>> -> memref<32x1x128xf32, #tpu.memory_space<vmem>>
        %dma_wait3A_551 = tpu.memref_squeeze %dma_wait3A_550 : memref<32x1x128xf32, #tpu.memory_space<vmem>> -> memref<32x128xf32, #tpu.memory_space<vmem>>
        %dma_wait3A_552 = arith.constant 0 : i32
        %dma_wait3A_553 = tpu.memref_slice %arg7[%select_n3A, %dma_wait3A_547, %mul3A_64, %dma_wait3A_552] : memref<8x8x2048x128xf32, #tpu.memory_space<hbm>> -> memref<1x1x32x128xf32, #tpu.memory_space<hbm>>
        %dma_wait3A_554 = tpu.memref_squeeze %dma_wait3A_553 : memref<1x1x32x128xf32, #tpu.memory_space<hbm>> -> memref<32x128xf32, #tpu.memory_space<hbm>>
        %dma_wait3A_555 = arith.constant 0 : i32
        %dma_wait3A_556 = tpu.memref_slice %arg7[%select_n3A, %dma_wait3A_547, %mul3A_64, %dma_wait3A_555] : memref<8x8x2048x128xf32, #tpu.memory_space<hbm>> -> memref<1x1x32x128xf32, #tpu.memory_space<hbm>>
        %dma_wait3A_557 = tpu.memref_squeeze %dma_wait3A_556 : memref<1x1x32x128xf32, #tpu.memory_space<hbm>> -> memref<32x128xf32, #tpu.memory_space<hbm>>
        %dma_wait3A_558 = arith.constant 0 : i32
        %dma_wait3A_559 = arith.constant 0 : i32
        %dma_wait3A_560 = tpu.memref_slice %arg10[%dma_wait3A_558, %dma_wait3A_546, %dma_wait3A_559] : memref<32x8x128xf32, #tpu.memory_space<vmem>> -> memref<32x1x128xf32, #tpu.memory_space<vmem>>
        %dma_wait3A_561 = tpu.memref_squeeze %dma_wait3A_560 : memref<32x1x128xf32, #tpu.memory_space<vmem>> -> memref<32x128xf32, #tpu.memory_space<vmem>>
        tpu.wait_dma2 semaphore(%arg15 : memref<!tpu.dma_semaphore, #tpu.memory_space<semaphore_mem>>) src(%dma_wait3A_561 : memref<32x128xf32, #tpu.memory_space<vmem>>) dst(%dma_wait3A_557 : memref<32x128xf32, #tpu.memory_space<hbm>>)
        %dma_wait3A_562 = arith.constant 6 : i32
        %dma_wait3A_563 = arith.constant 6 : i32
        %dma_wait3A_564 = arith.constant 0 : i32
        %dma_wait3A_565 = arith.constant 0 : i32
        %dma_wait3A_566 = tpu.memref_slice %arg10[%dma_wait3A_564, %dma_wait3A_562, %dma_wait3A_565] : memref<32x8x128xf32, #tpu.memory_space<vmem>> -> memref<32x1x128xf32, #tpu.memory_space<vmem>>
        %dma_wait3A_567 = tpu.memref_squeeze %dma_wait3A_566 : memref<32x1x128xf32, #tpu.memory_space<vmem>> -> memref<32x128xf32, #tpu.memory_space<vmem>>
        %dma_wait3A_568 = arith.constant 0 : i32
        %dma_wait3A_569 = tpu.memref_slice %arg7[%select_n3A, %dma_wait3A_563, %mul3A_64, %dma_wait3A_568] : memref<8x8x2048x128xf32, #tpu.memory_space<hbm>> -> memref<1x1x32x128xf32, #tpu.memory_space<hbm>>
        %dma_wait3A_570 = tpu.memref_squeeze %dma_wait3A_569 : memref<1x1x32x128xf32, #tpu.memory_space<hbm>> -> memref<32x128xf32, #tpu.memory_space<hbm>>
        %dma_wait3A_571 = arith.constant 0 : i32
        %dma_wait3A_572 = tpu.memref_slice %arg7[%select_n3A, %dma_wait3A_563, %mul3A_64, %dma_wait3A_571] : memref<8x8x2048x128xf32, #tpu.memory_space<hbm>> -> memref<1x1x32x128xf32, #tpu.memory_space<hbm>>
        %dma_wait3A_573 = tpu.memref_squeeze %dma_wait3A_572 : memref<1x1x32x128xf32, #tpu.memory_space<hbm>> -> memref<32x128xf32, #tpu.memory_space<hbm>>
        %dma_wait3A_574 = arith.constant 0 : i32
        %dma_wait3A_575 = arith.constant 0 : i32
        %dma_wait3A_576 = tpu.memref_slice %arg10[%dma_wait3A_574, %dma_wait3A_562, %dma_wait3A_575] : memref<32x8x128xf32, #tpu.memory_space<vmem>> -> memref<32x1x128xf32, #tpu.memory_space<vmem>>
        %dma_wait3A_577 = tpu.memref_squeeze %dma_wait3A_576 : memref<32x1x128xf32, #tpu.memory_space<vmem>> -> memref<32x128xf32, #tpu.memory_space<vmem>>
        tpu.wait_dma2 semaphore(%arg15 : memref<!tpu.dma_semaphore, #tpu.memory_space<semaphore_mem>>) src(%dma_wait3A_577 : memref<32x128xf32, #tpu.memory_space<vmem>>) dst(%dma_wait3A_573 : memref<32x128xf32, #tpu.memory_space<hbm>>)
        %dma_wait3A_578 = arith.constant 7 : i32
        %dma_wait3A_579 = arith.constant 7 : i32
        %dma_wait3A_580 = arith.constant 0 : i32
        %dma_wait3A_581 = arith.constant 0 : i32
        %dma_wait3A_582 = tpu.memref_slice %arg10[%dma_wait3A_580, %dma_wait3A_578, %dma_wait3A_581] : memref<32x8x128xf32, #tpu.memory_space<vmem>> -> memref<32x1x128xf32, #tpu.memory_space<vmem>>
        %dma_wait3A_583 = tpu.memref_squeeze %dma_wait3A_582 : memref<32x1x128xf32, #tpu.memory_space<vmem>> -> memref<32x128xf32, #tpu.memory_space<vmem>>
        %dma_wait3A_584 = arith.constant 0 : i32
        %dma_wait3A_585 = tpu.memref_slice %arg7[%select_n3A, %dma_wait3A_579, %mul3A_64, %dma_wait3A_584] : memref<8x8x2048x128xf32, #tpu.memory_space<hbm>> -> memref<1x1x32x128xf32, #tpu.memory_space<hbm>>
        %dma_wait3A_586 = tpu.memref_squeeze %dma_wait3A_585 : memref<1x1x32x128xf32, #tpu.memory_space<hbm>> -> memref<32x128xf32, #tpu.memory_space<hbm>>
        %dma_wait3A_587 = arith.constant 0 : i32
        %dma_wait3A_588 = tpu.memref_slice %arg7[%select_n3A, %dma_wait3A_579, %mul3A_64, %dma_wait3A_587] : memref<8x8x2048x128xf32, #tpu.memory_space<hbm>> -> memref<1x1x32x128xf32, #tpu.memory_space<hbm>>
        %dma_wait3A_589 = tpu.memref_squeeze %dma_wait3A_588 : memref<1x1x32x128xf32, #tpu.memory_space<hbm>> -> memref<32x128xf32, #tpu.memory_space<hbm>>
        %dma_wait3A_590 = arith.constant 0 : i32
        %dma_wait3A_591 = arith.constant 0 : i32
        %dma_wait3A_592 = tpu.memref_slice %arg10[%dma_wait3A_590, %dma_wait3A_578, %dma_wait3A_591] : memref<32x8x128xf32, #tpu.memory_space<vmem>> -> memref<32x1x128xf32, #tpu.memory_space<vmem>>
        %dma_wait3A_593 = tpu.memref_squeeze %dma_wait3A_592 : memref<32x1x128xf32, #tpu.memory_space<vmem>> -> memref<32x128xf32, #tpu.memory_space<vmem>>
        tpu.wait_dma2 semaphore(%arg15 : memref<!tpu.dma_semaphore, #tpu.memory_space<semaphore_mem>>) src(%dma_wait3A_593 : memref<32x128xf32, #tpu.memory_space<vmem>>) dst(%dma_wait3A_589 : memref<32x128xf32, #tpu.memory_space<hbm>>)
      } else {
      }
    }
    %scan3A_5 = arith.constant 16 : i32
    return
  }
}

module attributes {stable_mosaic.version = 14 : i64} {
  func.func @_tc_attend_body(%arg0: i32, %arg1: i32, %arg2: memref<8xi32, #tpu.memory_space<smem>>, %arg3: memref<1x32x128xf32, #tpu.memory_space<vmem>>, %arg4: memref<16x8x128xf32, #tpu.memory_space<vmem>>, %arg5: memref<16x8x128xf32, #tpu.memory_space<vmem>>, %arg6: memref<16x1xi32, #tpu.memory_space<vmem>>, %arg7: memref<1x1x512xi32, #tpu.memory_space<vmem>>, %arg8: memref<1x8x512x128xf32, #tpu.memory_space<vmem>>, %arg9: memref<1x8x512x128xf32, #tpu.memory_space<vmem>>, %arg10: memref<1x32x128xf32, #tpu.memory_space<vmem>>, %arg11: memref<32x1xf32, #tpu.memory_space<vmem>>, %arg12: memref<32x1xf32, #tpu.memory_space<vmem>>, %arg13: memref<32x128xf32, #tpu.memory_space<vmem>>, %arg14: memref<32x16xf32, #tpu.memory_space<vmem>>) attributes {dimension_semantics = [#tpu.dimension_semantics<arbitrary>, #tpu.dimension_semantics<arbitrary>], iteration_bounds = array<i64: 8, 4>, scalar_prefetch = 1 : i64, scratch_operands = 4 : i64, tpu.core_type = #tpu.core_type<tc>, window_params = [{transform_indices = @transform_0, window_bounds = array<i64: 1, 32, 128>}, {pipeline_mode = #tpu.pipeline_mode<synchronous>, transform_indices = @transform_1, window_bounds = array<i64: 16, 8, 128>}, {pipeline_mode = #tpu.pipeline_mode<synchronous>, transform_indices = @transform_2, window_bounds = array<i64: 16, 8, 128>}, {pipeline_mode = #tpu.pipeline_mode<synchronous>, transform_indices = @transform_3, window_bounds = array<i64: 16, 1>}, {transform_indices = @transform_4, window_bounds = array<i64: 1, 1, 512>}, {transform_indices = @transform_5, window_bounds = array<i64: 1, 8, 512, 128>}, {transform_indices = @transform_6, window_bounds = array<i64: 1, 8, 512, 128>}, {transform_indices = @transform_7, window_bounds = array<i64: 1, 32, 128>}]} {
    %get3A = arith.index_cast %arg0 : i32 to index
    %get3A_0 = memref.load %arg2[%get3A] : memref<8xi32, #tpu.memory_space<smem>>
    %max3A = arith.constant 1 : i32
    %max3A_1 = arith.maxsi %get3A_0, %max3A : i32
    %add3A = arith.constant 512 : i32
    %add3A_2 = arith.addi %max3A_1, %add3A : i32
    %sub3A = arith.constant 1 : i32
    %sub3A_3 = arith.subi %add3A_2, %sub3A : i32
    %jit3A = arith.constant 512 : i32
    %div3A = arith.divsi %sub3A_3, %jit3A : i32
    %sign3A = arith.constant 0 : i32
    %sign3A_4 = arith.cmpi sgt, %sub3A_3, %sign3A : i32
    %sign3A_5 = arith.extui %sign3A_4 : i1 to i32
    %sign3A_6 = arith.constant 0 : i32
    %sign3A_7 = arith.cmpi slt, %sub3A_3, %sign3A_6 : i32
    %sign3A_8 = arith.extui %sign3A_7 : i1 to i32
    %sign3A_9 = arith.subi %sign3A_5, %sign3A_8 : i32
    %sign3A_10 = arith.constant 0 : i32
    %sign3A_11 = arith.cmpi sgt, %jit3A, %sign3A_10 : i32
    %sign3A_12 = arith.extui %sign3A_11 : i1 to i32
    %sign3A_13 = arith.constant 0 : i32
    %sign3A_14 = arith.cmpi slt, %jit3A, %sign3A_13 : i32
    %sign3A_15 = arith.extui %sign3A_14 : i1 to i32
    %sign3A_16 = arith.subi %sign3A_12, %sign3A_15 : i32
    %ne3A = arith.cmpi ne, %sign3A_9, %sign3A_16 : i32
    %rem3A = arith.remsi %sub3A_3, %jit3A : i32
    %ne3A_17 = arith.constant 0 : i32
    %ne3A_18 = arith.cmpi ne, %rem3A, %ne3A_17 : i32
    %and3A = arith.andi %ne3A, %ne3A_18 : i1
    %sub3A_19 = arith.constant 1 : i32
    %sub3A_20 = arith.subi %div3A, %sub3A_19 : i32
    %select_n3A = arith.select %and3A, %sub3A_20, %div3A : i32
    %eq3A = arith.constant 0 : i32
    %eq3A_21 = arith.cmpi eq, %arg1, %eq3A : i32
    %convert_element_type3A = arith.extui %eq3A_21 : i1 to i32
    %cond3A = arith.constant 0 : i32
    %cond3A_22 = arith.cmpi ne, %convert_element_type3A, %cond3A : i32
    scf.if %cond3A_22 {
      %broadcast_in_dim3A = arith.constant -3.000000e+38 : f32
      %broadcast_in_dim3A_31 = vector.broadcast %broadcast_in_dim3A : f32 to vector<32x1xf32>
      %swap3A = arith.constant 0 : index
      %swap3A_32 = arith.constant 0 : index
      %swap3A_33 = vector.load %arg11[%swap3A, %swap3A_32] : memref<32x1xf32, #tpu.memory_space<vmem>>, vector<32x1xf32>
      tpu.vector_store %arg11[%swap3A, %swap3A_32], %broadcast_in_dim3A_31 {strides = array<i32>} : memref<32x1xf32, #tpu.memory_space<vmem>>, vector<32x1xf32>,
      %broadcast_in_dim3A_34 = arith.constant 0.000000e+00 : f32
      %broadcast_in_dim3A_35 = vector.broadcast %broadcast_in_dim3A_34 : f32 to vector<32x1xf32>
      %swap3A_36 = arith.constant 0 : index
      %swap3A_37 = arith.constant 0 : index
      %swap3A_38 = vector.load %arg12[%swap3A_36, %swap3A_37] : memref<32x1xf32, #tpu.memory_space<vmem>>, vector<32x1xf32>
      tpu.vector_store %arg12[%swap3A_36, %swap3A_37], %broadcast_in_dim3A_35 {strides = array<i32>} : memref<32x1xf32, #tpu.memory_space<vmem>>, vector<32x1xf32>,
      %broadcast_in_dim3A_39 = arith.constant 0.000000e+00 : f32
      %broadcast_in_dim3A_40 = vector.broadcast %broadcast_in_dim3A_39 : f32 to vector<32x128xf32>
      %swap3A_41 = arith.constant 0 : index
      %swap3A_42 = arith.constant 0 : index
      %swap3A_43 = vector.load %arg13[%swap3A_41, %swap3A_42] : memref<32x128xf32, #tpu.memory_space<vmem>>, vector<32x128xf32>
      tpu.vector_store %arg13[%swap3A_41, %swap3A_42], %broadcast_in_dim3A_40 {strides = array<i32>} : memref<32x128xf32, #tpu.memory_space<vmem>>, vector<32x128xf32>,
      %broadcast_in_dim3A_44 = arith.constant 0.000000e+00 : f32
      %broadcast_in_dim3A_45 = vector.broadcast %broadcast_in_dim3A_44 : f32 to vector<32x16xf32>
      %swap3A_46 = arith.constant 0 : index
      %swap3A_47 = arith.constant 0 : index
      %swap3A_48 = vector.load %arg14[%swap3A_46, %swap3A_47] : memref<32x16xf32, #tpu.memory_space<vmem>>, vector<32x16xf32>
      tpu.vector_store %arg14[%swap3A_46, %swap3A_47], %broadcast_in_dim3A_45 {strides = array<i32>} : memref<32x16xf32, #tpu.memory_space<vmem>>, vector<32x16xf32>,
    } else {
    }
    %lt3A = arith.cmpi slt, %arg1, %select_n3A : i32
    %convert_element_type3A_23 = arith.extui %lt3A : i1 to i32
    %cond3A_24 = arith.constant 0 : i32
    %cond3A_25 = arith.cmpi ne, %convert_element_type3A_23, %cond3A_24 : i32
    scf.if %cond3A_25 {
      %get3A_31 = arith.constant 0 : index
      %get3A_32 = arith.constant 0 : index
      %get3A_33 = arith.constant 0 : index
      %get3A_34 = vector.load %arg3[%get3A_31, %get3A_32, %get3A_33] : memref<1x32x128xf32, #tpu.memory_space<vmem>>, vector<1x32x128xf32>
      %get3A_35 = vector.shape_cast %get3A_34 : vector<1x32x128xf32> to vector<32x128xf32>
      %get3A_36 = arith.constant 0 : index
      %get3A_37 = arith.constant 0 : index
      %get3A_38 = arith.constant 0 : index
      %get3A_39 = vector.load %arg7[%get3A_36, %get3A_37, %get3A_38] : memref<1x1x512xi32, #tpu.memory_space<vmem>>, vector<1x1x512xi32>
      %get3A_40 = vector.shape_cast %get3A_39 : vector<1x1x512xi32> to vector<1x512xi32>
      %get3A_41 = arith.constant 0 : index
      %get3A_42 = arith.constant 0 : index
      %get3A_43 = vector.load %arg6[%get3A_41, %get3A_42] : memref<16x1xi32, #tpu.memory_space<vmem>>, vector<16x1xi32>
      %eq3A_44 = vector.broadcast %get3A_43 : vector<16x1xi32> to vector<16x512xi32>
      %eq3A_45 = vector.broadcast %get3A_40 : vector<1x512xi32> to vector<16x512xi32>
      %eq3A_46 = arith.cmpi eq, %eq3A_44, %eq3A_45 : vector<16x512xi32>
      %convert_element_type3A_47 = arith.extui %eq3A_46 : vector<16x512xi1> to vector<16x512xi32>
      %convert_element_type3A_48 = arith.sitofp %convert_element_type3A_47 : vector<16x512xi32> to vector<16x512xf32>
      %reduce_max3A = arith.constant dense<0xFF800000> : vector<512xf32>
      %reduce_max3A_49 = vector.multi_reduction <maximumf>, %convert_element_type3A_48, %reduce_max3A [0] : vector<16x512xf32> to vector<512xf32>
      %broadcast_in_dim3A = vector.shape_cast %reduce_max3A_49 : vector<512xf32> to vector<1x512xf32>
      %sub3A_50 = arith.constant 1.000000e+00 : f32
      %sub3A_51 = vector.broadcast %sub3A_50 : f32 to vector<1x512xf32>
      %sub3A_52 = arith.subf %sub3A_51, %broadcast_in_dim3A : vector<1x512xf32>
      %mul3A = arith.constant 512 : i32
      %mul3A_53 = arith.muli %arg1, %mul3A : i32
      %iota3A = tpu.iota {dimensions = array<i32: 1>} : vector<1x512xi32>
      %add3A_54 = vector.broadcast %mul3A_53 : i32 to vector<1x512xi32>
      %add3A_55 = arith.addi %add3A_54, %iota3A : vector<1x512xi32>
      %lt3A_56 = vector.broadcast %max3A_1 : i32 to vector<1x512xi32>
      %lt3A_57 = arith.cmpi slt, %add3A_55, %lt3A_56 : vector<1x512xi32>
      %mul3A_58 = arith.constant 512 : i32
      %mul3A_59 = arith.muli %arg1, %mul3A_58 : i32
      %iota3A_60 = tpu.iota {dimensions = array<i32: 0>} : vector<512x1xi32>
      %add3A_61 = vector.broadcast %mul3A_59 : i32 to vector<512x1xi32>
      %add3A_62 = arith.addi %add3A_61, %iota3A_60 : vector<512x1xi32>
      %lt3A_63 = vector.broadcast %max3A_1 : i32 to vector<512x1xi32>
      %lt3A_64 = arith.cmpi slt, %add3A_62, %lt3A_63 : vector<512x1xi32>
      %slice3A = vector.extract_strided_slice %get3A_35 {offsets = [0, 0], sizes = [4, 128], strides = [1, 1]} : vector<32x128xf32> to vector<4x128xf32>
      %get3A_65 = arith.constant 0 : index
      %get3A_66 = arith.constant 0 : index
      %get3A_67 = arith.constant 0 : index
      %get3A_68 = arith.constant 0 : index
      %get3A_69 = vector.load %arg8[%get3A_65, %get3A_66, %get3A_67, %get3A_68] : memref<1x8x512x128xf32, #tpu.memory_space<vmem>>, vector<1x1x512x128xf32>
      %get3A_70 = vector.shape_cast %get3A_69 : vector<1x1x512x128xf32> to vector<512x128xf32>
      %get3A_71 = arith.constant 0 : index
      %get3A_72 = arith.constant 0 : index
      %get3A_73 = arith.constant 0 : index
      %get3A_74 = vector.load %arg4[%get3A_71, %get3A_72, %get3A_73] : memref<16x8x128xf32, #tpu.memory_space<vmem>>, vector<16x1x128xf32>
      %get3A_75 = vector.shape_cast %get3A_74 : vector<16x1x128xf32> to vector<16x128xf32>
      %dot_general3A = arith.constant dense<0.000000e+00> : vector<4x512xf32>
      %dot_general3A_76 = tpu.matmul %slice3A, %get3A_70, %dot_general3A {dimension_numbers = #tpu.dot_dimension_numbers<[1], [1], [0], [0], [0, 0, 1, 0], [], []>, transpose_lhs_hint = false} : vector<4x128xf32>, vector<512x128xf32>, vector<4x512xf32> -> vector<4x512xf32>
      %dot_general3A_77 = arith.constant dense<0.000000e+00> : vector<4x16xf32>
      %dot_general3A_78 = tpu.matmul %slice3A, %get3A_75, %dot_general3A_77 {dimension_numbers = #tpu.dot_dimension_numbers<[1], [1], [0], [0], [0, 0, 1, 0], [], []>, transpose_lhs_hint = false} : vector<4x128xf32>, vector<16x128xf32>, vector<4x16xf32> -> vector<4x16xf32>
      %dot_general3A_79 = arith.constant dense<0.000000e+00> : vector<4x512xf32>
      %dot_general3A_80 = tpu.matmul %dot_general3A_78, %convert_element_type3A_48, %dot_general3A_79 {dimension_numbers = #tpu.dot_dimension_numbers<[1], [0], [0], [1], [0, 0, 1, 1], [], []>, transpose_lhs_hint = false} : vector<4x16xf32>, vector<16x512xf32>, vector<4x512xf32> -> vector<4x512xf32>
      %mul3A_81 = vector.broadcast %sub3A_52 : vector<1x512xf32> to vector<4x512xf32>
      %mul3A_82 = arith.mulf %dot_general3A_76, %mul3A_81 : vector<4x512xf32>
      %add3A_83 = arith.addf %mul3A_82, %dot_general3A_80 : vector<4x512xf32>
      %slice3A_84 = vector.extract_strided_slice %get3A_35 {offsets = [4, 0], sizes = [4, 128], strides = [1, 1]} : vector<32x128xf32> to vector<4x128xf32>
      %get3A_85 = arith.constant 0 : index
      %get3A_86 = arith.constant 1 : index
      %get3A_87 = arith.constant 0 : index
      %get3A_88 = arith.constant 0 : index
      %get3A_89 = vector.load %arg8[%get3A_85, %get3A_86, %get3A_87, %get3A_88] : memref<1x8x512x128xf32, #tpu.memory_space<vmem>>, vector<1x1x512x128xf32>
      %get3A_90 = vector.shape_cast %get3A_89 : vector<1x1x512x128xf32> to vector<512x128xf32>
      %get3A_91 = arith.constant 0 : index
      %get3A_92 = arith.constant 1 : index
      %get3A_93 = arith.constant 0 : index
      %get3A_94 = vector.load %arg4[%get3A_91, %get3A_92, %get3A_93] : memref<16x8x128xf32, #tpu.memory_space<vmem>>, vector<16x1x128xf32>
      %get3A_95 = vector.shape_cast %get3A_94 : vector<16x1x128xf32> to vector<16x128xf32>
      %dot_general3A_96 = arith.constant dense<0.000000e+00> : vector<4x512xf32>
      %dot_general3A_97 = tpu.matmul %slice3A_84, %get3A_90, %dot_general3A_96 {dimension_numbers = #tpu.dot_dimension_numbers<[1], [1], [0], [0], [0, 0, 1, 0], [], []>, transpose_lhs_hint = false} : vector<4x128xf32>, vector<512x128xf32>, vector<4x512xf32> -> vector<4x512xf32>
      %dot_general3A_98 = arith.constant dense<0.000000e+00> : vector<4x16xf32>
      %dot_general3A_99 = tpu.matmul %slice3A_84, %get3A_95, %dot_general3A_98 {dimension_numbers = #tpu.dot_dimension_numbers<[1], [1], [0], [0], [0, 0, 1, 0], [], []>, transpose_lhs_hint = false} : vector<4x128xf32>, vector<16x128xf32>, vector<4x16xf32> -> vector<4x16xf32>
      %dot_general3A_100 = arith.constant dense<0.000000e+00> : vector<4x512xf32>
      %dot_general3A_101 = tpu.matmul %dot_general3A_99, %convert_element_type3A_48, %dot_general3A_100 {dimension_numbers = #tpu.dot_dimension_numbers<[1], [0], [0], [1], [0, 0, 1, 1], [], []>, transpose_lhs_hint = false} : vector<4x16xf32>, vector<16x512xf32>, vector<4x512xf32> -> vector<4x512xf32>
      %mul3A_102 = vector.broadcast %sub3A_52 : vector<1x512xf32> to vector<4x512xf32>
      %mul3A_103 = arith.mulf %dot_general3A_97, %mul3A_102 : vector<4x512xf32>
      %add3A_104 = arith.addf %mul3A_103, %dot_general3A_101 : vector<4x512xf32>
      %slice3A_105 = vector.extract_strided_slice %get3A_35 {offsets = [8, 0], sizes = [4, 128], strides = [1, 1]} : vector<32x128xf32> to vector<4x128xf32>
      %get3A_106 = arith.constant 0 : index
      %get3A_107 = arith.constant 2 : index
      %get3A_108 = arith.constant 0 : index
      %get3A_109 = arith.constant 0 : index
      %get3A_110 = vector.load %arg8[%get3A_106, %get3A_107, %get3A_108, %get3A_109] : memref<1x8x512x128xf32, #tpu.memory_space<vmem>>, vector<1x1x512x128xf32>
      %get3A_111 = vector.shape_cast %get3A_110 : vector<1x1x512x128xf32> to vector<512x128xf32>
      %get3A_112 = arith.constant 0 : index
      %get3A_113 = arith.constant 2 : index
      %get3A_114 = arith.constant 0 : index
      %get3A_115 = vector.load %arg4[%get3A_112, %get3A_113, %get3A_114] : memref<16x8x128xf32, #tpu.memory_space<vmem>>, vector<16x1x128xf32>
      %get3A_116 = vector.shape_cast %get3A_115 : vector<16x1x128xf32> to vector<16x128xf32>
      %dot_general3A_117 = arith.constant dense<0.000000e+00> : vector<4x512xf32>
      %dot_general3A_118 = tpu.matmul %slice3A_105, %get3A_111, %dot_general3A_117 {dimension_numbers = #tpu.dot_dimension_numbers<[1], [1], [0], [0], [0, 0, 1, 0], [], []>, transpose_lhs_hint = false} : vector<4x128xf32>, vector<512x128xf32>, vector<4x512xf32> -> vector<4x512xf32>
      %dot_general3A_119 = arith.constant dense<0.000000e+00> : vector<4x16xf32>
      %dot_general3A_120 = tpu.matmul %slice3A_105, %get3A_116, %dot_general3A_119 {dimension_numbers = #tpu.dot_dimension_numbers<[1], [1], [0], [0], [0, 0, 1, 0], [], []>, transpose_lhs_hint = false} : vector<4x128xf32>, vector<16x128xf32>, vector<4x16xf32> -> vector<4x16xf32>
      %dot_general3A_121 = arith.constant dense<0.000000e+00> : vector<4x512xf32>
      %dot_general3A_122 = tpu.matmul %dot_general3A_120, %convert_element_type3A_48, %dot_general3A_121 {dimension_numbers = #tpu.dot_dimension_numbers<[1], [0], [0], [1], [0, 0, 1, 1], [], []>, transpose_lhs_hint = false} : vector<4x16xf32>, vector<16x512xf32>, vector<4x512xf32> -> vector<4x512xf32>
      %mul3A_123 = vector.broadcast %sub3A_52 : vector<1x512xf32> to vector<4x512xf32>
      %mul3A_124 = arith.mulf %dot_general3A_118, %mul3A_123 : vector<4x512xf32>
      %add3A_125 = arith.addf %mul3A_124, %dot_general3A_122 : vector<4x512xf32>
      %slice3A_126 = vector.extract_strided_slice %get3A_35 {offsets = [12, 0], sizes = [4, 128], strides = [1, 1]} : vector<32x128xf32> to vector<4x128xf32>
      %get3A_127 = arith.constant 0 : index
      %get3A_128 = arith.constant 3 : index
      %get3A_129 = arith.constant 0 : index
      %get3A_130 = arith.constant 0 : index
      %get3A_131 = vector.load %arg8[%get3A_127, %get3A_128, %get3A_129, %get3A_130] : memref<1x8x512x128xf32, #tpu.memory_space<vmem>>, vector<1x1x512x128xf32>
      %get3A_132 = vector.shape_cast %get3A_131 : vector<1x1x512x128xf32> to vector<512x128xf32>
      %get3A_133 = arith.constant 0 : index
      %get3A_134 = arith.constant 3 : index
      %get3A_135 = arith.constant 0 : index
      %get3A_136 = vector.load %arg4[%get3A_133, %get3A_134, %get3A_135] : memref<16x8x128xf32, #tpu.memory_space<vmem>>, vector<16x1x128xf32>
      %get3A_137 = vector.shape_cast %get3A_136 : vector<16x1x128xf32> to vector<16x128xf32>
      %dot_general3A_138 = arith.constant dense<0.000000e+00> : vector<4x512xf32>
      %dot_general3A_139 = tpu.matmul %slice3A_126, %get3A_132, %dot_general3A_138 {dimension_numbers = #tpu.dot_dimension_numbers<[1], [1], [0], [0], [0, 0, 1, 0], [], []>, transpose_lhs_hint = false} : vector<4x128xf32>, vector<512x128xf32>, vector<4x512xf32> -> vector<4x512xf32>
      %dot_general3A_140 = arith.constant dense<0.000000e+00> : vector<4x16xf32>
      %dot_general3A_141 = tpu.matmul %slice3A_126, %get3A_137, %dot_general3A_140 {dimension_numbers = #tpu.dot_dimension_numbers<[1], [1], [0], [0], [0, 0, 1, 0], [], []>, transpose_lhs_hint = false} : vector<4x128xf32>, vector<16x128xf32>, vector<4x16xf32> -> vector<4x16xf32>
      %dot_general3A_142 = arith.constant dense<0.000000e+00> : vector<4x512xf32>
      %dot_general3A_143 = tpu.matmul %dot_general3A_141, %convert_element_type3A_48, %dot_general3A_142 {dimension_numbers = #tpu.dot_dimension_numbers<[1], [0], [0], [1], [0, 0, 1, 1], [], []>, transpose_lhs_hint = false} : vector<4x16xf32>, vector<16x512xf32>, vector<4x512xf32> -> vector<4x512xf32>
      %mul3A_144 = vector.broadcast %sub3A_52 : vector<1x512xf32> to vector<4x512xf32>
      %mul3A_145 = arith.mulf %dot_general3A_139, %mul3A_144 : vector<4x512xf32>
      %add3A_146 = arith.addf %mul3A_145, %dot_general3A_143 : vector<4x512xf32>
      %slice3A_147 = vector.extract_strided_slice %get3A_35 {offsets = [16, 0], sizes = [4, 128], strides = [1, 1]} : vector<32x128xf32> to vector<4x128xf32>
      %get3A_148 = arith.constant 0 : index
      %get3A_149 = arith.constant 4 : index
      %get3A_150 = arith.constant 0 : index
      %get3A_151 = arith.constant 0 : index
      %get3A_152 = vector.load %arg8[%get3A_148, %get3A_149, %get3A_150, %get3A_151] : memref<1x8x512x128xf32, #tpu.memory_space<vmem>>, vector<1x1x512x128xf32>
      %get3A_153 = vector.shape_cast %get3A_152 : vector<1x1x512x128xf32> to vector<512x128xf32>
      %get3A_154 = arith.constant 0 : index
      %get3A_155 = arith.constant 4 : index
      %get3A_156 = arith.constant 0 : index
      %get3A_157 = vector.load %arg4[%get3A_154, %get3A_155, %get3A_156] : memref<16x8x128xf32, #tpu.memory_space<vmem>>, vector<16x1x128xf32>
      %get3A_158 = vector.shape_cast %get3A_157 : vector<16x1x128xf32> to vector<16x128xf32>
      %dot_general3A_159 = arith.constant dense<0.000000e+00> : vector<4x512xf32>
      %dot_general3A_160 = tpu.matmul %slice3A_147, %get3A_153, %dot_general3A_159 {dimension_numbers = #tpu.dot_dimension_numbers<[1], [1], [0], [0], [0, 0, 1, 0], [], []>, transpose_lhs_hint = false} : vector<4x128xf32>, vector<512x128xf32>, vector<4x512xf32> -> vector<4x512xf32>
      %dot_general3A_161 = arith.constant dense<0.000000e+00> : vector<4x16xf32>
      %dot_general3A_162 = tpu.matmul %slice3A_147, %get3A_158, %dot_general3A_161 {dimension_numbers = #tpu.dot_dimension_numbers<[1], [1], [0], [0], [0, 0, 1, 0], [], []>, transpose_lhs_hint = false} : vector<4x128xf32>, vector<16x128xf32>, vector<4x16xf32> -> vector<4x16xf32>
      %dot_general3A_163 = arith.constant dense<0.000000e+00> : vector<4x512xf32>
      %dot_general3A_164 = tpu.matmul %dot_general3A_162, %convert_element_type3A_48, %dot_general3A_163 {dimension_numbers = #tpu.dot_dimension_numbers<[1], [0], [0], [1], [0, 0, 1, 1], [], []>, transpose_lhs_hint = false} : vector<4x16xf32>, vector<16x512xf32>, vector<4x512xf32> -> vector<4x512xf32>
      %mul3A_165 = vector.broadcast %sub3A_52 : vector<1x512xf32> to vector<4x512xf32>
      %mul3A_166 = arith.mulf %dot_general3A_160, %mul3A_165 : vector<4x512xf32>
      %add3A_167 = arith.addf %mul3A_166, %dot_general3A_164 : vector<4x512xf32>
      %slice3A_168 = vector.extract_strided_slice %get3A_35 {offsets = [20, 0], sizes = [4, 128], strides = [1, 1]} : vector<32x128xf32> to vector<4x128xf32>
      %get3A_169 = arith.constant 0 : index
      %get3A_170 = arith.constant 5 : index
      %get3A_171 = arith.constant 0 : index
      %get3A_172 = arith.constant 0 : index
      %get3A_173 = vector.load %arg8[%get3A_169, %get3A_170, %get3A_171, %get3A_172] : memref<1x8x512x128xf32, #tpu.memory_space<vmem>>, vector<1x1x512x128xf32>
      %get3A_174 = vector.shape_cast %get3A_173 : vector<1x1x512x128xf32> to vector<512x128xf32>
      %get3A_175 = arith.constant 0 : index
      %get3A_176 = arith.constant 5 : index
      %get3A_177 = arith.constant 0 : index
      %get3A_178 = vector.load %arg4[%get3A_175, %get3A_176, %get3A_177] : memref<16x8x128xf32, #tpu.memory_space<vmem>>, vector<16x1x128xf32>
      %get3A_179 = vector.shape_cast %get3A_178 : vector<16x1x128xf32> to vector<16x128xf32>
      %dot_general3A_180 = arith.constant dense<0.000000e+00> : vector<4x512xf32>
      %dot_general3A_181 = tpu.matmul %slice3A_168, %get3A_174, %dot_general3A_180 {dimension_numbers = #tpu.dot_dimension_numbers<[1], [1], [0], [0], [0, 0, 1, 0], [], []>, transpose_lhs_hint = false} : vector<4x128xf32>, vector<512x128xf32>, vector<4x512xf32> -> vector<4x512xf32>
      %dot_general3A_182 = arith.constant dense<0.000000e+00> : vector<4x16xf32>
      %dot_general3A_183 = tpu.matmul %slice3A_168, %get3A_179, %dot_general3A_182 {dimension_numbers = #tpu.dot_dimension_numbers<[1], [1], [0], [0], [0, 0, 1, 0], [], []>, transpose_lhs_hint = false} : vector<4x128xf32>, vector<16x128xf32>, vector<4x16xf32> -> vector<4x16xf32>
      %dot_general3A_184 = arith.constant dense<0.000000e+00> : vector<4x512xf32>
      %dot_general3A_185 = tpu.matmul %dot_general3A_183, %convert_element_type3A_48, %dot_general3A_184 {dimension_numbers = #tpu.dot_dimension_numbers<[1], [0], [0], [1], [0, 0, 1, 1], [], []>, transpose_lhs_hint = false} : vector<4x16xf32>, vector<16x512xf32>, vector<4x512xf32> -> vector<4x512xf32>
      %mul3A_186 = vector.broadcast %sub3A_52 : vector<1x512xf32> to vector<4x512xf32>
      %mul3A_187 = arith.mulf %dot_general3A_181, %mul3A_186 : vector<4x512xf32>
      %add3A_188 = arith.addf %mul3A_187, %dot_general3A_185 : vector<4x512xf32>
      %slice3A_189 = vector.extract_strided_slice %get3A_35 {offsets = [24, 0], sizes = [4, 128], strides = [1, 1]} : vector<32x128xf32> to vector<4x128xf32>
      %get3A_190 = arith.constant 0 : index
      %get3A_191 = arith.constant 6 : index
      %get3A_192 = arith.constant 0 : index
      %get3A_193 = arith.constant 0 : index
      %get3A_194 = vector.load %arg8[%get3A_190, %get3A_191, %get3A_192, %get3A_193] : memref<1x8x512x128xf32, #tpu.memory_space<vmem>>, vector<1x1x512x128xf32>
      %get3A_195 = vector.shape_cast %get3A_194 : vector<1x1x512x128xf32> to vector<512x128xf32>
      %get3A_196 = arith.constant 0 : index
      %get3A_197 = arith.constant 6 : index
      %get3A_198 = arith.constant 0 : index
      %get3A_199 = vector.load %arg4[%get3A_196, %get3A_197, %get3A_198] : memref<16x8x128xf32, #tpu.memory_space<vmem>>, vector<16x1x128xf32>
      %get3A_200 = vector.shape_cast %get3A_199 : vector<16x1x128xf32> to vector<16x128xf32>
      %dot_general3A_201 = arith.constant dense<0.000000e+00> : vector<4x512xf32>
      %dot_general3A_202 = tpu.matmul %slice3A_189, %get3A_195, %dot_general3A_201 {dimension_numbers = #tpu.dot_dimension_numbers<[1], [1], [0], [0], [0, 0, 1, 0], [], []>, transpose_lhs_hint = false} : vector<4x128xf32>, vector<512x128xf32>, vector<4x512xf32> -> vector<4x512xf32>
      %dot_general3A_203 = arith.constant dense<0.000000e+00> : vector<4x16xf32>
      %dot_general3A_204 = tpu.matmul %slice3A_189, %get3A_200, %dot_general3A_203 {dimension_numbers = #tpu.dot_dimension_numbers<[1], [1], [0], [0], [0, 0, 1, 0], [], []>, transpose_lhs_hint = false} : vector<4x128xf32>, vector<16x128xf32>, vector<4x16xf32> -> vector<4x16xf32>
      %dot_general3A_205 = arith.constant dense<0.000000e+00> : vector<4x512xf32>
      %dot_general3A_206 = tpu.matmul %dot_general3A_204, %convert_element_type3A_48, %dot_general3A_205 {dimension_numbers = #tpu.dot_dimension_numbers<[1], [0], [0], [1], [0, 0, 1, 1], [], []>, transpose_lhs_hint = false} : vector<4x16xf32>, vector<16x512xf32>, vector<4x512xf32> -> vector<4x512xf32>
      %mul3A_207 = vector.broadcast %sub3A_52 : vector<1x512xf32> to vector<4x512xf32>
      %mul3A_208 = arith.mulf %dot_general3A_202, %mul3A_207 : vector<4x512xf32>
      %add3A_209 = arith.addf %mul3A_208, %dot_general3A_206 : vector<4x512xf32>
      %slice3A_210 = vector.extract_strided_slice %get3A_35 {offsets = [28, 0], sizes = [4, 128], strides = [1, 1]} : vector<32x128xf32> to vector<4x128xf32>
      %get3A_211 = arith.constant 0 : index
      %get3A_212 = arith.constant 7 : index
      %get3A_213 = arith.constant 0 : index
      %get3A_214 = arith.constant 0 : index
      %get3A_215 = vector.load %arg8[%get3A_211, %get3A_212, %get3A_213, %get3A_214] : memref<1x8x512x128xf32, #tpu.memory_space<vmem>>, vector<1x1x512x128xf32>
      %get3A_216 = vector.shape_cast %get3A_215 : vector<1x1x512x128xf32> to vector<512x128xf32>
      %get3A_217 = arith.constant 0 : index
      %get3A_218 = arith.constant 7 : index
      %get3A_219 = arith.constant 0 : index
      %get3A_220 = vector.load %arg4[%get3A_217, %get3A_218, %get3A_219] : memref<16x8x128xf32, #tpu.memory_space<vmem>>, vector<16x1x128xf32>
      %get3A_221 = vector.shape_cast %get3A_220 : vector<16x1x128xf32> to vector<16x128xf32>
      %dot_general3A_222 = arith.constant dense<0.000000e+00> : vector<4x512xf32>
      %dot_general3A_223 = tpu.matmul %slice3A_210, %get3A_216, %dot_general3A_222 {dimension_numbers = #tpu.dot_dimension_numbers<[1], [1], [0], [0], [0, 0, 1, 0], [], []>, transpose_lhs_hint = false} : vector<4x128xf32>, vector<512x128xf32>, vector<4x512xf32> -> vector<4x512xf32>
      %dot_general3A_224 = arith.constant dense<0.000000e+00> : vector<4x16xf32>
      %dot_general3A_225 = tpu.matmul %slice3A_210, %get3A_221, %dot_general3A_224 {dimension_numbers = #tpu.dot_dimension_numbers<[1], [1], [0], [0], [0, 0, 1, 0], [], []>, transpose_lhs_hint = false} : vector<4x128xf32>, vector<16x128xf32>, vector<4x16xf32> -> vector<4x16xf32>
      %dot_general3A_226 = arith.constant dense<0.000000e+00> : vector<4x512xf32>
      %dot_general3A_227 = tpu.matmul %dot_general3A_225, %convert_element_type3A_48, %dot_general3A_226 {dimension_numbers = #tpu.dot_dimension_numbers<[1], [0], [0], [1], [0, 0, 1, 1], [], []>, transpose_lhs_hint = false} : vector<4x16xf32>, vector<16x512xf32>, vector<4x512xf32> -> vector<4x512xf32>
      %mul3A_228 = vector.broadcast %sub3A_52 : vector<1x512xf32> to vector<4x512xf32>
      %mul3A_229 = arith.mulf %dot_general3A_223, %mul3A_228 : vector<4x512xf32>
      %add3A_230 = arith.addf %mul3A_229, %dot_general3A_227 : vector<4x512xf32>
      %concatenate3A = tpu.concatenate %add3A_83, %add3A_104, %add3A_125, %add3A_146, %add3A_167, %add3A_188, %add3A_209, %add3A_230 in 0 : vector<4x512xf32>, vector<4x512xf32>, vector<4x512xf32>, vector<4x512xf32>, vector<4x512xf32>, vector<4x512xf32>, vector<4x512xf32>, vector<4x512xf32> -> vector<32x512xf32>
      %mul3A_231 = arith.constant 0.0883883461 : f32
      %mul3A_232 = vector.broadcast %mul3A_231 : f32 to vector<32x512xf32>
      %mul3A_233 = arith.mulf %concatenate3A, %mul3A_232 : vector<32x512xf32>
      %jit3A_234 = arith.constant -1.000000e+30 : f32
      %broadcast_in_dim3A_235 = vector.shape_cast %lt3A_57 : vector<1x512xi1> to vector<1x512xi1>
      %broadcast_in_dim3A_236 = vector.broadcast %broadcast_in_dim3A_235 : vector<1x512xi1> to vector<32x512xi1>
      %broadcast_in_dim3A_237 = vector.broadcast %jit3A_234 : f32 to vector<32x512xf32>
      %select_n3A_238 = arith.select %broadcast_in_dim3A_236, %mul3A_233, %broadcast_in_dim3A_237 : vector<32x512xi1>, vector<32x512xf32>
      %get3A_239 = arith.constant 0 : index
      %get3A_240 = arith.constant 0 : index
      %get3A_241 = vector.load %arg11[%get3A_239, %get3A_240] : memref<32x1xf32, #tpu.memory_space<vmem>>, vector<32x1xf32>
      %reduce_max3A_242 = arith.constant dense<0xFF800000> : vector<32xf32>
      %reduce_max3A_243 = vector.multi_reduction <maximumf>, %select_n3A_238, %reduce_max3A_242 [1] : vector<32x512xf32> to vector<32xf32>
      %broadcast_in_dim3A_244 = vector.shape_cast %reduce_max3A_243 : vector<32xf32> to vector<32x1xf32>
      %max3A_245 = arith.maximumf %get3A_241, %broadcast_in_dim3A_244 : vector<32x1xf32>
      %sub3A_246 = arith.subf %get3A_241, %max3A_245 : vector<32x1xf32>
      %exp3A = math.exp %sub3A_246 : vector<32x1xf32>
      %sub3A_247 = vector.broadcast %max3A_245 : vector<32x1xf32> to vector<32x512xf32>
      %sub3A_248 = arith.subf %select_n3A_238, %sub3A_247 : vector<32x512xf32>
      %exp3A_249 = math.exp %sub3A_248 : vector<32x512xf32>
      %get3A_250 = arith.constant 0 : index
      %get3A_251 = arith.constant 0 : index
      %get3A_252 = vector.load %arg12[%get3A_250, %get3A_251] : memref<32x1xf32, #tpu.memory_space<vmem>>, vector<32x1xf32>
      %mul3A_253 = arith.mulf %get3A_252, %exp3A : vector<32x1xf32>
      %reduce_sum3A = arith.constant dense<0.000000e+00> : vector<32xf32>
      %reduce_sum3A_254 = vector.multi_reduction <add>, %exp3A_249, %reduce_sum3A [1] : vector<32x512xf32> to vector<32xf32>
      %broadcast_in_dim3A_255 = vector.shape_cast %reduce_sum3A_254 : vector<32xf32> to vector<32x1xf32>
      %add3A_256 = arith.addf %mul3A_253, %broadcast_in_dim3A_255 : vector<32x1xf32>
      %swap3A = arith.constant 0 : index
      %swap3A_257 = arith.constant 0 : index
      %swap3A_258 = vector.load %arg12[%swap3A, %swap3A_257] : memref<32x1xf32, #tpu.memory_space<vmem>>, vector<32x1xf32>
      tpu.vector_store %arg12[%swap3A, %swap3A_257], %add3A_256 {strides = array<i32>} : memref<32x1xf32, #tpu.memory_space<vmem>>, vector<32x1xf32>,
      %mul3A_259 = vector.broadcast %sub3A_52 : vector<1x512xf32> to vector<32x512xf32>
      %mul3A_260 = arith.mulf %exp3A_249, %mul3A_259 : vector<32x512xf32>
      %slice3A_261 = vector.extract_strided_slice %mul3A_260 {offsets = [0, 0], sizes = [4, 512], strides = [1, 1]} : vector<32x512xf32> to vector<4x512xf32>
      %get3A_262 = arith.constant 0 : index
      %get3A_263 = arith.constant 0 : index
      %get3A_264 = arith.constant 0 : index
      %get3A_265 = arith.constant 0 : index
      %get3A_266 = vector.load %arg9[%get3A_262, %get3A_263, %get3A_264, %get3A_265] : memref<1x8x512x128xf32, #tpu.memory_space<vmem>>, vector<1x1x512x128xf32>
      %get3A_267 = vector.shape_cast %get3A_266 : vector<1x1x512x128xf32> to vector<512x128xf32>
      %jit3A_268 = arith.constant 0.000000e+00 : f32
      %broadcast_in_dim3A_269 = vector.shape_cast %lt3A_64 : vector<512x1xi1> to vector<512x1xi1>
      %broadcast_in_dim3A_270 = vector.broadcast %broadcast_in_dim3A_269 : vector<512x1xi1> to vector<512x128xi1>
      %broadcast_in_dim3A_271 = vector.broadcast %jit3A_268 : f32 to vector<512x128xf32>
      %select_n3A_272 = arith.select %broadcast_in_dim3A_270, %get3A_267, %broadcast_in_dim3A_271 : vector<512x128xi1>, vector<512x128xf32>
      %dot_general3A_273 = arith.constant dense<0.000000e+00> : vector<4x128xf32>
      %dot_general3A_274 = tpu.matmul %slice3A_261, %select_n3A_272, %dot_general3A_273 {dimension_numbers = #tpu.dot_dimension_numbers<[1], [0], [0], [1], [0, 0, 1, 1], [], []>, transpose_lhs_hint = false} : vector<4x512xf32>, vector<512x128xf32>, vector<4x128xf32> -> vector<4x128xf32>
      %slice3A_275 = vector.extract_strided_slice %exp3A_249 {offsets = [0, 0], sizes = [4, 512], strides = [1, 1]} : vector<32x512xf32> to vector<4x512xf32>
      %dot_general3A_276 = arith.constant dense<0.000000e+00> : vector<4x16xf32>
      %dot_general3A_277 = tpu.matmul %slice3A_275, %convert_element_type3A_48, %dot_general3A_276 {dimension_numbers = #tpu.dot_dimension_numbers<[1], [1], [0], [0], [0, 0, 1, 0], [], []>, transpose_lhs_hint = false} : vector<4x512xf32>, vector<16x512xf32>, vector<4x16xf32> -> vector<4x16xf32>
      %slice3A_278 = vector.extract_strided_slice %mul3A_260 {offsets = [4, 0], sizes = [4, 512], strides = [1, 1]} : vector<32x512xf32> to vector<4x512xf32>
      %get3A_279 = arith.constant 0 : index
      %get3A_280 = arith.constant 1 : index
      %get3A_281 = arith.constant 0 : index
      %get3A_282 = arith.constant 0 : index
      %get3A_283 = vector.load %arg9[%get3A_279, %get3A_280, %get3A_281, %get3A_282] : memref<1x8x512x128xf32, #tpu.memory_space<vmem>>, vector<1x1x512x128xf32>
      %get3A_284 = vector.shape_cast %get3A_283 : vector<1x1x512x128xf32> to vector<512x128xf32>
      %jit3A_285 = arith.constant 0.000000e+00 : f32
      %broadcast_in_dim3A_286 = vector.shape_cast %lt3A_64 : vector<512x1xi1> to vector<512x1xi1>
      %broadcast_in_dim3A_287 = vector.broadcast %broadcast_in_dim3A_286 : vector<512x1xi1> to vector<512x128xi1>
      %broadcast_in_dim3A_288 = vector.broadcast %jit3A_285 : f32 to vector<512x128xf32>
      %select_n3A_289 = arith.select %broadcast_in_dim3A_287, %get3A_284, %broadcast_in_dim3A_288 : vector<512x128xi1>, vector<512x128xf32>
      %dot_general3A_290 = arith.constant dense<0.000000e+00> : vector<4x128xf32>
      %dot_general3A_291 = tpu.matmul %slice3A_278, %select_n3A_289, %dot_general3A_290 {dimension_numbers = #tpu.dot_dimension_numbers<[1], [0], [0], [1], [0, 0, 1, 1], [], []>, transpose_lhs_hint = false} : vector<4x512xf32>, vector<512x128xf32>, vector<4x128xf32> -> vector<4x128xf32>
      %slice3A_292 = vector.extract_strided_slice %exp3A_249 {offsets = [4, 0], sizes = [4, 512], strides = [1, 1]} : vector<32x512xf32> to vector<4x512xf32>
      %dot_general3A_293 = arith.constant dense<0.000000e+00> : vector<4x16xf32>
      %dot_general3A_294 = tpu.matmul %slice3A_292, %convert_element_type3A_48, %dot_general3A_293 {dimension_numbers = #tpu.dot_dimension_numbers<[1], [1], [0], [0], [0, 0, 1, 0], [], []>, transpose_lhs_hint = false} : vector<4x512xf32>, vector<16x512xf32>, vector<4x16xf32> -> vector<4x16xf32>
      %slice3A_295 = vector.extract_strided_slice %mul3A_260 {offsets = [8, 0], sizes = [4, 512], strides = [1, 1]} : vector<32x512xf32> to vector<4x512xf32>
      %get3A_296 = arith.constant 0 : index
      %get3A_297 = arith.constant 2 : index
      %get3A_298 = arith.constant 0 : index
      %get3A_299 = arith.constant 0 : index
      %get3A_300 = vector.load %arg9[%get3A_296, %get3A_297, %get3A_298, %get3A_299] : memref<1x8x512x128xf32, #tpu.memory_space<vmem>>, vector<1x1x512x128xf32>
      %get3A_301 = vector.shape_cast %get3A_300 : vector<1x1x512x128xf32> to vector<512x128xf32>
      %jit3A_302 = arith.constant 0.000000e+00 : f32
      %broadcast_in_dim3A_303 = vector.shape_cast %lt3A_64 : vector<512x1xi1> to vector<512x1xi1>
      %broadcast_in_dim3A_304 = vector.broadcast %broadcast_in_dim3A_303 : vector<512x1xi1> to vector<512x128xi1>
      %broadcast_in_dim3A_305 = vector.broadcast %jit3A_302 : f32 to vector<512x128xf32>
      %select_n3A_306 = arith.select %broadcast_in_dim3A_304, %get3A_301, %broadcast_in_dim3A_305 : vector<512x128xi1>, vector<512x128xf32>
      %dot_general3A_307 = arith.constant dense<0.000000e+00> : vector<4x128xf32>
      %dot_general3A_308 = tpu.matmul %slice3A_295, %select_n3A_306, %dot_general3A_307 {dimension_numbers = #tpu.dot_dimension_numbers<[1], [0], [0], [1], [0, 0, 1, 1], [], []>, transpose_lhs_hint = false} : vector<4x512xf32>, vector<512x128xf32>, vector<4x128xf32> -> vector<4x128xf32>
      %slice3A_309 = vector.extract_strided_slice %exp3A_249 {offsets = [8, 0], sizes = [4, 512], strides = [1, 1]} : vector<32x512xf32> to vector<4x512xf32>
      %dot_general3A_310 = arith.constant dense<0.000000e+00> : vector<4x16xf32>
      %dot_general3A_311 = tpu.matmul %slice3A_309, %convert_element_type3A_48, %dot_general3A_310 {dimension_numbers = #tpu.dot_dimension_numbers<[1], [1], [0], [0], [0, 0, 1, 0], [], []>, transpose_lhs_hint = false} : vector<4x512xf32>, vector<16x512xf32>, vector<4x16xf32> -> vector<4x16xf32>
      %slice3A_312 = vector.extract_strided_slice %mul3A_260 {offsets = [12, 0], sizes = [4, 512], strides = [1, 1]} : vector<32x512xf32> to vector<4x512xf32>
      %get3A_313 = arith.constant 0 : index
      %get3A_314 = arith.constant 3 : index
      %get3A_315 = arith.constant 0 : index
      %get3A_316 = arith.constant 0 : index
      %get3A_317 = vector.load %arg9[%get3A_313, %get3A_314, %get3A_315, %get3A_316] : memref<1x8x512x128xf32, #tpu.memory_space<vmem>>, vector<1x1x512x128xf32>
      %get3A_318 = vector.shape_cast %get3A_317 : vector<1x1x512x128xf32> to vector<512x128xf32>
      %jit3A_319 = arith.constant 0.000000e+00 : f32
      %broadcast_in_dim3A_320 = vector.shape_cast %lt3A_64 : vector<512x1xi1> to vector<512x1xi1>
      %broadcast_in_dim3A_321 = vector.broadcast %broadcast_in_dim3A_320 : vector<512x1xi1> to vector<512x128xi1>
      %broadcast_in_dim3A_322 = vector.broadcast %jit3A_319 : f32 to vector<512x128xf32>
      %select_n3A_323 = arith.select %broadcast_in_dim3A_321, %get3A_318, %broadcast_in_dim3A_322 : vector<512x128xi1>, vector<512x128xf32>
      %dot_general3A_324 = arith.constant dense<0.000000e+00> : vector<4x128xf32>
      %dot_general3A_325 = tpu.matmul %slice3A_312, %select_n3A_323, %dot_general3A_324 {dimension_numbers = #tpu.dot_dimension_numbers<[1], [0], [0], [1], [0, 0, 1, 1], [], []>, transpose_lhs_hint = false} : vector<4x512xf32>, vector<512x128xf32>, vector<4x128xf32> -> vector<4x128xf32>
      %slice3A_326 = vector.extract_strided_slice %exp3A_249 {offsets = [12, 0], sizes = [4, 512], strides = [1, 1]} : vector<32x512xf32> to vector<4x512xf32>
      %dot_general3A_327 = arith.constant dense<0.000000e+00> : vector<4x16xf32>
      %dot_general3A_328 = tpu.matmul %slice3A_326, %convert_element_type3A_48, %dot_general3A_327 {dimension_numbers = #tpu.dot_dimension_numbers<[1], [1], [0], [0], [0, 0, 1, 0], [], []>, transpose_lhs_hint = false} : vector<4x512xf32>, vector<16x512xf32>, vector<4x16xf32> -> vector<4x16xf32>
      %slice3A_329 = vector.extract_strided_slice %mul3A_260 {offsets = [16, 0], sizes = [4, 512], strides = [1, 1]} : vector<32x512xf32> to vector<4x512xf32>
      %get3A_330 = arith.constant 0 : index
      %get3A_331 = arith.constant 4 : index
      %get3A_332 = arith.constant 0 : index
      %get3A_333 = arith.constant 0 : index
      %get3A_334 = vector.load %arg9[%get3A_330, %get3A_331, %get3A_332, %get3A_333] : memref<1x8x512x128xf32, #tpu.memory_space<vmem>>, vector<1x1x512x128xf32>
      %get3A_335 = vector.shape_cast %get3A_334 : vector<1x1x512x128xf32> to vector<512x128xf32>
      %jit3A_336 = arith.constant 0.000000e+00 : f32
      %broadcast_in_dim3A_337 = vector.shape_cast %lt3A_64 : vector<512x1xi1> to vector<512x1xi1>
      %broadcast_in_dim3A_338 = vector.broadcast %broadcast_in_dim3A_337 : vector<512x1xi1> to vector<512x128xi1>
      %broadcast_in_dim3A_339 = vector.broadcast %jit3A_336 : f32 to vector<512x128xf32>
      %select_n3A_340 = arith.select %broadcast_in_dim3A_338, %get3A_335, %broadcast_in_dim3A_339 : vector<512x128xi1>, vector<512x128xf32>
      %dot_general3A_341 = arith.constant dense<0.000000e+00> : vector<4x128xf32>
      %dot_general3A_342 = tpu.matmul %slice3A_329, %select_n3A_340, %dot_general3A_341 {dimension_numbers = #tpu.dot_dimension_numbers<[1], [0], [0], [1], [0, 0, 1, 1], [], []>, transpose_lhs_hint = false} : vector<4x512xf32>, vector<512x128xf32>, vector<4x128xf32> -> vector<4x128xf32>
      %slice3A_343 = vector.extract_strided_slice %exp3A_249 {offsets = [16, 0], sizes = [4, 512], strides = [1, 1]} : vector<32x512xf32> to vector<4x512xf32>
      %dot_general3A_344 = arith.constant dense<0.000000e+00> : vector<4x16xf32>
      %dot_general3A_345 = tpu.matmul %slice3A_343, %convert_element_type3A_48, %dot_general3A_344 {dimension_numbers = #tpu.dot_dimension_numbers<[1], [1], [0], [0], [0, 0, 1, 0], [], []>, transpose_lhs_hint = false} : vector<4x512xf32>, vector<16x512xf32>, vector<4x16xf32> -> vector<4x16xf32>
      %slice3A_346 = vector.extract_strided_slice %mul3A_260 {offsets = [20, 0], sizes = [4, 512], strides = [1, 1]} : vector<32x512xf32> to vector<4x512xf32>
      %get3A_347 = arith.constant 0 : index
      %get3A_348 = arith.constant 5 : index
      %get3A_349 = arith.constant 0 : index
      %get3A_350 = arith.constant 0 : index
      %get3A_351 = vector.load %arg9[%get3A_347, %get3A_348, %get3A_349, %get3A_350] : memref<1x8x512x128xf32, #tpu.memory_space<vmem>>, vector<1x1x512x128xf32>
      %get3A_352 = vector.shape_cast %get3A_351 : vector<1x1x512x128xf32> to vector<512x128xf32>
      %jit3A_353 = arith.constant 0.000000e+00 : f32
      %broadcast_in_dim3A_354 = vector.shape_cast %lt3A_64 : vector<512x1xi1> to vector<512x1xi1>
      %broadcast_in_dim3A_355 = vector.broadcast %broadcast_in_dim3A_354 : vector<512x1xi1> to vector<512x128xi1>
      %broadcast_in_dim3A_356 = vector.broadcast %jit3A_353 : f32 to vector<512x128xf32>
      %select_n3A_357 = arith.select %broadcast_in_dim3A_355, %get3A_352, %broadcast_in_dim3A_356 : vector<512x128xi1>, vector<512x128xf32>
      %dot_general3A_358 = arith.constant dense<0.000000e+00> : vector<4x128xf32>
      %dot_general3A_359 = tpu.matmul %slice3A_346, %select_n3A_357, %dot_general3A_358 {dimension_numbers = #tpu.dot_dimension_numbers<[1], [0], [0], [1], [0, 0, 1, 1], [], []>, transpose_lhs_hint = false} : vector<4x512xf32>, vector<512x128xf32>, vector<4x128xf32> -> vector<4x128xf32>
      %slice3A_360 = vector.extract_strided_slice %exp3A_249 {offsets = [20, 0], sizes = [4, 512], strides = [1, 1]} : vector<32x512xf32> to vector<4x512xf32>
      %dot_general3A_361 = arith.constant dense<0.000000e+00> : vector<4x16xf32>
      %dot_general3A_362 = tpu.matmul %slice3A_360, %convert_element_type3A_48, %dot_general3A_361 {dimension_numbers = #tpu.dot_dimension_numbers<[1], [1], [0], [0], [0, 0, 1, 0], [], []>, transpose_lhs_hint = false} : vector<4x512xf32>, vector<16x512xf32>, vector<4x16xf32> -> vector<4x16xf32>
      %slice3A_363 = vector.extract_strided_slice %mul3A_260 {offsets = [24, 0], sizes = [4, 512], strides = [1, 1]} : vector<32x512xf32> to vector<4x512xf32>
      %get3A_364 = arith.constant 0 : index
      %get3A_365 = arith.constant 6 : index
      %get3A_366 = arith.constant 0 : index
      %get3A_367 = arith.constant 0 : index
      %get3A_368 = vector.load %arg9[%get3A_364, %get3A_365, %get3A_366, %get3A_367] : memref<1x8x512x128xf32, #tpu.memory_space<vmem>>, vector<1x1x512x128xf32>
      %get3A_369 = vector.shape_cast %get3A_368 : vector<1x1x512x128xf32> to vector<512x128xf32>
      %jit3A_370 = arith.constant 0.000000e+00 : f32
      %broadcast_in_dim3A_371 = vector.shape_cast %lt3A_64 : vector<512x1xi1> to vector<512x1xi1>
      %broadcast_in_dim3A_372 = vector.broadcast %broadcast_in_dim3A_371 : vector<512x1xi1> to vector<512x128xi1>
      %broadcast_in_dim3A_373 = vector.broadcast %jit3A_370 : f32 to vector<512x128xf32>
      %select_n3A_374 = arith.select %broadcast_in_dim3A_372, %get3A_369, %broadcast_in_dim3A_373 : vector<512x128xi1>, vector<512x128xf32>
      %dot_general3A_375 = arith.constant dense<0.000000e+00> : vector<4x128xf32>
      %dot_general3A_376 = tpu.matmul %slice3A_363, %select_n3A_374, %dot_general3A_375 {dimension_numbers = #tpu.dot_dimension_numbers<[1], [0], [0], [1], [0, 0, 1, 1], [], []>, transpose_lhs_hint = false} : vector<4x512xf32>, vector<512x128xf32>, vector<4x128xf32> -> vector<4x128xf32>
      %slice3A_377 = vector.extract_strided_slice %exp3A_249 {offsets = [24, 0], sizes = [4, 512], strides = [1, 1]} : vector<32x512xf32> to vector<4x512xf32>
      %dot_general3A_378 = arith.constant dense<0.000000e+00> : vector<4x16xf32>
      %dot_general3A_379 = tpu.matmul %slice3A_377, %convert_element_type3A_48, %dot_general3A_378 {dimension_numbers = #tpu.dot_dimension_numbers<[1], [1], [0], [0], [0, 0, 1, 0], [], []>, transpose_lhs_hint = false} : vector<4x512xf32>, vector<16x512xf32>, vector<4x16xf32> -> vector<4x16xf32>
      %slice3A_380 = vector.extract_strided_slice %mul3A_260 {offsets = [28, 0], sizes = [4, 512], strides = [1, 1]} : vector<32x512xf32> to vector<4x512xf32>
      %get3A_381 = arith.constant 0 : index
      %get3A_382 = arith.constant 7 : index
      %get3A_383 = arith.constant 0 : index
      %get3A_384 = arith.constant 0 : index
      %get3A_385 = vector.load %arg9[%get3A_381, %get3A_382, %get3A_383, %get3A_384] : memref<1x8x512x128xf32, #tpu.memory_space<vmem>>, vector<1x1x512x128xf32>
      %get3A_386 = vector.shape_cast %get3A_385 : vector<1x1x512x128xf32> to vector<512x128xf32>
      %jit3A_387 = arith.constant 0.000000e+00 : f32
      %broadcast_in_dim3A_388 = vector.shape_cast %lt3A_64 : vector<512x1xi1> to vector<512x1xi1>
      %broadcast_in_dim3A_389 = vector.broadcast %broadcast_in_dim3A_388 : vector<512x1xi1> to vector<512x128xi1>
      %broadcast_in_dim3A_390 = vector.broadcast %jit3A_387 : f32 to vector<512x128xf32>
      %select_n3A_391 = arith.select %broadcast_in_dim3A_389, %get3A_386, %broadcast_in_dim3A_390 : vector<512x128xi1>, vector<512x128xf32>
      %dot_general3A_392 = arith.constant dense<0.000000e+00> : vector<4x128xf32>
      %dot_general3A_393 = tpu.matmul %slice3A_380, %select_n3A_391, %dot_general3A_392 {dimension_numbers = #tpu.dot_dimension_numbers<[1], [0], [0], [1], [0, 0, 1, 1], [], []>, transpose_lhs_hint = false} : vector<4x512xf32>, vector<512x128xf32>, vector<4x128xf32> -> vector<4x128xf32>
      %slice3A_394 = vector.extract_strided_slice %exp3A_249 {offsets = [28, 0], sizes = [4, 512], strides = [1, 1]} : vector<32x512xf32> to vector<4x512xf32>
      %dot_general3A_395 = arith.constant dense<0.000000e+00> : vector<4x16xf32>
      %dot_general3A_396 = tpu.matmul %slice3A_394, %convert_element_type3A_48, %dot_general3A_395 {dimension_numbers = #tpu.dot_dimension_numbers<[1], [1], [0], [0], [0, 0, 1, 0], [], []>, transpose_lhs_hint = false} : vector<4x512xf32>, vector<16x512xf32>, vector<4x16xf32> -> vector<4x16xf32>
      %concatenate3A_397 = tpu.concatenate %dot_general3A_274, %dot_general3A_291, %dot_general3A_308, %dot_general3A_325, %dot_general3A_342, %dot_general3A_359, %dot_general3A_376, %dot_general3A_393 in 0 : vector<4x128xf32>, vector<4x128xf32>, vector<4x128xf32>, vector<4x128xf32>, vector<4x128xf32>, vector<4x128xf32>, vector<4x128xf32>, vector<4x128xf32> -> vector<32x128xf32>
      %concatenate3A_398 = tpu.concatenate %dot_general3A_277, %dot_general3A_294, %dot_general3A_311, %dot_general3A_328, %dot_general3A_345, %dot_general3A_362, %dot_general3A_379, %dot_general3A_396 in 0 : vector<4x16xf32>, vector<4x16xf32>, vector<4x16xf32>, vector<4x16xf32>, vector<4x16xf32>, vector<4x16xf32>, vector<4x16xf32>, vector<4x16xf32> -> vector<32x16xf32>
      %get3A_399 = arith.constant 0 : index
      %get3A_400 = arith.constant 0 : index
      %get3A_401 = vector.load %arg13[%get3A_399, %get3A_400] : memref<32x128xf32, #tpu.memory_space<vmem>>, vector<32x128xf32>
      %mul3A_402 = vector.broadcast %exp3A : vector<32x1xf32> to vector<32x128xf32>
      %mul3A_403 = arith.mulf %get3A_401, %mul3A_402 : vector<32x128xf32>
      %add3A_404 = arith.addf %mul3A_403, %concatenate3A_397 : vector<32x128xf32>
      %swap3A_405 = arith.constant 0 : index
      %swap3A_406 = arith.constant 0 : index
      %swap3A_407 = vector.load %arg13[%swap3A_405, %swap3A_406] : memref<32x128xf32, #tpu.memory_space<vmem>>, vector<32x128xf32>
      tpu.vector_store %arg13[%swap3A_405, %swap3A_406], %add3A_404 {strides = array<i32>} : memref<32x128xf32, #tpu.memory_space<vmem>>, vector<32x128xf32>,
      %get3A_408 = arith.constant 0 : index
      %get3A_409 = arith.constant 0 : index
      %get3A_410 = vector.load %arg14[%get3A_408, %get3A_409] : memref<32x16xf32, #tpu.memory_space<vmem>>, vector<32x16xf32>
      %mul3A_411 = vector.broadcast %exp3A : vector<32x1xf32> to vector<32x16xf32>
      %mul3A_412 = arith.mulf %get3A_410, %mul3A_411 : vector<32x16xf32>
      %add3A_413 = arith.addf %mul3A_412, %concatenate3A_398 : vector<32x16xf32>
      %swap3A_414 = arith.constant 0 : index
      %swap3A_415 = arith.constant 0 : index
      %swap3A_416 = vector.load %arg14[%swap3A_414, %swap3A_415] : memref<32x16xf32, #tpu.memory_space<vmem>>, vector<32x16xf32>
      tpu.vector_store %arg14[%swap3A_414, %swap3A_415], %add3A_413 {strides = array<i32>} : memref<32x16xf32, #tpu.memory_space<vmem>>, vector<32x16xf32>,
      %swap3A_417 = arith.constant 0 : index
      %swap3A_418 = arith.constant 0 : index
      %swap3A_419 = vector.load %arg11[%swap3A_417, %swap3A_418] : memref<32x1xf32, #tpu.memory_space<vmem>>, vector<32x1xf32>
      tpu.vector_store %arg11[%swap3A_417, %swap3A_418], %max3A_245 {strides = array<i32>} : memref<32x1xf32, #tpu.memory_space<vmem>>, vector<32x1xf32>,
    } else {
    }
    %eq3A_26 = arith.constant 3 : i32
    %eq3A_27 = arith.cmpi eq, %arg1, %eq3A_26 : i32
    %convert_element_type3A_28 = arith.extui %eq3A_27 : i1 to i32
    %cond3A_29 = arith.constant 0 : i32
    %cond3A_30 = arith.cmpi ne, %convert_element_type3A_28, %cond3A_29 : i32
    scf.if %cond3A_30 {
      %get3A_31 = arith.constant 0 : index
      %get3A_32 = arith.constant 0 : index
      %get3A_33 = vector.load %arg14[%get3A_31, %get3A_32] : memref<32x16xf32, #tpu.memory_space<vmem>>, vector<32x16xf32>
      %get3A_34 = arith.constant 0 : index
      %get3A_35 = arith.constant 0 : index
      %get3A_36 = arith.constant 0 : index
      %get3A_37 = vector.load %arg5[%get3A_34, %get3A_35, %get3A_36] : memref<16x8x128xf32, #tpu.memory_space<vmem>>, vector<16x1x128xf32>
      %get3A_38 = vector.shape_cast %get3A_37 : vector<16x1x128xf32> to vector<16x128xf32>
      %slice3A = vector.extract_strided_slice %get3A_33 {offsets = [0, 0], sizes = [4, 16], strides = [1, 1]} : vector<32x16xf32> to vector<4x16xf32>
      %dot_general3A = arith.constant dense<0.000000e+00> : vector<4x128xf32>
      %dot_general3A_39 = tpu.matmul %slice3A, %get3A_38, %dot_general3A {dimension_numbers = #tpu.dot_dimension_numbers<[1], [0], [0], [1], [0, 0, 1, 1], [], []>, transpose_lhs_hint = false} : vector<4x16xf32>, vector<16x128xf32>, vector<4x128xf32> -> vector<4x128xf32>
      %get3A_40 = arith.constant 0 : index
      %get3A_41 = arith.constant 1 : index
      %get3A_42 = arith.constant 0 : index
      %get3A_43 = vector.load %arg5[%get3A_40, %get3A_41, %get3A_42] : memref<16x8x128xf32, #tpu.memory_space<vmem>>, vector<16x1x128xf32>
      %get3A_44 = vector.shape_cast %get3A_43 : vector<16x1x128xf32> to vector<16x128xf32>
      %slice3A_45 = vector.extract_strided_slice %get3A_33 {offsets = [4, 0], sizes = [4, 16], strides = [1, 1]} : vector<32x16xf32> to vector<4x16xf32>
      %dot_general3A_46 = arith.constant dense<0.000000e+00> : vector<4x128xf32>
      %dot_general3A_47 = tpu.matmul %slice3A_45, %get3A_44, %dot_general3A_46 {dimension_numbers = #tpu.dot_dimension_numbers<[1], [0], [0], [1], [0, 0, 1, 1], [], []>, transpose_lhs_hint = false} : vector<4x16xf32>, vector<16x128xf32>, vector<4x128xf32> -> vector<4x128xf32>
      %get3A_48 = arith.constant 0 : index
      %get3A_49 = arith.constant 2 : index
      %get3A_50 = arith.constant 0 : index
      %get3A_51 = vector.load %arg5[%get3A_48, %get3A_49, %get3A_50] : memref<16x8x128xf32, #tpu.memory_space<vmem>>, vector<16x1x128xf32>
      %get3A_52 = vector.shape_cast %get3A_51 : vector<16x1x128xf32> to vector<16x128xf32>
      %slice3A_53 = vector.extract_strided_slice %get3A_33 {offsets = [8, 0], sizes = [4, 16], strides = [1, 1]} : vector<32x16xf32> to vector<4x16xf32>
      %dot_general3A_54 = arith.constant dense<0.000000e+00> : vector<4x128xf32>
      %dot_general3A_55 = tpu.matmul %slice3A_53, %get3A_52, %dot_general3A_54 {dimension_numbers = #tpu.dot_dimension_numbers<[1], [0], [0], [1], [0, 0, 1, 1], [], []>, transpose_lhs_hint = false} : vector<4x16xf32>, vector<16x128xf32>, vector<4x128xf32> -> vector<4x128xf32>
      %get3A_56 = arith.constant 0 : index
      %get3A_57 = arith.constant 3 : index
      %get3A_58 = arith.constant 0 : index
      %get3A_59 = vector.load %arg5[%get3A_56, %get3A_57, %get3A_58] : memref<16x8x128xf32, #tpu.memory_space<vmem>>, vector<16x1x128xf32>
      %get3A_60 = vector.shape_cast %get3A_59 : vector<16x1x128xf32> to vector<16x128xf32>
      %slice3A_61 = vector.extract_strided_slice %get3A_33 {offsets = [12, 0], sizes = [4, 16], strides = [1, 1]} : vector<32x16xf32> to vector<4x16xf32>
      %dot_general3A_62 = arith.constant dense<0.000000e+00> : vector<4x128xf32>
      %dot_general3A_63 = tpu.matmul %slice3A_61, %get3A_60, %dot_general3A_62 {dimension_numbers = #tpu.dot_dimension_numbers<[1], [0], [0], [1], [0, 0, 1, 1], [], []>, transpose_lhs_hint = false} : vector<4x16xf32>, vector<16x128xf32>, vector<4x128xf32> -> vector<4x128xf32>
      %get3A_64 = arith.constant 0 : index
      %get3A_65 = arith.constant 4 : index
      %get3A_66 = arith.constant 0 : index
      %get3A_67 = vector.load %arg5[%get3A_64, %get3A_65, %get3A_66] : memref<16x8x128xf32, #tpu.memory_space<vmem>>, vector<16x1x128xf32>
      %get3A_68 = vector.shape_cast %get3A_67 : vector<16x1x128xf32> to vector<16x128xf32>
      %slice3A_69 = vector.extract_strided_slice %get3A_33 {offsets = [16, 0], sizes = [4, 16], strides = [1, 1]} : vector<32x16xf32> to vector<4x16xf32>
      %dot_general3A_70 = arith.constant dense<0.000000e+00> : vector<4x128xf32>
      %dot_general3A_71 = tpu.matmul %slice3A_69, %get3A_68, %dot_general3A_70 {dimension_numbers = #tpu.dot_dimension_numbers<[1], [0], [0], [1], [0, 0, 1, 1], [], []>, transpose_lhs_hint = false} : vector<4x16xf32>, vector<16x128xf32>, vector<4x128xf32> -> vector<4x128xf32>
      %get3A_72 = arith.constant 0 : index
      %get3A_73 = arith.constant 5 : index
      %get3A_74 = arith.constant 0 : index
      %get3A_75 = vector.load %arg5[%get3A_72, %get3A_73, %get3A_74] : memref<16x8x128xf32, #tpu.memory_space<vmem>>, vector<16x1x128xf32>
      %get3A_76 = vector.shape_cast %get3A_75 : vector<16x1x128xf32> to vector<16x128xf32>
      %slice3A_77 = vector.extract_strided_slice %get3A_33 {offsets = [20, 0], sizes = [4, 16], strides = [1, 1]} : vector<32x16xf32> to vector<4x16xf32>
      %dot_general3A_78 = arith.constant dense<0.000000e+00> : vector<4x128xf32>
      %dot_general3A_79 = tpu.matmul %slice3A_77, %get3A_76, %dot_general3A_78 {dimension_numbers = #tpu.dot_dimension_numbers<[1], [0], [0], [1], [0, 0, 1, 1], [], []>, transpose_lhs_hint = false} : vector<4x16xf32>, vector<16x128xf32>, vector<4x128xf32> -> vector<4x128xf32>
      %get3A_80 = arith.constant 0 : index
      %get3A_81 = arith.constant 6 : index
      %get3A_82 = arith.constant 0 : index
      %get3A_83 = vector.load %arg5[%get3A_80, %get3A_81, %get3A_82] : memref<16x8x128xf32, #tpu.memory_space<vmem>>, vector<16x1x128xf32>
      %get3A_84 = vector.shape_cast %get3A_83 : vector<16x1x128xf32> to vector<16x128xf32>
      %slice3A_85 = vector.extract_strided_slice %get3A_33 {offsets = [24, 0], sizes = [4, 16], strides = [1, 1]} : vector<32x16xf32> to vector<4x16xf32>
      %dot_general3A_86 = arith.constant dense<0.000000e+00> : vector<4x128xf32>
      %dot_general3A_87 = tpu.matmul %slice3A_85, %get3A_84, %dot_general3A_86 {dimension_numbers = #tpu.dot_dimension_numbers<[1], [0], [0], [1], [0, 0, 1, 1], [], []>, transpose_lhs_hint = false} : vector<4x16xf32>, vector<16x128xf32>, vector<4x128xf32> -> vector<4x128xf32>
      %get3A_88 = arith.constant 0 : index
      %get3A_89 = arith.constant 7 : index
      %get3A_90 = arith.constant 0 : index
      %get3A_91 = vector.load %arg5[%get3A_88, %get3A_89, %get3A_90] : memref<16x8x128xf32, #tpu.memory_space<vmem>>, vector<16x1x128xf32>
      %get3A_92 = vector.shape_cast %get3A_91 : vector<16x1x128xf32> to vector<16x128xf32>
      %slice3A_93 = vector.extract_strided_slice %get3A_33 {offsets = [28, 0], sizes = [4, 16], strides = [1, 1]} : vector<32x16xf32> to vector<4x16xf32>
      %dot_general3A_94 = arith.constant dense<0.000000e+00> : vector<4x128xf32>
      %dot_general3A_95 = tpu.matmul %slice3A_93, %get3A_92, %dot_general3A_94 {dimension_numbers = #tpu.dot_dimension_numbers<[1], [0], [0], [1], [0, 0, 1, 1], [], []>, transpose_lhs_hint = false} : vector<4x16xf32>, vector<16x128xf32>, vector<4x128xf32> -> vector<4x128xf32>
      %concatenate3A = tpu.concatenate %dot_general3A_39, %dot_general3A_47, %dot_general3A_55, %dot_general3A_63, %dot_general3A_71, %dot_general3A_79, %dot_general3A_87, %dot_general3A_95 in 0 : vector<4x128xf32>, vector<4x128xf32>, vector<4x128xf32>, vector<4x128xf32>, vector<4x128xf32>, vector<4x128xf32>, vector<4x128xf32>, vector<4x128xf32> -> vector<32x128xf32>
      %get3A_96 = arith.constant 0 : index
      %get3A_97 = arith.constant 0 : index
      %get3A_98 = vector.load %arg13[%get3A_96, %get3A_97] : memref<32x128xf32, #tpu.memory_space<vmem>>, vector<32x128xf32>
      %add3A_99 = arith.addf %get3A_98, %concatenate3A : vector<32x128xf32>
      %get3A_100 = arith.constant 0 : index
      %get3A_101 = arith.constant 0 : index
      %get3A_102 = vector.load %arg12[%get3A_100, %get3A_101] : memref<32x1xf32, #tpu.memory_space<vmem>>, vector<32x1xf32>
      %div3A_103 = vector.broadcast %get3A_102 : vector<32x1xf32> to vector<32x128xf32>
      %div3A_104 = arith.divf %add3A_99, %div3A_103 : vector<32x128xf32>
      %swap3A = arith.constant 0 : index
      %swap3A_105 = arith.constant 0 : index
      %swap3A_106 = arith.constant 0 : index
      %swap3A_107 = vector.load %arg10[%swap3A, %swap3A_105, %swap3A_106] : memref<1x32x128xf32, #tpu.memory_space<vmem>>, vector<1x32x128xf32>
      %swap3A_108 = vector.shape_cast %swap3A_107 : vector<1x32x128xf32> to vector<32x128xf32>
      %swap3A_109 = vector.shape_cast %div3A_104 : vector<32x128xf32> to vector<1x32x128xf32>
      tpu.vector_store %arg10[%swap3A, %swap3A_105, %swap3A_106], %swap3A_109 {strides = array<i32>} : memref<1x32x128xf32, #tpu.memory_space<vmem>>, vector<1x32x128xf32>,
    } else {
    }
    return
  }
  func.func @transform_0(%arg0: i32, %arg1: i32, %arg2: memref<8xi32, #tpu.memory_space<smem>>) -> (i32, i32, i32) {
    %c0_i32 = arith.constant 0 : i32
    %c0_i32_0 = arith.constant 0 : i32
    %c0_i32_1 = arith.constant 0 : i32
    return %arg0, %c0_i32, %c0_i32_0 : i32, i32, i32
  }
  func.func @transform_1(%arg0: i32, %arg1: i32, %arg2: memref<8xi32, #tpu.memory_space<smem>>) -> (i32, i32, i32) {
    %c0_i32 = arith.constant 0 : i32
    %c0_i32_0 = arith.constant 0 : i32
    %c0_i32_1 = arith.constant 0 : i32
    %c0_i32_2 = arith.constant 0 : i32
    return %c0_i32, %c0_i32_0, %c0_i32_1 : i32, i32, i32
  }
  func.func @transform_2(%arg0: i32, %arg1: i32, %arg2: memref<8xi32, #tpu.memory_space<smem>>) -> (i32, i32, i32) {
    %c0_i32 = arith.constant 0 : i32
    %c0_i32_0 = arith.constant 0 : i32
    %c0_i32_1 = arith.constant 0 : i32
    %c0_i32_2 = arith.constant 0 : i32
    return %c0_i32, %c0_i32_0, %c0_i32_1 : i32, i32, i32
  }
  func.func @transform_3(%arg0: i32, %arg1: i32, %arg2: memref<8xi32, #tpu.memory_space<smem>>) -> (i32, i32) {
    %c0_i32 = arith.constant 0 : i32
    %c0_i32_0 = arith.constant 0 : i32
    %c0_i32_1 = arith.constant 0 : i32
    return %c0_i32, %c0_i32_0 : i32, i32
  }
  func.func @transform_4(%arg0: i32, %arg1: i32, %arg2: memref<8xi32, #tpu.memory_space<smem>>) -> (i32, i32, i32) {
    %get3A = arith.index_cast %arg0 : i32 to index
    %get3A_0 = memref.load %arg2[%get3A] : memref<8xi32, #tpu.memory_space<smem>>
    %max3A = arith.constant 1 : i32
    %max3A_1 = arith.maxsi %get3A_0, %max3A : i32
    %add3A = arith.constant 512 : i32
    %add3A_2 = arith.addi %max3A_1, %add3A : i32
    %sub3A = arith.constant 1 : i32
    %sub3A_3 = arith.subi %add3A_2, %sub3A : i32
    %jit3A = arith.constant 512 : i32
    %div3A = arith.divsi %sub3A_3, %jit3A : i32
    %sign3A = arith.constant 0 : i32
    %sign3A_4 = arith.cmpi sgt, %sub3A_3, %sign3A : i32
    %sign3A_5 = arith.extui %sign3A_4 : i1 to i32
    %sign3A_6 = arith.constant 0 : i32
    %sign3A_7 = arith.cmpi slt, %sub3A_3, %sign3A_6 : i32
    %sign3A_8 = arith.extui %sign3A_7 : i1 to i32
    %sign3A_9 = arith.subi %sign3A_5, %sign3A_8 : i32
    %sign3A_10 = arith.constant 0 : i32
    %sign3A_11 = arith.cmpi sgt, %jit3A, %sign3A_10 : i32
    %sign3A_12 = arith.extui %sign3A_11 : i1 to i32
    %sign3A_13 = arith.constant 0 : i32
    %sign3A_14 = arith.cmpi slt, %jit3A, %sign3A_13 : i32
    %sign3A_15 = arith.extui %sign3A_14 : i1 to i32
    %sign3A_16 = arith.subi %sign3A_12, %sign3A_15 : i32
    %ne3A = arith.cmpi ne, %sign3A_9, %sign3A_16 : i32
    %rem3A = arith.remsi %sub3A_3, %jit3A : i32
    %ne3A_17 = arith.constant 0 : i32
    %ne3A_18 = arith.cmpi ne, %rem3A, %ne3A_17 : i32
    %and3A = arith.andi %ne3A, %ne3A_18 : i1
    %sub3A_19 = arith.constant 1 : i32
    %sub3A_20 = arith.subi %div3A, %sub3A_19 : i32
    %select_n3A = arith.select %and3A, %sub3A_20, %div3A : i32
    %sub3A_21 = arith.constant 1 : i32
    %sub3A_22 = arith.subi %select_n3A, %sub3A_21 : i32
    %min3A = arith.minsi %arg1, %sub3A_22 : i32
    %c0_i32 = arith.constant 0 : i32
    %c0_i32_23 = arith.constant 0 : i32
    return %arg0, %c0_i32, %min3A : i32, i32, i32
  }
  func.func @transform_5(%arg0: i32, %arg1: i32, %arg2: memref<8xi32, #tpu.memory_space<smem>>) -> (i32, i32, i32, i32) {
    %get3A = arith.index_cast %arg0 : i32 to index
    %get3A_0 = memref.load %arg2[%get3A] : memref<8xi32, #tpu.memory_space<smem>>
    %max3A = arith.constant 1 : i32
    %max3A_1 = arith.maxsi %get3A_0, %max3A : i32
    %add3A = arith.constant 512 : i32
    %add3A_2 = arith.addi %max3A_1, %add3A : i32
    %sub3A = arith.constant 1 : i32
    %sub3A_3 = arith.subi %add3A_2, %sub3A : i32
    %jit3A = arith.constant 512 : i32
    %div3A = arith.divsi %sub3A_3, %jit3A : i32
    %sign3A = arith.constant 0 : i32
    %sign3A_4 = arith.cmpi sgt, %sub3A_3, %sign3A : i32
    %sign3A_5 = arith.extui %sign3A_4 : i1 to i32
    %sign3A_6 = arith.constant 0 : i32
    %sign3A_7 = arith.cmpi slt, %sub3A_3, %sign3A_6 : i32
    %sign3A_8 = arith.extui %sign3A_7 : i1 to i32
    %sign3A_9 = arith.subi %sign3A_5, %sign3A_8 : i32
    %sign3A_10 = arith.constant 0 : i32
    %sign3A_11 = arith.cmpi sgt, %jit3A, %sign3A_10 : i32
    %sign3A_12 = arith.extui %sign3A_11 : i1 to i32
    %sign3A_13 = arith.constant 0 : i32
    %sign3A_14 = arith.cmpi slt, %jit3A, %sign3A_13 : i32
    %sign3A_15 = arith.extui %sign3A_14 : i1 to i32
    %sign3A_16 = arith.subi %sign3A_12, %sign3A_15 : i32
    %ne3A = arith.cmpi ne, %sign3A_9, %sign3A_16 : i32
    %rem3A = arith.remsi %sub3A_3, %jit3A : i32
    %ne3A_17 = arith.constant 0 : i32
    %ne3A_18 = arith.cmpi ne, %rem3A, %ne3A_17 : i32
    %and3A = arith.andi %ne3A, %ne3A_18 : i1
    %sub3A_19 = arith.constant 1 : i32
    %sub3A_20 = arith.subi %div3A, %sub3A_19 : i32
    %select_n3A = arith.select %and3A, %sub3A_20, %div3A : i32
    %sub3A_21 = arith.constant 1 : i32
    %sub3A_22 = arith.subi %select_n3A, %sub3A_21 : i32
    %min3A = arith.minsi %arg1, %sub3A_22 : i32
    %c0_i32 = arith.constant 0 : i32
    %c0_i32_23 = arith.constant 0 : i32
    %c0_i32_24 = arith.constant 0 : i32
    return %arg0, %c0_i32, %min3A, %c0_i32_23 : i32, i32, i32, i32
  }
  func.func @transform_6(%arg0: i32, %arg1: i32, %arg2: memref<8xi32, #tpu.memory_space<smem>>) -> (i32, i32, i32, i32) {
    %get3A = arith.index_cast %arg0 : i32 to index
    %get3A_0 = memref.load %arg2[%get3A] : memref<8xi32, #tpu.memory_space<smem>>
    %max3A = arith.constant 1 : i32
    %max3A_1 = arith.maxsi %get3A_0, %max3A : i32
    %add3A = arith.constant 512 : i32
    %add3A_2 = arith.addi %max3A_1, %add3A : i32
    %sub3A = arith.constant 1 : i32
    %sub3A_3 = arith.subi %add3A_2, %sub3A : i32
    %jit3A = arith.constant 512 : i32
    %div3A = arith.divsi %sub3A_3, %jit3A : i32
    %sign3A = arith.constant 0 : i32
    %sign3A_4 = arith.cmpi sgt, %sub3A_3, %sign3A : i32
    %sign3A_5 = arith.extui %sign3A_4 : i1 to i32
    %sign3A_6 = arith.constant 0 : i32
    %sign3A_7 = arith.cmpi slt, %sub3A_3, %sign3A_6 : i32
    %sign3A_8 = arith.extui %sign3A_7 : i1 to i32
    %sign3A_9 = arith.subi %sign3A_5, %sign3A_8 : i32
    %sign3A_10 = arith.constant 0 : i32
    %sign3A_11 = arith.cmpi sgt, %jit3A, %sign3A_10 : i32
    %sign3A_12 = arith.extui %sign3A_11 : i1 to i32
    %sign3A_13 = arith.constant 0 : i32
    %sign3A_14 = arith.cmpi slt, %jit3A, %sign3A_13 : i32
    %sign3A_15 = arith.extui %sign3A_14 : i1 to i32
    %sign3A_16 = arith.subi %sign3A_12, %sign3A_15 : i32
    %ne3A = arith.cmpi ne, %sign3A_9, %sign3A_16 : i32
    %rem3A = arith.remsi %sub3A_3, %jit3A : i32
    %ne3A_17 = arith.constant 0 : i32
    %ne3A_18 = arith.cmpi ne, %rem3A, %ne3A_17 : i32
    %and3A = arith.andi %ne3A, %ne3A_18 : i1
    %sub3A_19 = arith.constant 1 : i32
    %sub3A_20 = arith.subi %div3A, %sub3A_19 : i32
    %select_n3A = arith.select %and3A, %sub3A_20, %div3A : i32
    %sub3A_21 = arith.constant 1 : i32
    %sub3A_22 = arith.subi %select_n3A, %sub3A_21 : i32
    %min3A = arith.minsi %arg1, %sub3A_22 : i32
    %c0_i32 = arith.constant 0 : i32
    %c0_i32_23 = arith.constant 0 : i32
    %c0_i32_24 = arith.constant 0 : i32
    return %arg0, %c0_i32, %min3A, %c0_i32_23 : i32, i32, i32, i32
  }
  func.func @transform_7(%arg0: i32, %arg1: i32, %arg2: memref<8xi32, #tpu.memory_space<smem>>) -> (i32, i32, i32) {
    %c0_i32 = arith.constant 0 : i32
    %c0_i32_0 = arith.constant 0 : i32
    %c0_i32_1 = arith.constant 0 : i32
    return %arg0, %c0_i32, %c0_i32_0 : i32, i32, i32
  }
}

</mosaic_0001>

<sc_bundles>
// kernel: sc_gather_b0.3.cloned.1.call-start
scs
__scs_entry_jumppad:
0x0: {  	(pc) =	sbr.rel $0x88, $3  }
0x1: {  	(tag) =	ssettag $0x0;
	lr =	simm.s32 $0x1  }
0x2: {  	[smem:$0x3F99] =	sst lr;
	_ =	strace $0xD0000000  }
0x3: {  	_ = 	snop  }
0x4: {  	_ = 	snop  }
0x5: {  	_ = 	snop  }
0x6: {  	_ = 	snop  }
0x7: {  	_ = 	snop  }
__scs_overlays_trampoline_lowered:
0x8: {  	[smem:$0x3FA8] =	sst s0  }
0x9: {  	[smem:$0x3FA9] =	sst s1  }
0xa: {  	[smem:$0x3FAA] =	sst s2  }
0xb: {  	[smem:$0x3FAB] =	sst s3  }
0xc: {  	[smem:$0x3FAC] =	sst s4  }
0xd: {  	[smem:$0x3FAD] =	sst s5  }
0xe: {  	[smem:$0x3FAE] =	sst s6  }
0xf: {  	[smem:$0x3FAF] =	sst s7  }
0x10: {  	[smem:$0x3FB0] =	sst s8  }
0x11: {  	[smem:$0x3FB1] =	sst s9;
	s0 =	simm.s32 @!p0 $0x0  }
0x12: {  	s1 =	sld [smem:$0x3F97];
	s0 =	simm.s32 @p0 $0x1  }
0x13: {  	[smem:$0x3FB2] =	sst s0;
	s0 =	simm.s32 @!p1 $0x0  }
0x14: {  	s2 =	sld [smem:$0x3F96];
	s0 =	simm.s32 @p1 $0x1  }
0x15: {  	[smem:$0x3FB3] =	sst s0;
	s0 =	simm.s32 @!p2 $0x0  }
0x16: {  	s3 =	sld [smem:$0x3FDB];
	s0 =	simm.s32 @p2 $0x1  }
0x17: {  	s4 =	simm.s32 $0x1BF5;
	[smem:$0x3FB5] =	sst s0  }
0x18: {  	s0 =	sld [smem:$0x3F98];
	_ =	swait.ge [sflag:s4], $0x0  }
0x19: {  	s7 =	sld [smem:$0x3F99]  }
0x1a: {  	s8 =	sadd.s32 $0xFFFFE003, lr  }
0x1b: {  	s9 =	sadd.s32 $0xFFFFFEF7, lr;
	s5 =	simm.s32 $0xFFFFFFFF;
	p2 =	slt.u32 s8, $0xFFFFF086  }
0x1c: {  	p1 =	slt.u32 s9, $0xF7A;
	s5 =	simm.s32 @!p2 $0x0  }
0x1d: {  	s5 =	simm.s32 @p1 $0x1;
	p0 =	seq.s32 s7, s2  }
0x1e: {  	s7 =	smul.u32 @!p0 $0xF7A, s2;
	p2 =	seq.s32 @!p0 s5, $0x0  }
0x1f: {  	s9 =	smul.u32 $0xF7A, s1;
	s8 =	simm.s32 @!p0 $0x1BF5;
	p2 =	por !p2, p0  }
0x20: {  	[sflag:s8] =	ssyncset.s32 @!p0 $0xFFFFF086;
	s6 =	sadd.s32 @!p0 s3, s7;
	s7 =	simm.s32 @!p0 $0x108  }
0x21: {  	s3 =	sadd.s32 s3, s9;
	s6 =	sadd.s32 @!p0 $0x88, s6;
	s7 =	simm.s32 @p2 $0x1082  }
0x22: {  	[simem:s7], [sflag:s8] =	dma.local @!p0 [hbm:s6], $0xF7A  }
0x23: {  	s9 =	sor.u32 $0xD0000000, s2;
	s6 =	simm.s32 $0x108;
	_ =	swait.ge @!p0 [sflag:s8], $0x0  }
0x24: {  	s3 =	sadd.s32 $0x88, s3;
	s6 =	simm.s32 @!p1 $0x1082;
	[sflag:s4] =	ssyncset.s32 $0xFFFFF086  }
0x25: {  	[simem:s6], [sflag:s4] =	dma.local [hbm:s3], $0xF7A  }
0x26: {  	[smem:$0x3F99] =	sst s1;
	(tag) =	ssettag s2;
	_ =	strace s9  }
0x27: {  	s1 =	sld [smem:$0x3FA9]  }
0x28: {  	s2 =	sld [smem:$0x3FAA]  }
0x29: {  	s4 =	sld [smem:$0x3FAC]  }
0x2a: {  	p0 =	seq.s32 s5, $0x0;
	s5 =	sld [smem:$0x3FAD]  }
0x2b: {  	s6 =	sld [smem:$0x3FAE]  }
0x2c: {  	s7 =	sld [smem:$0x3FAF]  }
0x2d: {  	s3 =	simm.s32 $0x108;
	s8 =	sld [smem:$0x3FB0]  }
0x2e: {  	s3 =	simm.s32 @!p0 $0x1082;
	s9 =	sld [smem:$0x3FB1]  }
0x2f: {  	lr =	sadd.s32 s0, s3;
	s0 =	sld [smem:$0x3FA8]  }
0x30: {  	s3 =	sld [smem:$0x3FAB]  }
0x31: {  	[smem:$0x3FB4] =	sst s10  }
0x32: {  	s10 =	sld [smem:$0x3FB2];
	_ =	sdelay $0x3  }
0x33: {  	p0 =	seq.s32 s10, $0x1;
	s10 =	sld [smem:$0x3FB4];
	_ =	sdelay $0x3  }
0x34: {  	[smem:$0x3FB4] =	sst s10  }
0x35: {  	s10 =	sld [smem:$0x3FB3];
	_ =	sdelay $0x3  }
0x36: {  	p1 =	seq.s32 s10, $0x1;
	s10 =	sld [smem:$0x3FB4];
	_ =	sdelay $0x3  }
0x37: {  	[smem:$0x3FB4] =	sst s10  }
0x38: {  	s10 =	sld [smem:$0x3FB5]  }
0x39: {  	_ = 	snop;
	(pc) =	sbr.ind lr, $3  }
0x3a: {  	_ = 	snop  }
0x3b: {  	_ = 	snop  }
0x3c: {  	p2 =	seq.s32 s10, $0x1;
	s10 =	sld [smem:$0x3FB4]  }
0x3d: {  	_ =	shalt  }
0x3e: {  	_ =	shalt  }
0x3f: {  	_ =	shalt  }
0x40: {  	_ =	shalt  }
0x41: {  	_ =	shalt  }
0x42: {  	_ =	shalt  }
0x43: {  	_ =	shalt  }
0x44: {  	_ =	shalt  }
0x45: {  	_ =	shalt  }
0x46: {  	_ =	shalt  }
0x47: {  	_ =	shalt  }
0x48: {  	_ =	shalt  }
0x49: {  	_ =	shalt  }
0x4a: {  	_ =	shalt  }
0x4b: {  	_ =	shalt  }
0x4c: {  	_ =	shalt  }
0x4d: {  	_ =	shalt  }
0x4e: {  	_ =	shalt  }
0x4f: {  	_ =	shalt  }
0x50: {  	_ =	shalt  }
0x51: {  	_ =	shalt  }
0x52: {  	_ =	shalt  }
0x53: {  	_ =	shalt  }
0x54: {  	_ =	shalt  }
0x55: {  	_ =	shalt  }
0x56: {  	_ =	shalt  }
0x57: {  	_ =	shalt  }
0x58: {  	_ =	shalt  }
0x59: {  	_ =	shalt  }
0x5a: {  	_ =	shalt  }
0x5b: {  	_ =	shalt  }
0x5c: {  	_ =	shalt  }
0x5d: {  	_ =	shalt  }
0x5e: {  	_ =	shalt  }
0x5f: {  	_ =	shalt  }
0x60: {  	_ =	shalt  }
0x61: {  	_ =	shalt  }
0x62: {  	_ =	shalt  }
0x63: {  	_ =	shalt  }
0x64: {  	_ =	shalt  }
0x65: {  	_ =	shalt  }
0x66: {  	_ =	shalt  }
0x67: {  	_ =	shalt  }
0x68: {  	_ =	shalt  }
0x69: {  	_ =	shalt  }
0x6a: {  	_ =	shalt  }
0x6b: {  	_ =	shalt  }
0x6c: {  	_ =	shalt  }
0x6d: {  	_ =	shalt  }
0x6e: {  	_ =	shalt  }
0x6f: {  	_ =	shalt  }
0x70: {  	_ =	shalt  }
0x71: {  	_ =	shalt  }
0x72: {  	_ =	shalt  }
0x73: {  	_ =	shalt  }
0x74: {  	_ =	shalt  }
0x75: {  	_ =	shalt  }
0x76: {  	_ =	shalt  }
0x77: {  	_ =	shalt  }
0x78: {  	_ =	shalt  }
0x79: {  	_ =	shalt  }
0x7a: {  	_ =	shalt  }
0x7b: {  	_ =	shalt  }
0x7c: {  	_ =	shalt  }
0x7d: {  	_ =	shalt  }
0x7e: {  	_ =	shalt  }
0x7f: {  	_ =	shalt  }
0x80: {  	_ =	shalt  }
0x81: {  	_ =	shalt  }
0x82: {  	_ =	shalt  }
0x83: {  	_ =	shalt  }
0x84: {  	_ =	shalt  }
0x85: {  	_ =	shalt  }
0x86: {  	_ =	shalt  }
0x87: {  	_ =	shalt  }
.Lfunc_end0:
.L_simem_size_0:
called_computation_lowered:
.L_overlay_start_0:
0x88: {  	s2 =	sld [smem:$0x3FD9]  }
0x89: {  	s3 =	sld [smem:$0x3FFE];
	_ =	sdelay $0x1  }
0x8a: {  	s1 =	srdreg.scid  }
0x8b: {  	s0 =	sand.u32 $0x1, s1  }
0x8c: {  	s17 =	sshll.u32 s0, $0xA;
	s2 =	sadd.s32 s3, s2  }
0x8d: {  	s2 =	sadd.s32 s2, s17  }
0x8e: {  	[smem:$0x3FC0] =	sst s2  }
0x8f: {  	_ = 	snop  }
0x90: {  	s2 =	sld [smem:$0x3FC6]  }
0x91: {  	s18 =	sld [smem:$0x3FC5]  }
0x92: {  	s4 =	sld [smem:$0x3FD0];
	(tm) =	ssettm $0x1  }
0x93: {  	s5 =	sld [smem:$0x3FFB];
	_ =	sdelay $0x3  }
0x94: {  	_ =	strace s5  }
0x95: {  	s5 =	sld [smem:$0x3FFC];
	_ =	sdelay $0x3  }
0x96: {  	_ =	strace s5  }
0x97: {  	s5 =	sld [smem:$0x3FFD];
	_ =	sdelay $0x3  }
0x98: {  	_ =	strace s5  }
0x99: {  	_ =	strace $0x8FFFFFFF  }
0x9a: {  	s19 =	sld [smem:$0x3FDB];
	_ =	sdelay $0x1  }
0x9b: {  	s6 =	simm.s32 $_scs_section_size  }
0x9c: {  	s7 =	simm.s32 $_size__tile_overlayer_lowered;
	s8 =	simm.s32 $_tile_overlayer_lowered  }
0x9d: {  	s22 =	simm.s32 $0x1BFF;
	s21 =	sshll.u32 s8, $0x1;
	s5 =	sadd.s32 s6, s19  }
0x9e: {  	s9 =	simm.s32 $0x0;
	s20 =	sshll.u32 s7, $0x1;
	s7 =	sadd.s32 s21, s5  }
0x9f: {  	[timem:s9], [sflag:s22] =	dma.local [hbm:s7], s20  }
0xa0: {  	_ =	swait.ge [sflag:s22], s20  }
0xa1: {  	s6 =	ssub.s32 $0x0, s20;
	[sflag:s22] =	ssyncset.done $0x0  }
0xa2: {  	[sflag:s22] =	ssyncadd.s32 s6;
	_ =	sdelay $0x1  }
0xa3: {  	s23 =	simm.s32 $0x1B8B  }
0xa4: {  	_ =	swait.ge [sflag:s23], $0x1  }
0xa5: {  	[sflag:s23] =	ssyncset.done $0x0  }
0xa6: {  	s25 =	simm.s32 $0x1B8E;
	s24 =	sld [smem:$0x3FFE];
	[sflag:s23] =	ssyncadd.s32 $0xFFFFFFFF  }
0xa7: {  	s26 =	simm.s32 $execute0_lowered;
	[smem:$0x3FD2] =	sst s25  }
0xa8: {  	s7 =	sshll.u32 s26, $0x1;
	_ =	strace $0x80000046;
	[dreg:$0x1] =	wrdreg $0xFFFFFFFF  }
0xa9: {  	s28 =	simm.s32 $_size_execute0_lowered;
	s5 =	sadd.s32 s5, s7;
	[dreg:$0x0] =	wrdreg $0x0  }
0xaa: {  	s7 =	sshll.u32 s28, $0x1;
	[dreg:$0x2] =	wrdreg s5  }
0xab: {  	[dreg:$0x3] =	wrdreg s7  }
0xac: {  	[dreg:$0x4] =	wrdreg $0xC0  }
0xad: {  	_ =	task [dreg:s9], $0x5FFFF  }
0xae: {  	[dreg:$0x1] =	wrdreg $0xFFFFFFFF  }
0xaf: {  	[dreg:$0x0] =	wrdreg $0x60  }
0xb0: {  	[dreg:$0x2] =	wrdreg s2  }
0xb1: {  	[dreg:$0x3] =	wrdreg s18  }
0xb2: {  	[dreg:$0x4] =	wrdreg s4  }
0xb3: {  	[dreg:$0x5] =	wrdreg s24  }
0xb4: {  	[dreg:$0x6] =	wrdreg $0x9  }
0xb5: {  	_ =	task.clear_ibuf [dreg:s9], $0x7FFFF;
	_ =	strace $0x90000046  }
0xb6: {  	s29 =	simm.s32 $0x9;
	_ =	strace $0x80000048  }
0xb7: {  	_ =	swait.ge [sflag:s29], $0x1  }
0xb8: {  	[sflag:s29] =	ssyncadd.s32 $0xFFFFFFFF  }
0xb9: {  	_ =	strace $0x90000048  }
0xba: {  	_ =	sfence  }
0xbb: {  	s30 =	sld [smem:$0x0];
	_ =	sdelay $0x2  }
0xbc: {  	s31 =	sshll.u32 s1, $0xD;
	s1 =	sshrl.u32 s1, $0x2  }
0xbd: {  	s3 =	sand.u32 $0x4000, s31;
	s1 =	sadd.s32 s1, s30  }
0xbe: {  	s0 =	sor.u32 s3, s0;
	s1 =	sshll.u32 s1, $0x11  }
0xbf: {  	s0 =	sor.u32 s1, s0  }
0xc0: {  	s0 =	sadd.s32 $0x8F2B, s0  }
0xc1: {  	[sflag:s0] =	ssyncadd.remote.s32 $0x1  }
0xc2: {  	_ =	sfence.sel $0xFFFF  }
0xc3: {  	[dreg:$0x0] =	wrdreg $0xFFFFFFFF;
	(pc) =	sbr.abs _section_cstart, $3  }
0xc4: {  	[dreg:$0x1] =	wrdreg $0xFFFFFFFF  }
0xc5: {  	_ =	task.clear_ibuf [dreg:s9], $0x2FFFF;
	_ =	strace $0x9FFFFFFF  }
0xc6: {  	(tm) =	ssettm $0x7FFFFFFF  }
0xc7: {  	_ =	shalt  }
tec
execute0_lowered:
.L_overlay_start_1:
0x0: {  	(tag) =	ssettag $0x1  }
0x1: {  	s1 =	rddreg [dreg:$0x0]  }
0x2: {  	s2 =	rddreg [dreg:$0x1]  }
0x3: {  	s3 =	rddreg [dreg:$0x2]  }
0x4: {  	s0 =	rddreg [dreg:$0x3]  }
0x5: {  	s4 =	simm.s32 $0x0;
	s5 =	srdreg.scid;
	s11 =	stileid.u32  }
0x6: {  	s12 =	simm.s32 $0x5;
	s13 =	simm.s32 $0x20;
	s14 =	simm.s32 $0x8080  }
0x7: {  	s15 =	simm.s32 $0x1;
	s16 =	simm.s32 $0x2;
	s17 =	simm.s32 $0x3  }
.Ltmp0:
0x8: {  	s18 =	simm.s32 $0x4;
	s5 =	sand.u32 $0x1, s5;
	(pc) =	sbr.rel .LBB2_1-.Ltmp0, $4  }
0x9: {  	s19 =	simm.s32 $0x0;
	[smem:$0x7FF] =	sst s4;
	s8 =	ssub.s32 $0x2, s5  }
0xa: {  	s6 =	sadd.s32 $0x2000, s0;
	s7 =	sadd.s32 $0x2200, s0;
	s9 =	sshrl.u32 s8, $0x1  }
0xb: {  	s31 =	sshll.u32 s11, $0x1;
	_ =	strace $0x80000047;
	s10 =	ssub.s32 s8, s9  }
0xc: {  	v0 =	vlaneseq.u32;
	s8 =	sadd.s32 $0x202200, s0;
	s9 =	sor.u32 s5, s31;
	s10 =	smax.u32 s10, $0x1  }
.LBB2_37:
0xd: {  	s19 =	sadd.s32 $0x1, s19  }
0xe: {  	p0 =	sne.s32 s19, s10  }
.Ltmp1:
0xf: {  	_ = 	snop;
	(pc) =	sbr.rel @!p0 .LBB2_38-.Ltmp1, $1  }
0x10: {  	_ =	sdelay $0x3  }
.LBB2_1:
.Ltmp2:
0x11: {  	s0 =	simm.s32 $0x10080;
	(pc) =	sbr.rel .LBB2_2-.Ltmp2, $4  }
0x12: {  	[tilespmem:s0], [sflag:$0x5] =	stream.linear.gather [hbm4b:s6+s4], $0x80, $0x38;
	[tilespmem:$0x10100] =	vst v63  }
0x13: {  	_ =	swait.ge [sflag:s12], $0x80  }
0x14: {  	[sflag:s12] =	ssyncset.done $0x0  }
0x15: {  	s20 =	simm.s32 $0x0;
	[sflag:s12] =	ssyncadd.s32 $0xFFFFFF80  }
.LBB2_36:
0x16: {  	s20 =	sadd.s32 $0x1, s20  }
0x17: {  	p0 =	sne.s32 s20, $0x10  }
.Ltmp3:
0x18: {  	_ = 	snop;
	(pc) =	sbr.rel @!p0 .LBB2_37-.Ltmp3, $1  }
0x19: {  	_ =	sdelay $0x3  }
.LBB2_2:
0x1a: {  	v1 =	vld [tilespmem:$0x10080];
	_ =	sdelay $0x1  }
0x1b: {  	s21 =	sshrl.u32 s20, $0x1  }
0x1c: {  	v2 =	vmov s21  }
0x1d: {  	vm0 =	veq.s32 v2, v0  }
0x1e: {  	v1 =	vnsel vm0, $0x0, v1  }
0x1f: {  	(xrf2) =	vadd.scan.msk.f32 $0xffff, v1;
	_ =	sdelay $0x9  }
0x20: {  	v1, _, _ =	vpop (xrf2)  }
0x21: {  	(v2sf) =	vpush v1, $0xF;
	_ =	sdelay $0x8  }
0x22: {  	s0 =	sshll.u32 s21, $0x2  }
0x23: {  	s5 =	sshll.u32 s20, $0x5;
	s0 =	ssub.s32 s9, s0  }
0x24: {  	s5 =	sand.u32 $0x20, s5;
	s0 =	sand.u32 $0x1F, s0  }
0x25: {  	s23 =	sor.u32 s5, s0  }
0x26: {  	s0 =	sshll.u32 s23, $0x5  }
0x27: {  	s5 =	scvt.s32.f32 s0  }
0x28: {  	p0 =	seq.s32 s23, $0x0;
	s11 =	spop (v2sf)  }
0x29: {  	p1 =	sgt.f32 @!p0 s11, s5;
	_ =	sdelay $0x1  }
0x2a: {  	p0 =	por p0, p1  }
.Ltmp4:
0x2b: {  	_ = 	snop;
	(pc) =	sbr.rel @!p0 .LBB2_36-.Ltmp4, $1  }
0x2c: {  	_ =	sdelay $0x3  }
0x2d: {  	s5 =	sshll.u32 s21, $0xB  }
0x2e: {  	s0 =	sor.u32 s5, s0  }
0x2f: {  	s0 =	sshrl.u32 s0, $0x3  }
0x30: {  	s29 =	simm.s32 $0x0;
	s0 =	sadd.s32 s3, s0  }
0x31: {  	[tilespmem:s29], [sflag:$0x5] =	stream.linear.gather [hbm4b:s0+s29], $0x20, $0x38;
	[tilespmem:$0x10100] =	vst v63  }
0x32: {  	_ =	swait.ge [sflag:s12], $0x20  }
0x33: {  	[sflag:s12] =	ssyncset.done $0x0  }
0x34: {  	s22 =	simm.s32 $0x80;
	[sflag:s12] =	ssyncadd.s32 $0xFFFFFFE0  }
0x35: {  	[tilespmem:s22], [sflag:$0x1] =	stream.indirect.gather [hbm4b:s1+s13], $0x400, s29, s13, $0xb8;
	[tilespmem:$0x10100] =	vst v63  }
0x36: {  	s30 =	sshll.u32 s21, $0x12;
	s31 =	sshll.u32 s23, $0x9  }
0x37: {  	[tilespmem:s14], [sflag:$0x2] =	stream.indirect.gather [hbm4b:s2+s13], $0x400, s29, s13, $0xb8;
	[tilespmem:$0x10100] =	vst v63  }
0x38: {  	s21 =	sor.u32 s30, s31;
	_ =	swait.ge [sflag:s15], $0x8000  }
0x39: {  	s24 =	simm.s32 $0x10;
	s23 =	sadd.s32 s7, s21;
	[sflag:s15] =	ssyncset.done $0x0  }
0x3a: {  	s5 =	sadd.s32 $0x0, s23;
	s0 =	simm.s32 $0x480;
	[sflag:s15] =	ssyncadd.s32 $0xFFFF8000  }
.LBB2_4:
0x3b: {  	[hbm4b:s5+s4] =	stream.linear.scatter [tilespmem:s22], [sflag:$0x3], $0x80, $0x38;
	[tilespmem:$0x10100] =	vst v63  }
0x3c: {  	s5 =	smov.u32 s24;
	s22 =	smov.u32 s0;
	p0 =	sne.s32 s24, $0x1F0  }
.Ltmp5:
0x3d: {  	s24 =	sadd.s32 $0x10, s24;
	(pc) =	sbr.rel @p0 .LBB2_4-.Ltmp5, $2  }
0x3e: {  	_ =	sdelay $0x2  }
0x3f: {  	s0 =	sadd.s32 $0x400, s0;
	s5 =	sadd.s32 s5, s23  }
0x40: {  	[hbm4b:s5+s4] =	stream.linear.scatter [tilespmem:s22], [sflag:$0x3], $0x80, $0x38;
	[tilespmem:$0x10100] =	vst v63  }
0x41: {  	s22 =	sor.u32 $0x8000, s21  }
0x42: {  	s24 =	simm.s32 $0x100;
	s23 =	sadd.s32 s7, s22  }
0x43: {  	s25 =	simm.s32 $0x10;
	s0 =	simm.s32 $0x500;
	s5 =	sadd.s32 $0x0, s23  }
.LBB2_6:
0x44: {  	[hbm4b:s5+s4] =	stream.linear.scatter [tilespmem:s24], [sflag:$0x3], $0x80, $0x38;
	[tilespmem:$0x10100] =	vst v63  }
0x45: {  	s5 =	smov.u32 s25;
	s24 =	smov.u32 s0;
	p0 =	sne.s32 s25, $0x1F0  }
.Ltmp6:
0x46: {  	s25 =	sadd.s32 $0x10, s25;
	(pc) =	sbr.rel @p0 .LBB2_6-.Ltmp6, $2  }
0x47: {  	_ =	sdelay $0x2  }
0x48: {  	s0 =	sadd.s32 $0x400, s0;
	s5 =	sadd.s32 s5, s23  }
0x49: {  	[hbm4b:s5+s4] =	stream.linear.scatter [tilespmem:s24], [sflag:$0x3], $0x80, $0x38;
	[tilespmem:$0x10100] =	vst v63  }
0x4a: {  	s23 =	sor.u32 $0x10000, s21  }
0x4b: {  	s25 =	simm.s32 $0x180;
	s24 =	sadd.s32 s7, s23  }
0x4c: {  	s26 =	simm.s32 $0x10;
	s0 =	simm.s32 $0x580;
	s5 =	sadd.s32 $0x0, s24  }
.LBB2_8:
0x4d: {  	[hbm4b:s5+s4] =	stream.linear.scatter [tilespmem:s25], [sflag:$0x3], $0x80, $0x38;
	[tilespmem:$0x10100] =	vst v63  }
0x4e: {  	s5 =	smov.u32 s26;
	s25 =	smov.u32 s0;
	p0 =	sne.s32 s26, $0x1F0  }
.Ltmp7:
0x4f: {  	s26 =	sadd.s32 $0x10, s26;
	(pc) =	sbr.rel @p0 .LBB2_8-.Ltmp7, $2  }
0x50: {  	_ =	sdelay $0x2  }
0x51: {  	s0 =	sadd.s32 $0x400, s0;
	s5 =	sadd.s32 s5, s24  }
0x52: {  	[hbm4b:s5+s4] =	stream.linear.scatter [tilespmem:s25], [sflag:$0x3], $0x80, $0x38;
	[tilespmem:$0x10100] =	vst v63  }
0x53: {  	s24 =	sor.u32 $0x18000, s21  }
0x54: {  	s26 =	simm.s32 $0x200;
	s25 =	sadd.s32 s7, s24  }
0x55: {  	s28 =	simm.s32 $0x10;
	s0 =	simm.s32 $0x600;
	s5 =	sadd.s32 $0x0, s25  }
.LBB2_10:
0x56: {  	[hbm4b:s5+s4] =	stream.linear.scatter [tilespmem:s26], [sflag:$0x3], $0x80, $0x38;
	[tilespmem:$0x10100] =	vst v63  }
0x57: {  	s5 =	smov.u32 s28;
	s26 =	smov.u32 s0;
	p0 =	sne.s32 s28, $0x1F0  }
.Ltmp8:
0x58: {  	s28 =	sadd.s32 $0x10, s28;
	(pc) =	sbr.rel @p0 .LBB2_10-.Ltmp8, $2  }
0x59: {  	_ =	sdelay $0x2  }
0x5a: {  	s0 =	sadd.s32 $0x400, s0;
	s5 =	sadd.s32 s5, s25  }
0x5b: {  	[hbm4b:s5+s4] =	stream.linear.scatter [tilespmem:s26], [sflag:$0x3], $0x80, $0x38;
	[tilespmem:$0x10100] =	vst v63  }
0x5c: {  	s25 =	sor.u32 $0x20000, s21  }
0x5d: {  	s28 =	simm.s32 $0x280;
	s26 =	sadd.s32 s7, s25  }
0x5e: {  	s29 =	simm.s32 $0x10;
	s0 =	simm.s32 $0x680;
	s5 =	sadd.s32 $0x0, s26  }
.LBB2_12:
0x5f: {  	[hbm4b:s5+s4] =	stream.linear.scatter [tilespmem:s28], [sflag:$0x3], $0x80, $0x38;
	[tilespmem:$0x10100] =	vst v63  }
0x60: {  	s5 =	smov.u32 s29;
	s28 =	smov.u32 s0;
	p0 =	sne.s32 s29, $0x1F0  }
.Ltmp9:
0x61: {  	s29 =	sadd.s32 $0x10, s29;
	(pc) =	sbr.rel @p0 .LBB2_12-.Ltmp9, $2  }
0x62: {  	_ =	sdelay $0x2  }
0x63: {  	s0 =	sadd.s32 $0x400, s0;
	s5 =	sadd.s32 s5, s26  }
0x64: {  	[hbm4b:s5+s4] =	stream.linear.scatter [tilespmem:s28], [sflag:$0x3], $0x80, $0x38;
	[tilespmem:$0x10100] =	vst v63  }
0x65: {  	s26 =	sor.u32 $0x28000, s21  }
0x66: {  	s29 =	simm.s32 $0x300;
	s28 =	sadd.s32 s7, s26  }
0x67: {  	s30 =	simm.s32 $0x10;
	s0 =	simm.s32 $0x700;
	s5 =	sadd.s32 $0x0, s28  }
.LBB2_14:
0x68: {  	[hbm4b:s5+s4] =	stream.linear.scatter [tilespmem:s29], [sflag:$0x3], $0x80, $0x38;
	[tilespmem:$0x10100] =	vst v63  }
0x69: {  	s5 =	smov.u32 s30;
	s29 =	smov.u32 s0;
	p0 =	sne.s32 s30, $0x1F0  }
.Ltmp10:
0x6a: {  	s30 =	sadd.s32 $0x10, s30;
	(pc) =	sbr.rel @p0 .LBB2_14-.Ltmp10, $2  }
0x6b: {  	_ =	sdelay $0x2  }
0x6c: {  	s0 =	sadd.s32 $0x400, s0;
	s5 =	sadd.s32 s5, s28  }
0x6d: {  	[hbm4b:s5+s4] =	stream.linear.scatter [tilespmem:s29], [sflag:$0x3], $0x80, $0x38;
	[tilespmem:$0x10100] =	vst v63  }
0x6e: {  	s28 =	sor.u32 $0x30000, s21  }
0x6f: {  	s30 =	simm.s32 $0x380;
	s29 =	sadd.s32 s7, s28  }
0x70: {  	s31 =	simm.s32 $0x10;
	s0 =	simm.s32 $0x780;
	s5 =	sadd.s32 $0x0, s29  }
.LBB2_16:
0x71: {  	[hbm4b:s5+s4] =	stream.linear.scatter [tilespmem:s30], [sflag:$0x3], $0x80, $0x38;
	[tilespmem:$0x10100] =	vst v63  }
0x72: {  	s5 =	smov.u32 s31;
	s30 =	smov.u32 s0;
	p0 =	sne.s32 s31, $0x1F0  }
.Ltmp11:
0x73: {  	s31 =	sadd.s32 $0x10, s31;
	(pc) =	sbr.rel @p0 .LBB2_16-.Ltmp11, $2  }
0x74: {  	_ =	sdelay $0x2  }
0x75: {  	s0 =	sadd.s32 $0x400, s0;
	s5 =	sadd.s32 s5, s29  }
0x76: {  	[hbm4b:s5+s4] =	stream.linear.scatter [tilespmem:s30], [sflag:$0x3], $0x80, $0x38;
	[tilespmem:$0x10100] =	vst v63  }
0x77: {  	s29 =	sor.u32 $0x38000, s21  }
0x78: {  	s31 =	simm.s32 $0x400;
	s30 =	sadd.s32 s7, s29  }
0x79: {  	s0 =	simm.s32 $0x10;
	s5 =	simm.s32 $0x800;
	s11 =	sadd.s32 $0x0, s30  }
.LBB2_18:
0x7a: {  	[hbm4b:s11+s4] =	stream.linear.scatter [tilespmem:s31], [sflag:$0x3], $0x80, $0x38;
	[tilespmem:$0x10100] =	vst v63  }
0x7b: {  	s11 =	smov.u32 s0;
	s31 =	smov.u32 s5;
	p0 =	sne.s32 s0, $0x1F0  }
.Ltmp12:
0x7c: {  	s0 =	sadd.s32 $0x10, s0;
	(pc) =	sbr.rel @p0 .LBB2_18-.Ltmp12, $2  }
0x7d: {  	_ =	sdelay $0x2  }
0x7e: {  	s5 =	sadd.s32 $0x400, s5;
	s11 =	sadd.s32 s11, s30  }
0x7f: {  	[hbm4b:s11+s4] =	stream.linear.scatter [tilespmem:s31], [sflag:$0x3], $0x80, $0x38;
	[tilespmem:$0x10100] =	vst v63  }
0x80: {  	s21 =	sadd.s32 s8, s21;
	_ =	swait.ge [sflag:s16], $0x8000  }
0x81: {  	s30 =	simm.s32 $0x8080;
	s0 =	simm.s32 $0x10;
	[sflag:s16] =	ssyncset.done $0x0  }
0x82: {  	s5 =	simm.s32 $0x8480;
	s11 =	sadd.s32 $0x0, s21;
	[sflag:s16] =	ssyncadd.s32 $0xFFFF8000  }
.LBB2_20:
0x83: {  	[hbm4b:s11+s4] =	stream.linear.scatter [tilespmem:s30], [sflag:$0x4], $0x80, $0x38;
	[tilespmem:$0x10100] =	vst v63  }
0x84: {  	s11 =	smov.u32 s0;
	s30 =	smov.u32 s5;
	p0 =	sne.s32 s0, $0x1F0  }
.Ltmp13:
0x85: {  	s0 =	sadd.s32 $0x10, s0;
	(pc) =	sbr.rel @p0 .LBB2_20-.Ltmp13, $2  }
0x86: {  	_ =	sdelay $0x2  }
0x87: {  	s5 =	sadd.s32 $0x400, s5;
	s11 =	sadd.s32 s11, s21  }
0x88: {  	[hbm4b:s11+s4] =	stream.linear.scatter [tilespmem:s30], [sflag:$0x4], $0x80, $0x38;
	[tilespmem:$0x10100] =	vst v63  }
0x89: {  	s21 =	sadd.s32 s8, s22;
	s22 =	simm.s32 $0x8100  }
0x8a: {  	s0 =	simm.s32 $0x10;
	s5 =	simm.s32 $0x8500;
	s11 =	sadd.s32 $0x0, s21  }
.LBB2_22:
0x8b: {  	[hbm4b:s11+s4] =	stream.linear.scatter [tilespmem:s22], [sflag:$0x4], $0x80, $0x38;
	[tilespmem:$0x10100] =	vst v63  }
0x8c: {  	s11 =	smov.u32 s0;
	s22 =	smov.u32 s5;
	p0 =	sne.s32 s0, $0x1F0  }
.Ltmp14:
0x8d: {  	s0 =	sadd.s32 $0x10, s0;
	(pc) =	sbr.rel @p0 .LBB2_22-.Ltmp14, $2  }
0x8e: {  	_ =	sdelay $0x2  }
0x8f: {  	s5 =	sadd.s32 $0x400, s5;
	s11 =	sadd.s32 s11, s21  }
0x90: {  	[hbm4b:s11+s4] =	stream.linear.scatter [tilespmem:s22], [sflag:$0x4], $0x80, $0x38;
	[tilespmem:$0x10100] =	vst v63  }
0x91: {  	s21 =	sadd.s32 s8, s23;
	s22 =	simm.s32 $0x8180  }
0x92: {  	s0 =	simm.s32 $0x10;
	s5 =	simm.s32 $0x8580;
	s11 =	sadd.s32 $0x0, s21  }
.LBB2_24:
0x93: {  	[hbm4b:s11+s4] =	stream.linear.scatter [tilespmem:s22], [sflag:$0x4], $0x80, $0x38;
	[tilespmem:$0x10100] =	vst v63  }
0x94: {  	s11 =	smov.u32 s0;
	s22 =	smov.u32 s5;
	p0 =	sne.s32 s0, $0x1F0  }
.Ltmp15:
0x95: {  	s0 =	sadd.s32 $0x10, s0;
	(pc) =	sbr.rel @p0 .LBB2_24-.Ltmp15, $2  }
0x96: {  	_ =	sdelay $0x2  }
0x97: {  	s5 =	sadd.s32 $0x400, s5;
	s11 =	sadd.s32 s11, s21  }
0x98: {  	[hbm4b:s11+s4] =	stream.linear.scatter [tilespmem:s22], [sflag:$0x4], $0x80, $0x38;
	[tilespmem:$0x10100] =	vst v63  }
0x99: {  	s21 =	sadd.s32 s8, s24;
	s22 =	simm.s32 $0x8200  }
0x9a: {  	s0 =	simm.s32 $0x10;
	s5 =	simm.s32 $0x8600;
	s11 =	sadd.s32 $0x0, s21  }
.LBB2_26:
0x9b: {  	[hbm4b:s11+s4] =	stream.linear.scatter [tilespmem:s22], [sflag:$0x4], $0x80, $0x38;
	[tilespmem:$0x10100] =	vst v63  }
0x9c: {  	s11 =	smov.u32 s0;
	s22 =	smov.u32 s5;
	p0 =	sne.s32 s0, $0x1F0  }
.Ltmp16:
0x9d: {  	s0 =	sadd.s32 $0x10, s0;
	(pc) =	sbr.rel @p0 .LBB2_26-.Ltmp16, $2  }
0x9e: {  	_ =	sdelay $0x2  }
0x9f: {  	s5 =	sadd.s32 $0x400, s5;
	s11 =	sadd.s32 s11, s21  }
0xa0: {  	[hbm4b:s11+s4] =	stream.linear.scatter [tilespmem:s22], [sflag:$0x4], $0x80, $0x38;
	[tilespmem:$0x10100] =	vst v63  }
0xa1: {  	s21 =	sadd.s32 s8, s25;
	s22 =	simm.s32 $0x8280  }
0xa2: {  	s0 =	simm.s32 $0x10;
	s5 =	simm.s32 $0x8680;
	s11 =	sadd.s32 $0x0, s21  }
.LBB2_28:
0xa3: {  	[hbm4b:s11+s4] =	stream.linear.scatter [tilespmem:s22], [sflag:$0x4], $0x80, $0x38;
	[tilespmem:$0x10100] =	vst v63  }
0xa4: {  	s11 =	smov.u32 s0;
	s22 =	smov.u32 s5;
	p0 =	sne.s32 s0, $0x1F0  }
.Ltmp17:
0xa5: {  	s0 =	sadd.s32 $0x10, s0;
	(pc) =	sbr.rel @p0 .LBB2_28-.Ltmp17, $2  }
0xa6: {  	_ =	sdelay $0x2  }
0xa7: {  	s5 =	sadd.s32 $0x400, s5;
	s11 =	sadd.s32 s11, s21  }
0xa8: {  	[hbm4b:s11+s4] =	stream.linear.scatter [tilespmem:s22], [sflag:$0x4], $0x80, $0x38;
	[tilespmem:$0x10100] =	vst v63  }
0xa9: {  	s21 =	sadd.s32 s8, s26;
	s22 =	simm.s32 $0x8300  }
0xaa: {  	s0 =	simm.s32 $0x10;
	s5 =	simm.s32 $0x8700;
	s11 =	sadd.s32 $0x0, s21  }
.LBB2_30:
0xab: {  	[hbm4b:s11+s4] =	stream.linear.scatter [tilespmem:s22], [sflag:$0x4], $0x80, $0x38;
	[tilespmem:$0x10100] =	vst v63  }
0xac: {  	s11 =	smov.u32 s0;
	s22 =	smov.u32 s5;
	p0 =	sne.s32 s0, $0x1F0  }
.Ltmp18:
0xad: {  	s0 =	sadd.s32 $0x10, s0;
	(pc) =	sbr.rel @p0 .LBB2_30-.Ltmp18, $2  }
0xae: {  	_ =	sdelay $0x2  }
0xaf: {  	s5 =	sadd.s32 $0x400, s5;
	s11 =	sadd.s32 s11, s21  }
0xb0: {  	[hbm4b:s11+s4] =	stream.linear.scatter [tilespmem:s22], [sflag:$0x4], $0x80, $0x38;
	[tilespmem:$0x10100] =	vst v63  }
0xb1: {  	s21 =	sadd.s32 s8, s28;
	s22 =	simm.s32 $0x8380  }
0xb2: {  	s0 =	simm.s32 $0x10;
	s5 =	simm.s32 $0x8780;
	s11 =	sadd.s32 $0x0, s21  }
.LBB2_32:
0xb3: {  	[hbm4b:s11+s4] =	stream.linear.scatter [tilespmem:s22], [sflag:$0x4], $0x80, $0x38;
	[tilespmem:$0x10100] =	vst v63  }
0xb4: {  	s11 =	smov.u32 s0;
	s22 =	smov.u32 s5;
	p0 =	sne.s32 s0, $0x1F0  }
.Ltmp19:
0xb5: {  	s0 =	sadd.s32 $0x10, s0;
	(pc) =	sbr.rel @p0 .LBB2_32-.Ltmp19, $2  }
0xb6: {  	_ =	sdelay $0x2  }
0xb7: {  	s5 =	sadd.s32 $0x400, s5;
	s11 =	sadd.s32 s11, s21  }
0xb8: {  	[hbm4b:s11+s4] =	stream.linear.scatter [tilespmem:s22], [sflag:$0x4], $0x80, $0x38;
	[tilespmem:$0x10100] =	vst v63  }
0xb9: {  	s21 =	sadd.s32 s8, s29;
	s22 =	simm.s32 $0x8400  }
0xba: {  	s0 =	simm.s32 $0x10;
	s5 =	simm.s32 $0x8800;
	s11 =	sadd.s32 $0x0, s21  }
.LBB2_34:
0xbb: {  	[hbm4b:s11+s4] =	stream.linear.scatter [tilespmem:s22], [sflag:$0x4], $0x80, $0x38;
	[tilespmem:$0x10100] =	vst v63  }
0xbc: {  	s11 =	smov.u32 s0;
	s22 =	smov.u32 s5;
	p0 =	sne.s32 s0, $0x1F0  }
.Ltmp20:
0xbd: {  	s0 =	sadd.s32 $0x10, s0;
	(pc) =	sbr.rel @p0 .LBB2_34-.Ltmp20, $2  }
0xbe: {  	_ =	sdelay $0x2  }
0xbf: {  	s5 =	sadd.s32 $0x400, s5;
	s11 =	sadd.s32 s11, s21  }
0xc0: {  	[hbm4b:s11+s4] =	stream.linear.scatter [tilespmem:s22], [sflag:$0x4], $0x80, $0x38;
	[tilespmem:$0x10100] =	vst v63  }
0xc1: {  	_ =	swait.ge [sflag:s17], $0x1000  }
0xc2: {  	[sflag:s17] =	ssyncset.done $0x0  }
0xc3: {  	[sflag:s17] =	ssyncadd.s32 $0xFFFFF000  }
0xc4: {  	_ =	swait.ge [sflag:s17], $0x1000  }
0xc5: {  	[sflag:s17] =	ssyncset.done $0x0  }
0xc6: {  	[sflag:s17] =	ssyncadd.s32 $0xFFFFF000  }
0xc7: {  	_ =	swait.ge [sflag:s17], $0x1000  }
0xc8: {  	[sflag:s17] =	ssyncset.done $0x0  }
0xc9: {  	[sflag:s17] =	ssyncadd.s32 $0xFFFFF000  }
0xca: {  	_ =	swait.ge [sflag:s17], $0x1000  }
0xcb: {  	[sflag:s17] =	ssyncset.done $0x0  }
0xcc: {  	[sflag:s17] =	ssyncadd.s32 $0xFFFFF000  }
0xcd: {  	_ =	swait.ge [sflag:s17], $0x1000  }
0xce: {  	[sflag:s17] =	ssyncset.done $0x0  }
0xcf: {  	[sflag:s17] =	ssyncadd.s32 $0xFFFFF000  }
0xd0: {  	_ =	swait.ge [sflag:s17], $0x1000  }
0xd1: {  	[sflag:s17] =	ssyncset.done $0x0  }
0xd2: {  	[sflag:s17] =	ssyncadd.s32 $0xFFFFF000  }
0xd3: {  	_ =	swait.ge [sflag:s17], $0x1000  }
0xd4: {  	[sflag:s17] =	ssyncset.done $0x0  }
0xd5: {  	[sflag:s17] =	ssyncadd.s32 $0xFFFFF000  }
0xd6: {  	_ =	swait.ge [sflag:s17], $0x1000  }
0xd7: {  	[sflag:s17] =	ssyncset.done $0x0  }
0xd8: {  	[sflag:s17] =	ssyncadd.s32 $0xFFFFF000  }
0xd9: {  	_ =	swait.ge [sflag:s18], $0x1000  }
0xda: {  	[sflag:s18] =	ssyncset.done $0x0  }
0xdb: {  	[sflag:s18] =	ssyncadd.s32 $0xFFFFF000  }
0xdc: {  	_ =	swait.ge [sflag:s18], $0x1000  }
0xdd: {  	[sflag:s18] =	ssyncset.done $0x0  }
0xde: {  	[sflag:s18] =	ssyncadd.s32 $0xFFFFF000  }
0xdf: {  	_ =	swait.ge [sflag:s18], $0x1000  }
0xe0: {  	[sflag:s18] =	ssyncset.done $0x0  }
0xe1: {  	[sflag:s18] =	ssyncadd.s32 $0xFFFFF000  }
0xe2: {  	_ =	swait.ge [sflag:s18], $0x1000  }
0xe3: {  	[sflag:s18] =	ssyncset.done $0x0  }
0xe4: {  	[sflag:s18] =	ssyncadd.s32 $0xFFFFF000  }
0xe5: {  	_ =	swait.ge [sflag:s18], $0x1000  }
0xe6: {  	[sflag:s18] =	ssyncset.done $0x0  }
0xe7: {  	[sflag:s18] =	ssyncadd.s32 $0xFFFFF000  }
0xe8: {  	_ =	swait.ge [sflag:s18], $0x1000  }
0xe9: {  	[sflag:s18] =	ssyncset.done $0x0  }
0xea: {  	[sflag:s18] =	ssyncadd.s32 $0xFFFFF000  }
0xeb: {  	_ =	swait.ge [sflag:s18], $0x1000  }
.Ltmp21:
0xec: {  	[sflag:s18] =	ssyncset.done $0x0;
	(pc) =	sbr.rel .LBB2_36-.Ltmp21, $4  }
0xed: {  	[sflag:s18] =	ssyncadd.s32 $0xFFFFF000  }
0xee: {  	_ =	swait.ge [sflag:s18], $0x1000  }
0xef: {  	[sflag:s18] =	ssyncset.done $0x0  }
0xf0: {  	[sflag:s18] =	ssyncadd.s32 $0xFFFFF000  }
.LBB2_38:
0xf1: {  	_ =	sfence.sel $0x180000  }
0xf2: {  	[bflag:$0x0] =	sbarrier.arrive $0xFFFF  }
0xf3: {  	_ =	strace $0x90000047  }
0xf4: {  	s0 =	stileid.u32;
	[bflag:$0x2] =	sbarrier.arrive $0xFFFF  }
0xf5: {  	p0 =	sne.s32 s0, $0x0;
	s0 =	rddreg [dreg:$0x4]  }
0xf6: {  	s0 =	sadd.s32 @!p0 $0x100000, s0  }
0xf7: {  	[sflag:s0] =	ssyncadd.tile.s32 @!p0 $0x1;
	_ =	shalt  }
.Lfunc_end2:
_tile_overlayer_lowered:
.L_overlay_start_2:
0xf8: {  	(tag) =	ssettag $0x2  }
0xf9: {  	s0 =	rddreg [dreg:$0x0];
	s2 =	stileid.u32  }
0xfa: {  	s1 =	rddreg [dreg:$0x1];
	p0 =	sne.s32 s2, $0x0  }
0xfb: {  	s3 =	rddreg [dreg:$0x2];
	[bflag:$0x3] =	sbarrier.arrive $0xFFFF;
	s2 =	simm.s32 @!p0 $0x1C05  }
0xfc: {  	[timem:s3], [sflag:s2] =	dma.local @!p0 [hbm:s0], s1  }
0xfd: {  	s0 =	simm.s32 @!p0 $0x5  }
0xfe: {  	_ =	swait.ge @!p0 [sflag:s0], s1  }
0xff: {  	s1 =	ssub.s32 @!p0 $0x0, s1;
	[sflag:s0] =	ssyncset.done @!p0 $0x0  }
0x100: {  	[sflag:s0] =	ssyncadd.s32 @!p0 s1  }
0x101: {  	[bflag:$0x3] =	sbarrier.arrive $0xFFFF  }
0x102: {  	_ =	shalt  }

// kernel: sc_gather_b8.3.cloned.1.call-start
scs
__scs_entry_jumppad:
0x0: {  	(pc) =	sbr.rel $0x88, $3  }
0x1: {  	(tag) =	ssettag $0x0;
	lr =	simm.s32 $0x1  }
0x2: {  	[smem:$0x3F99] =	sst lr;
	_ =	strace $0xD0000000  }
0x3: {  	_ = 	snop  }
0x4: {  	_ = 	snop  }
0x5: {  	_ = 	snop  }
0x6: {  	_ = 	snop  }
0x7: {  	_ = 	snop  }
__scs_overlays_trampoline_lowered:
0x8: {  	[smem:$0x3FA8] =	sst s0  }
0x9: {  	[smem:$0x3FA9] =	sst s1  }
0xa: {  	[smem:$0x3FAA] =	sst s2  }
0xb: {  	[smem:$0x3FAB] =	sst s3  }
0xc: {  	[smem:$0x3FAC] =	sst s4  }
0xd: {  	[smem:$0x3FAD] =	sst s5  }
0xe: {  	[smem:$0x3FAE] =	sst s6  }
0xf: {  	[smem:$0x3FAF] =	sst s7  }
0x10: {  	[smem:$0x3FB0] =	sst s8  }
0x11: {  	[smem:$0x3FB1] =	sst s9;
	s0 =	simm.s32 @!p0 $0x0  }
0x12: {  	s1 =	sld [smem:$0x3F97];
	s0 =	simm.s32 @p0 $0x1  }
0x13: {  	[smem:$0x3FB2] =	sst s0;
	s0 =	simm.s32 @!p1 $0x0  }
0x14: {  	s2 =	sld [smem:$0x3F96];
	s0 =	simm.s32 @p1 $0x1  }
0x15: {  	[smem:$0x3FB3] =	sst s0;
	s0 =	simm.s32 @!p2 $0x0  }
0x16: {  	s3 =	sld [smem:$0x3FDB];
	s0 =	simm.s32 @p2 $0x1  }
0x17: {  	s4 =	simm.s32 $0x1BF5;
	[smem:$0x3FB5] =	sst s0  }
0x18: {  	s0 =	sld [smem:$0x3F98];
	_ =	swait.ge [sflag:s4], $0x0  }
0x19: {  	s7 =	sld [smem:$0x3F99]  }
0x1a: {  	s8 =	sadd.s32 $0xFFFFE003, lr  }
0x1b: {  	s9 =	sadd.s32 $0xFFFFFEF7, lr;
	s5 =	simm.s32 $0xFFFFFFFF;
	p2 =	slt.u32 s8, $0xFFFFF086  }
0x1c: {  	p1 =	slt.u32 s9, $0xF7A;
	s5 =	simm.s32 @!p2 $0x0  }
0x1d: {  	s5 =	simm.s32 @p1 $0x1;
	p0 =	seq.s32 s7, s2  }
0x1e: {  	s7 =	smul.u32 @!p0 $0xF7A, s2;
	p2 =	seq.s32 @!p0 s5, $0x0  }
0x1f: {  	s9 =	smul.u32 $0xF7A, s1;
	s8 =	simm.s32 @!p0 $0x1BF5;
	p2 =	por !p2, p0  }
0x20: {  	[sflag:s8] =	ssyncset.s32 @!p0 $0xFFFFF086;
	s6 =	sadd.s32 @!p0 s3, s7;
	s7 =	simm.s32 @!p0 $0x108  }
0x21: {  	s3 =	sadd.s32 s3, s9;
	s6 =	sadd.s32 @!p0 $0x88, s6;
	s7 =	simm.s32 @p2 $0x1082  }
0x22: {  	[simem:s7], [sflag:s8] =	dma.local @!p0 [hbm:s6], $0xF7A  }
0x23: {  	s9 =	sor.u32 $0xD0000000, s2;
	s6 =	simm.s32 $0x108;
	_ =	swait.ge @!p0 [sflag:s8], $0x0  }
0x24: {  	s3 =	sadd.s32 $0x88, s3;
	s6 =	simm.s32 @!p1 $0x1082;
	[sflag:s4] =	ssyncset.s32 $0xFFFFF086  }
0x25: {  	[simem:s6], [sflag:s4] =	dma.local [hbm:s3], $0xF7A  }
0x26: {  	[smem:$0x3F99] =	sst s1;
	(tag) =	ssettag s2;
	_ =	strace s9  }
0x27: {  	s1 =	sld [smem:$0x3FA9]  }
0x28: {  	s2 =	sld [smem:$0x3FAA]  }
0x29: {  	s4 =	sld [smem:$0x3FAC]  }
0x2a: {  	p0 =	seq.s32 s5, $0x0;
	s5 =	sld [smem:$0x3FAD]  }
0x2b: {  	s6 =	sld [smem:$0x3FAE]  }
0x2c: {  	s7 =	sld [smem:$0x3FAF]  }
0x2d: {  	s3 =	simm.s32 $0x108;
	s8 =	sld [smem:$0x3FB0]  }
0x2e: {  	s3 =	simm.s32 @!p0 $0x1082;
	s9 =	sld [smem:$0x3FB1]  }
0x2f: {  	lr =	sadd.s32 s0, s3;
	s0 =	sld [smem:$0x3FA8]  }
0x30: {  	s3 =	sld [smem:$0x3FAB]  }
0x31: {  	[smem:$0x3FB4] =	sst s10  }
0x32: {  	s10 =	sld [smem:$0x3FB2];
	_ =	sdelay $0x3  }
0x33: {  	p0 =	seq.s32 s10, $0x1;
	s10 =	sld [smem:$0x3FB4];
	_ =	sdelay $0x3  }
0x34: {  	[smem:$0x3FB4] =	sst s10  }
0x35: {  	s10 =	sld [smem:$0x3FB3];
	_ =	sdelay $0x3  }
0x36: {  	p1 =	seq.s32 s10, $0x1;
	s10 =	sld [smem:$0x3FB4];
	_ =	sdelay $0x3  }
0x37: {  	[smem:$0x3FB4] =	sst s10  }
0x38: {  	s10 =	sld [smem:$0x3FB5]  }
0x39: {  	_ = 	snop;
	(pc) =	sbr.ind lr, $3  }
0x3a: {  	_ = 	snop  }
0x3b: {  	_ = 	snop  }
0x3c: {  	p2 =	seq.s32 s10, $0x1;
	s10 =	sld [smem:$0x3FB4]  }
0x3d: {  	_ =	shalt  }
0x3e: {  	_ =	shalt  }
0x3f: {  	_ =	shalt  }
0x40: {  	_ =	shalt  }
0x41: {  	_ =	shalt  }
0x42: {  	_ =	shalt  }
0x43: {  	_ =	shalt  }
0x44: {  	_ =	shalt  }
0x45: {  	_ =	shalt  }
0x46: {  	_ =	shalt  }
0x47: {  	_ =	shalt  }
0x48: {  	_ =	shalt  }
0x49: {  	_ =	shalt  }
0x4a: {  	_ =	shalt  }
0x4b: {  	_ =	shalt  }
0x4c: {  	_ =	shalt  }
0x4d: {  	_ =	shalt  }
0x4e: {  	_ =	shalt  }
0x4f: {  	_ =	shalt  }
0x50: {  	_ =	shalt  }
0x51: {  	_ =	shalt  }
0x52: {  	_ =	shalt  }
0x53: {  	_ =	shalt  }
0x54: {  	_ =	shalt  }
0x55: {  	_ =	shalt  }
0x56: {  	_ =	shalt  }
0x57: {  	_ =	shalt  }
0x58: {  	_ =	shalt  }
0x59: {  	_ =	shalt  }
0x5a: {  	_ =	shalt  }
0x5b: {  	_ =	shalt  }
0x5c: {  	_ =	shalt  }
0x5d: {  	_ =	shalt  }
0x5e: {  	_ =	shalt  }
0x5f: {  	_ =	shalt  }
0x60: {  	_ =	shalt  }
0x61: {  	_ =	shalt  }
0x62: {  	_ =	shalt  }
0x63: {  	_ =	shalt  }
0x64: {  	_ =	shalt  }
0x65: {  	_ =	shalt  }
0x66: {  	_ =	shalt  }
0x67: {  	_ =	shalt  }
0x68: {  	_ =	shalt  }
0x69: {  	_ =	shalt  }
0x6a: {  	_ =	shalt  }
0x6b: {  	_ =	shalt  }
0x6c: {  	_ =	shalt  }
0x6d: {  	_ =	shalt  }
0x6e: {  	_ =	shalt  }
0x6f: {  	_ =	shalt  }
0x70: {  	_ =	shalt  }
0x71: {  	_ =	shalt  }
0x72: {  	_ =	shalt  }
0x73: {  	_ =	shalt  }
0x74: {  	_ =	shalt  }
0x75: {  	_ =	shalt  }
0x76: {  	_ =	shalt  }
0x77: {  	_ =	shalt  }
0x78: {  	_ =	shalt  }
0x79: {  	_ =	shalt  }
0x7a: {  	_ =	shalt  }
0x7b: {  	_ =	shalt  }
0x7c: {  	_ =	shalt  }
0x7d: {  	_ =	shalt  }
0x7e: {  	_ =	shalt  }
0x7f: {  	_ =	shalt  }
0x80: {  	_ =	shalt  }
0x81: {  	_ =	shalt  }
0x82: {  	_ =	shalt  }
0x83: {  	_ =	shalt  }
0x84: {  	_ =	shalt  }
0x85: {  	_ =	shalt  }
0x86: {  	_ =	shalt  }
0x87: {  	_ =	shalt  }
.Lfunc_end0:
.L_simem_size_0:
called_computation.1_lowered:
.L_overlay_start_0:
0x88: {  	s2 =	sld [smem:$0x3FD9]  }
0x89: {  	s3 =	sld [smem:$0x3FFE];
	_ =	sdelay $0x1  }
0x8a: {  	s1 =	srdreg.scid  }
0x8b: {  	s0 =	sand.u32 $0x1, s1  }
0x8c: {  	s17 =	sshll.u32 s0, $0xA;
	s2 =	sadd.s32 s3, s2  }
0x8d: {  	s2 =	sadd.s32 s2, s17  }
0x8e: {  	[smem:$0x3FC0] =	sst s2  }
0x8f: {  	_ = 	snop  }
0x90: {  	s18 =	sld [smem:$0x3FC6]  }
0x91: {  	s4 =	sld [smem:$0x3FC5]  }
0x92: {  	s5 =	sld [smem:$0x3FD0];
	(tm) =	ssettm $0x1  }
0x93: {  	s19 =	sld [smem:$0x3FFB];
	_ =	sdelay $0x3  }
0x94: {  	_ =	strace s19  }
0x95: {  	s2 =	sld [smem:$0x3FFC];
	_ =	sdelay $0x3  }
0x96: {  	_ =	strace s2  }
0x97: {  	s2 =	sld [smem:$0x3FFD];
	_ =	sdelay $0x3  }
0x98: {  	_ =	strace s2  }
0x99: {  	_ =	strace $0x8FFFFFFF  }
0x9a: {  	s20 =	sld [smem:$0x3FDB];
	_ =	sdelay $0x1  }
0x9b: {  	s6 =	simm.s32 $_scs_section_size  }
0x9c: {  	s7 =	simm.s32 $_size__tile_overlayer_lowered;
	s8 =	simm.s32 $_tile_overlayer_lowered  }
0x9d: {  	s9 =	simm.s32 $0x1BFF;
	s21 =	sshll.u32 s8, $0x1;
	s6 =	sadd.s32 s6, s20  }
0x9e: {  	s22 =	simm.s32 $0x0;
	s7 =	sshll.u32 s7, $0x1;
	s8 =	sadd.s32 s21, s6  }
0x9f: {  	[timem:s22], [sflag:s9] =	dma.local [hbm:s8], s7  }
0xa0: {  	_ =	swait.ge [sflag:s9], s7  }
0xa1: {  	s7 =	ssub.s32 $0x0, s7;
	[sflag:s9] =	ssyncset.done $0x0  }
0xa2: {  	[sflag:s9] =	ssyncadd.s32 s7;
	_ =	sdelay $0x1  }
0xa3: {  	s23 =	simm.s32 $0x1B8B  }
0xa4: {  	_ =	swait.ge [sflag:s23], $0x1  }
0xa5: {  	[sflag:s23] =	ssyncset.done $0x0  }
0xa6: {  	[sflag:s23] =	ssyncadd.s32 $0xFFFFFFFF  }
0xa7: {  	s7 =	sld [smem:$0x0]  }
0xa8: {  	s8 =	sand.u32 $0xFFFFFFFE, s1  }
0xa9: {  	p0 =	sne.s32 s1, s8  }
0xaa: {  	s8 =	sshll.u32 @p0 s8, $0xE  }
0xab: {  	s8 =	sadd.s32 @p0 $0x11B8D, s8;
	s9 =	sshll.u32 @p0 s7, $0x11  }
0xac: {  	s8 =	sor.u32 @p0 s9, s8  }
0xad: {  	[sflag:s8] =	ssyncadd.remote.s32 @p0 $0x1;
	_ =	sdelay $0x1  }
0xae: {  	s8 =	simm.s32 @p0 $0x1B8D  }
0xaf: {  	_ =	swait.eq @p0 [sflag:s8], $0x1  }
0xb0: {  	[sflag:s8] =	ssyncadd.s32 @p0 $0xFFFFFFFF  }
0xb1: {  	s9 =	sshll.u32 @!p0 s1, $0xE  }
0xb2: {  	s9 =	sor.u32 @!p0 $0x4000, s9;
	s8 =	simm.s32 @!p0 $0x1B8D  }
0xb3: {  	s7 =	sshll.u32 @!p0 s7, $0x11;
	s9 =	sadd.s32 @!p0 $0x11B8D, s9;
	_ =	swait.eq @!p0 [sflag:s8], $0x1  }
0xb4: {  	s7 =	sor.u32 @!p0 s7, s9;
	[sflag:s8] =	ssyncadd.s32 @!p0 $0xFFFFFFFF  }
0xb5: {  	s25 =	simm.s32 $0x1B8E;
	s24 =	sld [smem:$0x3FFE];
	[sflag:s7] =	ssyncadd.remote.s32 @!p0 $0x1  }
0xb6: {  	s26 =	simm.s32 $execute0_lowered;
	[smem:$0x3FD2] =	sst s25  }
0xb7: {  	s8 =	sshll.u32 s26, $0x1;
	_ =	strace $0x80000049;
	[dreg:$0x1] =	wrdreg $0xFFFFFFFF  }
0xb8: {  	s28 =	simm.s32 $_size_execute0_lowered;
	s6 =	sadd.s32 s6, s8;
	[dreg:$0x0] =	wrdreg $0x0  }
0xb9: {  	s8 =	sshll.u32 s28, $0x1;
	[dreg:$0x2] =	wrdreg s6  }
0xba: {  	[dreg:$0x3] =	wrdreg s8  }
0xbb: {  	[dreg:$0x4] =	wrdreg $0xC0  }
0xbc: {  	_ =	task [dreg:s22], $0x5FFFF  }
0xbd: {  	[dreg:$0x1] =	wrdreg $0xFFFFFFFF  }
0xbe: {  	[dreg:$0x0] =	wrdreg $0x60  }
0xbf: {  	[dreg:$0x2] =	wrdreg s18  }
0xc0: {  	[dreg:$0x3] =	wrdreg s4  }
0xc1: {  	[dreg:$0x4] =	wrdreg s5  }
0xc2: {  	[dreg:$0x5] =	wrdreg s24  }
0xc3: {  	[dreg:$0x6] =	wrdreg $0xA  }
0xc4: {  	_ =	task.clear_ibuf [dreg:s22], $0x7FFFF;
	_ =	strace $0x90000049  }
0xc5: {  	s29 =	simm.s32 $0xA;
	_ =	strace $0x8000004B  }
0xc6: {  	_ =	swait.ge [sflag:s29], $0x1  }
0xc7: {  	[sflag:s29] =	ssyncadd.s32 $0xFFFFFFFF  }
0xc8: {  	_ =	strace $0x9000004B  }
0xc9: {  	_ =	sfence  }
0xca: {  	s30 =	sld [smem:$0x0];
	_ =	sdelay $0x2  }
0xcb: {  	s31 =	sshll.u32 s1, $0xD;
	s1 =	sshrl.u32 s1, $0x2  }
0xcc: {  	s4 =	sand.u32 $0x4000, s31;
	s1 =	sadd.s32 s1, s30  }
0xcd: {  	s0 =	sor.u32 s4, s0;
	s1 =	sshll.u32 s1, $0x11  }
0xce: {  	s0 =	sor.u32 s1, s0  }
0xcf: {  	s0 =	sadd.s32 $0x8F2B, s0  }
0xd0: {  	[sflag:s0] =	ssyncadd.remote.s32 $0x1  }
0xd1: {  	_ =	sfence.sel $0xFFFF  }
0xd2: {  	[dreg:$0x0] =	wrdreg $0xFFFFFFFF;
	(pc) =	sbr.abs _section_cstart, $3  }
0xd3: {  	[dreg:$0x1] =	wrdreg $0xFFFFFFFF  }
0xd4: {  	_ =	task.clear_ibuf [dreg:s22], $0x2FFFF;
	_ =	strace $0x9FFFFFFF  }
0xd5: {  	(tm) =	ssettm $0x7FFFFFFF  }
tec
execute0_lowered:
.L_overlay_start_1:
0x0: {  	(tag) =	ssettag $0x1  }
0x1: {  	s1 =	rddreg [dreg:$0x0]  }
0x2: {  	s2 =	rddreg [dreg:$0x1]  }
0x3: {  	s3 =	rddreg [dreg:$0x2]  }
0x4: {  	s0 =	rddreg [dreg:$0x3]  }
0x5: {  	s4 =	simm.s32 $0x0;
	s5 =	srdreg.scid;
	s11 =	stileid.u32  }
0x6: {  	s12 =	simm.s32 $0x5;
	s13 =	simm.s32 $0x20;
	s14 =	simm.s32 $0x8080  }
0x7: {  	s15 =	simm.s32 $0x1;
	s16 =	simm.s32 $0x2;
	s17 =	simm.s32 $0x3  }
.Ltmp0:
0x8: {  	s18 =	simm.s32 $0x4;
	s5 =	sand.u32 $0x1, s5;
	(pc) =	sbr.rel .LBB2_1-.Ltmp0, $4  }
0x9: {  	s19 =	simm.s32 $0x0;
	[smem:$0x7FF] =	sst s4;
	s8 =	ssub.s32 $0x2, s5  }
0xa: {  	s6 =	sadd.s32 $0x2000, s0;
	s7 =	sadd.s32 $0x402200, s0;
	s9 =	sshrl.u32 s8, $0x1  }
0xb: {  	s31 =	sshll.u32 s11, $0x1;
	_ =	strace $0x8000004A;
	s10 =	ssub.s32 s8, s9  }
0xc: {  	v0 =	vlaneseq.u32;
	s8 =	sadd.s32 $0x602200, s0;
	s9 =	sor.u32 s5, s31;
	s10 =	smax.u32 s10, $0x1  }
.LBB2_37:
0xd: {  	s19 =	sadd.s32 $0x1, s19  }
0xe: {  	p0 =	sne.s32 s19, s10  }
.Ltmp1:
0xf: {  	_ = 	snop;
	(pc) =	sbr.rel @!p0 .LBB2_38-.Ltmp1, $1  }
0x10: {  	_ =	sdelay $0x3  }
.LBB2_1:
.Ltmp2:
0x11: {  	s0 =	simm.s32 $0x10080;
	(pc) =	sbr.rel .LBB2_2-.Ltmp2, $4  }
0x12: {  	[tilespmem:s0], [sflag:$0x5] =	stream.linear.gather [hbm4b:s6+s4], $0x80, $0x38;
	[tilespmem:$0x10100] =	vst v63  }
0x13: {  	_ =	swait.ge [sflag:s12], $0x80  }
0x14: {  	[sflag:s12] =	ssyncset.done $0x0  }
0x15: {  	s20 =	simm.s32 $0x0;
	[sflag:s12] =	ssyncadd.s32 $0xFFFFFF80  }
.LBB2_36:
0x16: {  	s20 =	sadd.s32 $0x1, s20  }
0x17: {  	p0 =	sne.s32 s20, $0x10  }
.Ltmp3:
0x18: {  	_ = 	snop;
	(pc) =	sbr.rel @!p0 .LBB2_37-.Ltmp3, $1  }
0x19: {  	_ =	sdelay $0x3  }
.LBB2_2:
0x1a: {  	v1 =	vld [tilespmem:$0x10080]  }
0x1b: {  	s21 =	sshrl.u32 s20, $0x1  }
0x1c: {  	s22 =	sor.u32 $0x8, s21  }
0x1d: {  	v2 =	vmov s22  }
0x1e: {  	vm0 =	veq.s32 v2, v0  }
0x1f: {  	v1 =	vnsel vm0, $0x0, v1  }
0x20: {  	(xrf2) =	vadd.scan.msk.f32 $0xffff, v1;
	_ =	sdelay $0x9  }
0x21: {  	v1, _, _ =	vpop (xrf2)  }
0x22: {  	(v2sf) =	vpush v1, $0xF;
	_ =	sdelay $0x8  }
0x23: {  	s0 =	sshll.u32 s21, $0x2  }
0x24: {  	s5 =	sshll.u32 s20, $0x5;
	s0 =	ssub.s32 s9, s0  }
0x25: {  	s5 =	sand.u32 $0x20, s5;
	s0 =	sand.u32 $0x1F, s0  }
0x26: {  	s23 =	sor.u32 s5, s0  }
0x27: {  	s0 =	sshll.u32 s23, $0x5  }
0x28: {  	s5 =	scvt.s32.f32 s0  }
0x29: {  	p0 =	seq.s32 s23, $0x0;
	s11 =	spop (v2sf)  }
0x2a: {  	p1 =	sgt.f32 @!p0 s11, s5;
	_ =	sdelay $0x1  }
0x2b: {  	p0 =	por p0, p1  }
.Ltmp4:
0x2c: {  	_ = 	snop;
	(pc) =	sbr.rel @!p0 .LBB2_36-.Ltmp4, $1  }
0x2d: {  	_ =	sdelay $0x3  }
0x2e: {  	s5 =	sshll.u32 s22, $0xB  }
0x2f: {  	s0 =	sor.u32 s5, s0  }
0x30: {  	s0 =	sshrl.u32 s0, $0x3  }
0x31: {  	s29 =	simm.s32 $0x0;
	s0 =	sadd.s32 s3, s0  }
0x32: {  	[tilespmem:s29], [sflag:$0x5] =	stream.linear.gather [hbm4b:s0+s29], $0x20, $0x38;
	[tilespmem:$0x10100] =	vst v63  }
0x33: {  	_ =	swait.ge [sflag:s12], $0x20  }
0x34: {  	[sflag:s12] =	ssyncset.done $0x0  }
0x35: {  	s22 =	simm.s32 $0x80;
	[sflag:s12] =	ssyncadd.s32 $0xFFFFFFE0  }
0x36: {  	[tilespmem:s22], [sflag:$0x1] =	stream.indirect.gather [hbm4b:s1+s13], $0x400, s29, s13, $0xb8;
	[tilespmem:$0x10100] =	vst v63  }
0x37: {  	s30 =	sshll.u32 s21, $0x12;
	s31 =	sshll.u32 s23, $0x9  }
0x38: {  	[tilespmem:s14], [sflag:$0x2] =	stream.indirect.gather [hbm4b:s2+s13], $0x400, s29, s13, $0xb8;
	[tilespmem:$0x10100] =	vst v63  }
0x39: {  	s21 =	sor.u32 s30, s31;
	_ =	swait.ge [sflag:s15], $0x8000  }
0x3a: {  	s24 =	simm.s32 $0x10;
	s23 =	sadd.s32 s7, s21;
	[sflag:s15] =	ssyncset.done $0x0  }
0x3b: {  	s5 =	sadd.s32 $0x0, s23;
	s0 =	simm.s32 $0x480;
	[sflag:s15] =	ssyncadd.s32 $0xFFFF8000  }
.LBB2_4:
0x3c: {  	[hbm4b:s5+s4] =	stream.linear.scatter [tilespmem:s22], [sflag:$0x3], $0x80, $0x38;
	[tilespmem:$0x10100] =	vst v63  }
0x3d: {  	s5 =	smov.u32 s24;
	s22 =	smov.u32 s0;
	p0 =	sne.s32 s24, $0x1F0  }
.Ltmp5:
0x3e: {  	s24 =	sadd.s32 $0x10, s24;
	(pc) =	sbr.rel @p0 .LBB2_4-.Ltmp5, $2  }
0x3f: {  	_ =	sdelay $0x2  }
0x40: {  	s0 =	sadd.s32 $0x400, s0;
	s5 =	sadd.s32 s5, s23  }
0x41: {  	[hbm4b:s5+s4] =	stream.linear.scatter [tilespmem:s22], [sflag:$0x3], $0x80, $0x38;
	[tilespmem:$0x10100] =	vst v63  }
0x42: {  	s22 =	sor.u32 $0x8000, s21  }
0x43: {  	s24 =	simm.s32 $0x100;
	s23 =	sadd.s32 s7, s22  }
0x44: {  	s25 =	simm.s32 $0x10;
	s0 =	simm.s32 $0x500;
	s5 =	sadd.s32 $0x0, s23  }
.LBB2_6:
0x45: {  	[hbm4b:s5+s4] =	stream.linear.scatter [tilespmem:s24], [sflag:$0x3], $0x80, $0x38;
	[tilespmem:$0x10100] =	vst v63  }
0x46: {  	s5 =	smov.u32 s25;
	s24 =	smov.u32 s0;
	p0 =	sne.s32 s25, $0x1F0  }
.Ltmp6:
0x47: {  	s25 =	sadd.s32 $0x10, s25;
	(pc) =	sbr.rel @p0 .LBB2_6-.Ltmp6, $2  }
0x48: {  	_ =	sdelay $0x2  }
0x49: {  	s0 =	sadd.s32 $0x400, s0;
	s5 =	sadd.s32 s5, s23  }
0x4a: {  	[hbm4b:s5+s4] =	stream.linear.scatter [tilespmem:s24], [sflag:$0x3], $0x80, $0x38;
	[tilespmem:$0x10100] =	vst v63  }
0x4b: {  	s23 =	sor.u32 $0x10000, s21  }
0x4c: {  	s25 =	simm.s32 $0x180;
	s24 =	sadd.s32 s7, s23  }
0x4d: {  	s26 =	simm.s32 $0x10;
	s0 =	simm.s32 $0x580;
	s5 =	sadd.s32 $0x0, s24  }
.LBB2_8:
0x4e: {  	[hbm4b:s5+s4] =	stream.linear.scatter [tilespmem:s25], [sflag:$0x3], $0x80, $0x38;
	[tilespmem:$0x10100] =	vst v63  }
0x4f: {  	s5 =	smov.u32 s26;
	s25 =	smov.u32 s0;
	p0 =	sne.s32 s26, $0x1F0  }
.Ltmp7:
0x50: {  	s26 =	sadd.s32 $0x10, s26;
	(pc) =	sbr.rel @p0 .LBB2_8-.Ltmp7, $2  }
0x51: {  	_ =	sdelay $0x2  }
0x52: {  	s0 =	sadd.s32 $0x400, s0;
	s5 =	sadd.s32 s5, s24  }
0x53: {  	[hbm4b:s5+s4] =	stream.linear.scatter [tilespmem:s25], [sflag:$0x3], $0x80, $0x38;
	[tilespmem:$0x10100] =	vst v63  }
0x54: {  	s24 =	sor.u32 $0x18000, s21  }
0x55: {  	s26 =	simm.s32 $0x200;
	s25 =	sadd.s32 s7, s24  }
0x56: {  	s28 =	simm.s32 $0x10;
	s0 =	simm.s32 $0x600;
	s5 =	sadd.s32 $0x0, s25  }
.LBB2_10:
0x57: {  	[hbm4b:s5+s4] =	stream.linear.scatter [tilespmem:s26], [sflag:$0x3], $0x80, $0x38;
	[tilespmem:$0x10100] =	vst v63  }
0x58: {  	s5 =	smov.u32 s28;
	s26 =	smov.u32 s0;
	p0 =	sne.s32 s28, $0x1F0  }
.Ltmp8:
0x59: {  	s28 =	sadd.s32 $0x10, s28;
	(pc) =	sbr.rel @p0 .LBB2_10-.Ltmp8, $2  }
0x5a: {  	_ =	sdelay $0x2  }
0x5b: {  	s0 =	sadd.s32 $0x400, s0;
	s5 =	sadd.s32 s5, s25  }
0x5c: {  	[hbm4b:s5+s4] =	stream.linear.scatter [tilespmem:s26], [sflag:$0x3], $0x80, $0x38;
	[tilespmem:$0x10100] =	vst v63  }
0x5d: {  	s25 =	sor.u32 $0x20000, s21  }
0x5e: {  	s28 =	simm.s32 $0x280;
	s26 =	sadd.s32 s7, s25  }
0x5f: {  	s29 =	simm.s32 $0x10;
	s0 =	simm.s32 $0x680;
	s5 =	sadd.s32 $0x0, s26  }
.LBB2_12:
0x60: {  	[hbm4b:s5+s4] =	stream.linear.scatter [tilespmem:s28], [sflag:$0x3], $0x80, $0x38;
	[tilespmem:$0x10100] =	vst v63  }
0x61: {  	s5 =	smov.u32 s29;
	s28 =	smov.u32 s0;
	p0 =	sne.s32 s29, $0x1F0  }
.Ltmp9:
0x62: {  	s29 =	sadd.s32 $0x10, s29;
	(pc) =	sbr.rel @p0 .LBB2_12-.Ltmp9, $2  }
0x63: {  	_ =	sdelay $0x2  }
0x64: {  	s0 =	sadd.s32 $0x400, s0;
	s5 =	sadd.s32 s5, s26  }
0x65: {  	[hbm4b:s5+s4] =	stream.linear.scatter [tilespmem:s28], [sflag:$0x3], $0x80, $0x38;
	[tilespmem:$0x10100] =	vst v63  }
0x66: {  	s26 =	sor.u32 $0x28000, s21  }
0x67: {  	s29 =	simm.s32 $0x300;
	s28 =	sadd.s32 s7, s26  }
0x68: {  	s30 =	simm.s32 $0x10;
	s0 =	simm.s32 $0x700;
	s5 =	sadd.s32 $0x0, s28  }
.LBB2_14:
0x69: {  	[hbm4b:s5+s4] =	stream.linear.scatter [tilespmem:s29], [sflag:$0x3], $0x80, $0x38;
	[tilespmem:$0x10100] =	vst v63  }
0x6a: {  	s5 =	smov.u32 s30;
	s29 =	smov.u32 s0;
	p0 =	sne.s32 s30, $0x1F0  }
.Ltmp10:
0x6b: {  	s30 =	sadd.s32 $0x10, s30;
	(pc) =	sbr.rel @p0 .LBB2_14-.Ltmp10, $2  }
0x6c: {  	_ =	sdelay $0x2  }
0x6d: {  	s0 =	sadd.s32 $0x400, s0;
	s5 =	sadd.s32 s5, s28  }
0x6e: {  	[hbm4b:s5+s4] =	stream.linear.scatter [tilespmem:s29], [sflag:$0x3], $0x80, $0x38;
	[tilespmem:$0x10100] =	vst v63  }
0x6f: {  	s28 =	sor.u32 $0x30000, s21  }
0x70: {  	s30 =	simm.s32 $0x380;
	s29 =	sadd.s32 s7, s28  }
0x71: {  	s31 =	simm.s32 $0x10;
	s0 =	simm.s32 $0x780;
	s5 =	sadd.s32 $0x0, s29  }
.LBB2_16:
0x72: {  	[hbm4b:s5+s4] =	stream.linear.scatter [tilespmem:s30], [sflag:$0x3], $0x80, $0x38;
	[tilespmem:$0x10100] =	vst v63  }
0x73: {  	s5 =	smov.u32 s31;
	s30 =	smov.u32 s0;
	p0 =	sne.s32 s31, $0x1F0  }
.Ltmp11:
0x74: {  	s31 =	sadd.s32 $0x10, s31;
	(pc) =	sbr.rel @p0 .LBB2_16-.Ltmp11, $2  }
0x75: {  	_ =	sdelay $0x2  }
0x76: {  	s0 =	sadd.s32 $0x400, s0;
	s5 =	sadd.s32 s5, s29  }
0x77: {  	[hbm4b:s5+s4] =	stream.linear.scatter [tilespmem:s30], [sflag:$0x3], $0x80, $0x38;
	[tilespmem:$0x10100] =	vst v63  }
0x78: {  	s29 =	sor.u32 $0x38000, s21  }
0x79: {  	s31 =	simm.s32 $0x400;
	s30 =	sadd.s32 s7, s29  }
0x7a: {  	s0 =	simm.s32 $0x10;
	s5 =	simm.s32 $0x800;
	s11 =	sadd.s32 $0x0, s30  }
.LBB2_18:
0x7b: {  	[hbm4b:s11+s4] =	stream.linear.scatter [tilespmem:s31], [sflag:$0x3], $0x80, $0x38;
	[tilespmem:$0x10100] =	vst v63  }
0x7c: {  	s11 =	smov.u32 s0;
	s31 =	smov.u32 s5;
	p0 =	sne.s32 s0, $0x1F0  }
.Ltmp12:
0x7d: {  	s0 =	sadd.s32 $0x10, s0;
	(pc) =	sbr.rel @p0 .LBB2_18-.Ltmp12, $2  }
0x7e: {  	_ =	sdelay $0x2  }
0x7f: {  	s5 =	sadd.s32 $0x400, s5;
	s11 =	sadd.s32 s11, s30  }
0x80: {  	[hbm4b:s11+s4] =	stream.linear.scatter [tilespmem:s31], [sflag:$0x3], $0x80, $0x38;
	[tilespmem:$0x10100] =	vst v63  }
0x81: {  	s21 =	sadd.s32 s8, s21;
	_ =	swait.ge [sflag:s16], $0x8000  }
0x82: {  	s30 =	simm.s32 $0x8080;
	s0 =	simm.s32 $0x10;
	[sflag:s16] =	ssyncset.done $0x0  }
0x83: {  	s5 =	simm.s32 $0x8480;
	s11 =	sadd.s32 $0x0, s21;
	[sflag:s16] =	ssyncadd.s32 $0xFFFF8000  }
.LBB2_20:
0x84: {  	[hbm4b:s11+s4] =	stream.linear.scatter [tilespmem:s30], [sflag:$0x4], $0x80, $0x38;
	[tilespmem:$0x10100] =	vst v63  }
0x85: {  	s11 =	smov.u32 s0;
	s30 =	smov.u32 s5;
	p0 =	sne.s32 s0, $0x1F0  }
.Ltmp13:
0x86: {  	s0 =	sadd.s32 $0x10, s0;
	(pc) =	sbr.rel @p0 .LBB2_20-.Ltmp13, $2  }
0x87: {  	_ =	sdelay $0x2  }
0x88: {  	s5 =	sadd.s32 $0x400, s5;
	s11 =	sadd.s32 s11, s21  }
0x89: {  	[hbm4b:s11+s4] =	stream.linear.scatter [tilespmem:s30], [sflag:$0x4], $0x80, $0x38;
	[tilespmem:$0x10100] =	vst v63  }
0x8a: {  	s21 =	sadd.s32 s8, s22;
	s22 =	simm.s32 $0x8100  }
0x8b: {  	s0 =	simm.s32 $0x10;
	s5 =	simm.s32 $0x8500;
	s11 =	sadd.s32 $0x0, s21  }
.LBB2_22:
0x8c: {  	[hbm4b:s11+s4] =	stream.linear.scatter [tilespmem:s22], [sflag:$0x4], $0x80, $0x38;
	[tilespmem:$0x10100] =	vst v63  }
0x8d: {  	s11 =	smov.u32 s0;
	s22 =	smov.u32 s5;
	p0 =	sne.s32 s0, $0x1F0  }
.Ltmp14:
0x8e: {  	s0 =	sadd.s32 $0x10, s0;
	(pc) =	sbr.rel @p0 .LBB2_22-.Ltmp14, $2  }
0x8f: {  	_ =	sdelay $0x2  }
0x90: {  	s5 =	sadd.s32 $0x400, s5;
	s11 =	sadd.s32 s11, s21  }
0x91: {  	[hbm4b:s11+s4] =	stream.linear.scatter [tilespmem:s22], [sflag:$0x4], $0x80, $0x38;
	[tilespmem:$0x10100] =	vst v63  }
0x92: {  	s21 =	sadd.s32 s8, s23;
	s22 =	simm.s32 $0x8180  }
0x93: {  	s0 =	simm.s32 $0x10;
	s5 =	simm.s32 $0x8580;
	s11 =	sadd.s32 $0x0, s21  }
.LBB2_24:
0x94: {  	[hbm4b:s11+s4] =	stream.linear.scatter [tilespmem:s22], [sflag:$0x4], $0x80, $0x38;
	[tilespmem:$0x10100] =	vst v63  }
0x95: {  	s11 =	smov.u32 s0;
	s22 =	smov.u32 s5;
	p0 =	sne.s32 s0, $0x1F0  }
.Ltmp15:
0x96: {  	s0 =	sadd.s32 $0x10, s0;
	(pc) =	sbr.rel @p0 .LBB2_24-.Ltmp15, $2  }
0x97: {  	_ =	sdelay $0x2  }
0x98: {  	s5 =	sadd.s32 $0x400, s5;
	s11 =	sadd.s32 s11, s21  }
0x99: {  	[hbm4b:s11+s4] =	stream.linear.scatter [tilespmem:s22], [sflag:$0x4], $0x80, $0x38;
	[tilespmem:$0x10100] =	vst v63  }
0x9a: {  	s21 =	sadd.s32 s8, s24;
	s22 =	simm.s32 $0x8200  }
0x9b: {  	s0 =	simm.s32 $0x10;
	s5 =	simm.s32 $0x8600;
	s11 =	sadd.s32 $0x0, s21  }
.LBB2_26:
0x9c: {  	[hbm4b:s11+s4] =	stream.linear.scatter [tilespmem:s22], [sflag:$0x4], $0x80, $0x38;
	[tilespmem:$0x10100] =	vst v63  }
0x9d: {  	s11 =	smov.u32 s0;
	s22 =	smov.u32 s5;
	p0 =	sne.s32 s0, $0x1F0  }
.Ltmp16:
0x9e: {  	s0 =	sadd.s32 $0x10, s0;
	(pc) =	sbr.rel @p0 .LBB2_26-.Ltmp16, $2  }
0x9f: {  	_ =	sdelay $0x2  }
0xa0: {  	s5 =	sadd.s32 $0x400, s5;
	s11 =	sadd.s32 s11, s21  }
0xa1: {  	[hbm4b:s11+s4] =	stream.linear.scatter [tilespmem:s22], [sflag:$0x4], $0x80, $0x38;
	[tilespmem:$0x10100] =	vst v63  }
0xa2: {  	s21 =	sadd.s32 s8, s25;
	s22 =	simm.s32 $0x8280  }
0xa3: {  	s0 =	simm.s32 $0x10;
	s5 =	simm.s32 $0x8680;
	s11 =	sadd.s32 $0x0, s21  }
.LBB2_28:
0xa4: {  	[hbm4b:s11+s4] =	stream.linear.scatter [tilespmem:s22], [sflag:$0x4], $0x80, $0x38;
	[tilespmem:$0x10100] =	vst v63  }
0xa5: {  	s11 =	smov.u32 s0;
	s22 =	smov.u32 s5;
	p0 =	sne.s32 s0, $0x1F0  }
.Ltmp17:
0xa6: {  	s0 =	sadd.s32 $0x10, s0;
	(pc) =	sbr.rel @p0 .LBB2_28-.Ltmp17, $2  }
0xa7: {  	_ =	sdelay $0x2  }
0xa8: {  	s5 =	sadd.s32 $0x400, s5;
	s11 =	sadd.s32 s11, s21  }
0xa9: {  	[hbm4b:s11+s4] =	stream.linear.scatter [tilespmem:s22], [sflag:$0x4], $0x80, $0x38;
	[tilespmem:$0x10100] =	vst v63  }
0xaa: {  	s21 =	sadd.s32 s8, s26;
	s22 =	simm.s32 $0x8300  }
0xab: {  	s0 =	simm.s32 $0x10;
	s5 =	simm.s32 $0x8700;
	s11 =	sadd.s32 $0x0, s21  }
.LBB2_30:
0xac: {  	[hbm4b:s11+s4] =	stream.linear.scatter [tilespmem:s22], [sflag:$0x4], $0x80, $0x38;
	[tilespmem:$0x10100] =	vst v63  }
0xad: {  	s11 =	smov.u32 s0;
	s22 =	smov.u32 s5;
	p0 =	sne.s32 s0, $0x1F0  }
.Ltmp18:
0xae: {  	s0 =	sadd.s32 $0x10, s0;
	(pc) =	sbr.rel @p0 .LBB2_30-.Ltmp18, $2  }
0xaf: {  	_ =	sdelay $0x2  }
0xb0: {  	s5 =	sadd.s32 $0x400, s5;
	s11 =	sadd.s32 s11, s21  }
0xb1: {  	[hbm4b:s11+s4] =	stream.linear.scatter [tilespmem:s22], [sflag:$0x4], $0x80, $0x38;
	[tilespmem:$0x10100] =	vst v63  }
0xb2: {  	s21 =	sadd.s32 s8, s28;
	s22 =	simm.s32 $0x8380  }
0xb3: {  	s0 =	simm.s32 $0x10;
	s5 =	simm.s32 $0x8780;
	s11 =	sadd.s32 $0x0, s21  }
.LBB2_32:
0xb4: {  	[hbm4b:s11+s4] =	stream.linear.scatter [tilespmem:s22], [sflag:$0x4], $0x80, $0x38;
	[tilespmem:$0x10100] =	vst v63  }
0xb5: {  	s11 =	smov.u32 s0;
	s22 =	smov.u32 s5;
	p0 =	sne.s32 s0, $0x1F0  }
.Ltmp19:
0xb6: {  	s0 =	sadd.s32 $0x10, s0;
	(pc) =	sbr.rel @p0 .LBB2_32-.Ltmp19, $2  }
0xb7: {  	_ =	sdelay $0x2  }
0xb8: {  	s5 =	sadd.s32 $0x400, s5;
	s11 =	sadd.s32 s11, s21  }
0xb9: {  	[hbm4b:s11+s4] =	stream.linear.scatter [tilespmem:s22], [sflag:$0x4], $0x80, $0x38;
	[tilespmem:$0x10100] =	vst v63  }
0xba: {  	s21 =	sadd.s32 s8, s29;
	s22 =	simm.s32 $0x8400  }
0xbb: {  	s0 =	simm.s32 $0x10;
	s5 =	simm.s32 $0x8800;
	s11 =	sadd.s32 $0x0, s21  }
.LBB2_34:
0xbc: {  	[hbm4b:s11+s4] =	stream.linear.scatter [tilespmem:s22], [sflag:$0x4], $0x80, $0x38;
	[tilespmem:$0x10100] =	vst v63  }
0xbd: {  	s11 =	smov.u32 s0;
	s22 =	smov.u32 s5;
	p0 =	sne.s32 s0, $0x1F0  }
.Ltmp20:
0xbe: {  	s0 =	sadd.s32 $0x10, s0;
	(pc) =	sbr.rel @p0 .LBB2_34-.Ltmp20, $2  }
0xbf: {  	_ =	sdelay $0x2  }
0xc0: {  	s5 =	sadd.s32 $0x400, s5;
	s11 =	sadd.s32 s11, s21  }
0xc1: {  	[hbm4b:s11+s4] =	stream.linear.scatter [tilespmem:s22], [sflag:$0x4], $0x80, $0x38;
	[tilespmem:$0x10100] =	vst v63  }
0xc2: {  	_ =	swait.ge [sflag:s17], $0x1000  }
0xc3: {  	[sflag:s17] =	ssyncset.done $0x0  }
0xc4: {  	[sflag:s17] =	ssyncadd.s32 $0xFFFFF000  }
0xc5: {  	_ =	swait.ge [sflag:s17], $0x1000  }
0xc6: {  	[sflag:s17] =	ssyncset.done $0x0  }
0xc7: {  	[sflag:s17] =	ssyncadd.s32 $0xFFFFF000  }
0xc8: {  	_ =	swait.ge [sflag:s17], $0x1000  }
0xc9: {  	[sflag:s17] =	ssyncset.done $0x0  }
0xca: {  	[sflag:s17] =	ssyncadd.s32 $0xFFFFF000  }
0xcb: {  	_ =	swait.ge [sflag:s17], $0x1000  }
0xcc: {  	[sflag:s17] =	ssyncset.done $0x0  }
0xcd: {  	[sflag:s17] =	ssyncadd.s32 $0xFFFFF000  }
0xce: {  	_ =	swait.ge [sflag:s17], $0x1000  }
0xcf: {  	[sflag:s17] =	ssyncset.done $0x0  }
0xd0: {  	[sflag:s17] =	ssyncadd.s32 $0xFFFFF000  }
0xd1: {  	_ =	swait.ge [sflag:s17], $0x1000  }
0xd2: {  	[sflag:s17] =	ssyncset.done $0x0  }
0xd3: {  	[sflag:s17] =	ssyncadd.s32 $0xFFFFF000  }
0xd4: {  	_ =	swait.ge [sflag:s17], $0x1000  }
0xd5: {  	[sflag:s17] =	ssyncset.done $0x0  }
0xd6: {  	[sflag:s17] =	ssyncadd.s32 $0xFFFFF000  }
0xd7: {  	_ =	swait.ge [sflag:s17], $0x1000  }
0xd8: {  	[sflag:s17] =	ssyncset.done $0x0  }
0xd9: {  	[sflag:s17] =	ssyncadd.s32 $0xFFFFF000  }
0xda: {  	_ =	swait.ge [sflag:s18], $0x1000  }
0xdb: {  	[sflag:s18] =	ssyncset.done $0x0  }
0xdc: {  	[sflag:s18] =	ssyncadd.s32 $0xFFFFF000  }
0xdd: {  	_ =	swait.ge [sflag:s18], $0x1000  }
0xde: {  	[sflag:s18] =	ssyncset.done $0x0  }
0xdf: {  	[sflag:s18] =	ssyncadd.s32 $0xFFFFF000  }
0xe0: {  	_ =	swait.ge [sflag:s18], $0x1000  }
0xe1: {  	[sflag:s18] =	ssyncset.done $0x0  }
0xe2: {  	[sflag:s18] =	ssyncadd.s32 $0xFFFFF000  }
0xe3: {  	_ =	swait.ge [sflag:s18], $0x1000  }
0xe4: {  	[sflag:s18] =	ssyncset.done $0x0  }
0xe5: {  	[sflag:s18] =	ssyncadd.s32 $0xFFFFF000  }
0xe6: {  	_ =	swait.ge [sflag:s18], $0x1000  }
0xe7: {  	[sflag:s18] =	ssyncset.done $0x0  }
0xe8: {  	[sflag:s18] =	ssyncadd.s32 $0xFFFFF000  }
0xe9: {  	_ =	swait.ge [sflag:s18], $0x1000  }
0xea: {  	[sflag:s18] =	ssyncset.done $0x0  }
0xeb: {  	[sflag:s18] =	ssyncadd.s32 $0xFFFFF000  }
0xec: {  	_ =	swait.ge [sflag:s18], $0x1000  }
.Ltmp21:
0xed: {  	[sflag:s18] =	ssyncset.done $0x0;
	(pc) =	sbr.rel .LBB2_36-.Ltmp21, $4  }
0xee: {  	[sflag:s18] =	ssyncadd.s32 $0xFFFFF000  }
0xef: {  	_ =	swait.ge [sflag:s18], $0x1000  }
0xf0: {  	[sflag:s18] =	ssyncset.done $0x0  }
0xf1: {  	[sflag:s18] =	ssyncadd.s32 $0xFFFFF000  }
.LBB2_38:
0xf2: {  	_ =	sfence.sel $0x180000  }
0xf3: {  	[bflag:$0x0] =	sbarrier.arrive $0xFFFF  }
0xf4: {  	_ =	strace $0x9000004A  }
0xf5: {  	s0 =	stileid.u32;
	[bflag:$0x2] =	sbarrier.arrive $0xFFFF  }
0xf6: {  	p0 =	sne.s32 s0, $0x0;
	s0 =	rddreg [dreg:$0x4]  }
0xf7: {  	s0 =	sadd.s32 @!p0 $0x100000, s0  }
0xf8: {  	[sflag:s0] =	ssyncadd.tile.s32 @!p0 $0x1;
	_ =	shalt  }
.Lfunc_end2:
_tile_overlayer_lowered:
.L_overlay_start_2:
0xf9: {  	(tag) =	ssettag $0x2  }
0xfa: {  	s0 =	rddreg [dreg:$0x0];
	s2 =	stileid.u32  }
0xfb: {  	s1 =	rddreg [dreg:$0x1];
	p0 =	sne.s32 s2, $0x0  }
0xfc: {  	s3 =	rddreg [dreg:$0x2];
	[bflag:$0x3] =	sbarrier.arrive $0xFFFF;
	s2 =	simm.s32 @!p0 $0x1C05  }
0xfd: {  	[timem:s3], [sflag:s2] =	dma.local @!p0 [hbm:s0], s1  }
0xfe: {  	s0 =	simm.s32 @!p0 $0x5  }
0xff: {  	_ =	swait.ge @!p0 [sflag:s0], s1  }
0x100: {  	s1 =	ssub.s32 @!p0 $0x0, s1;
	[sflag:s0] =	ssyncset.done @!p0 $0x0  }
0x101: {  	[sflag:s0] =	ssyncadd.s32 @!p0 s1  }
0x102: {  	[bflag:$0x3] =	sbarrier.arrive $0xFFFF  }
0x103: {  	_ =	shalt  }

</sc_bundles>
